<compile_context>
chip_gen: v7x
topology: tpu7x:2x2x1
jax: 0.10.2.dev20260603
libtpu: 0.0.44.dev20260713+nightly
codegen_flags: <defaults>
</compile_context>

<pallas_src>
import jax
import jax.numpy as jnp
from jax import lax
from jax.experimental import pallas as pl
from jax.experimental.pallas import tpu as pltpu
from jax.experimental.pallas import tpu_sc as plsc

NC, NS, LANES = 2, 16, 16
NW = NC * NS
B, L, D = 4096, 200, 64
N = B * L
C = 128
CPW = N // (NW * C)
VPR = D // LANES
NBUF = 4
NIB = 8
NSB = 2
LA = 3
ROUNDS = CPW // NIB


def _sc_body(x_hbm, table_hbm, pos_hbm, out_hbm, pos_v, ibufs, gbufs,
             sbufs, isems, gsems, ssems):
    wid = lax.axis_index("s") * NC + lax.axis_index("c")
    pltpu.sync_copy(pos_hbm, pos_v)
    row0 = wid * CPW

    def idx_dma(c, ib):
        return pltpu.make_async_copy(
            x_hbm.at[pl.ds((row0 + c) * C, C)], ibufs[ib], isems[ib])

    def gather(ib, gb):
        return pltpu.make_async_copy(
            table_hbm.at[ibufs[ib]], gbufs[gb], gsems[gb])

    def store(c, sb):
        return pltpu.make_async_copy(
            sbufs[sb], out_hbm.at[pl.ds((row0 + c) * C, C)], ssems[sb])


    for ib in range(NIB):
        idx_dma(ib, ib).start()
    for ib in range(LA):
        idx_dma(ib, ib).wait()
        gather(ib, ib % NBUF).start()

    def round_body(r, _):
        for ib in range(NIB):
            c = r * NIB + ib
            gb = ib % NBUF
            sb = ib % NSB
            gather(ib, gb).wait()

            @pl.when(c >= NSB)
            def _():
                store(c - NSB, sb).wait()

            @pl.when(c + NIB < CPW)
            def _():
                idx_dma(c + NIB, ib).start()

            f = c + LA
            ibf = (ib + LA) % NIB
            gbf = (gb + LA) % NBUF

            @pl.when(f < CPW)
            def _():
                idx_dma(f, ibf).wait()
                gather(ibf, gbf).start()

            base = lax.rem(c * C, L)

            def add_row(j):
                p = (base + j) * D
                for q in range(VPR):
                    d0 = q * LANES
                    sbufs[sb][j, pl.ds(d0, LANES)] = (
                        gbufs[gb][j, pl.ds(d0, LANES)]
                        + pos_v[pl.ds(p + d0, LANES)])

            plsc.parallel_loop(0, C, 1, unroll=8)(add_row)

            store(c, sb).start()
        return 0

    lax.fori_loop(0, ROUNDS, round_body, 0)
    for sb in range(NSB):
        store(CPW - NSB + sb, sb).wait()


@jax.jit
def _embed(x_flat, table_pad, pos_dup):
    mesh = plsc.VectorSubcoreMesh(core_axis_name="c", subcore_axis_name="s")
    return pl.kernel(
        _sc_body,
        out_type=jax.ShapeDtypeStruct((N, D), jnp.float32),
        mesh=mesh,
        scratch_types=[
            pltpu.VMEM((2 * L * D,), jnp.float32),
            [pltpu.VMEM((C,), jnp.int32) for _ in range(NIB)],
            [pltpu.VMEM((C, 2 * D), jnp.float32) for _ in range(NBUF)],
            [pltpu.VMEM((C, D), jnp.float32) for _ in range(NSB)],
            [pltpu.SemaphoreType.DMA for _ in range(NIB)],
            [pltpu.SemaphoreType.DMA for _ in range(NBUF)],
            [pltpu.SemaphoreType.DMA for _ in range(NSB)],
        ],
        compiler_params=pltpu.CompilerParams(use_tc_tiling_on_sc=True),
    )(x_flat, table_pad, pos_dup)


def kernel(x, token_table, time_embedding):
    x_flat = x.reshape(-1)
    table_pad = jnp.pad(token_table, ((0, 0), (0, D)))
    pos = jnp.transpose(time_embedding)
    pos_dup = jnp.concatenate([pos, pos], axis=0).reshape(-1)
    out = _embed(x_flat, table_pad, pos_dup)
    return out.reshape(B, L, D)

# --- scband reference (transcript-rebuilt; emitter-appended) ---
"""Pipeline reference for scband-embedding-38689065402620 (READ-ONLY COPY).

The authoritative reference and input builder live on the scoring server;
editing this copy changes nothing except your own understanding.
"""

import jax, jax.numpy as jnp
import numpy as np

VOCAB = 1000000
EMBED_DIM = 64
CONTEXT_LEN = 200
BATCH = 4096

def setup_inputs(seed: int = 0) -> dict:
    key = jax.random.key(seed)
    k1, k2, k3 = jax.random.split(key, 3)
    x = jax.random.randint(k1, (BATCH, CONTEXT_LEN), 0, VOCAB, dtype=jnp.int64 if jax.config.jax_enable_x64 else jnp.int32).astype(jnp.int32)
    token_table = jax.random.normal(k2, (VOCAB, EMBED_DIM), dtype=jnp.float32)
    time_embedding = jax.random.normal(k3, (EMBED_DIM, CONTEXT_LEN), dtype=jnp.float32)
    return {"x": x, "token_table": token_table, "time_embedding": time_embedding}

def reference(x, token_table, time_embedding):
    batch, context_len = x.shape
    time_range = jnp.arange(context_len)
    # time_embedding[:, time_range] -> (embedding_dim, context_len)
    time_embed = time_embedding[:, time_range]                     # (D, L)
    time_embed = jnp.broadcast_to(time_embed[None, :, :], (batch, time_embed.shape[0], context_len))  # (B, D, L)
    token_embed = jnp.take(token_table, x, axis=0)                 # (B, L, D)
    # NOTE: original torch code applies dropout but discards the result (uses token_embed, not the
    # dropped-out tensor), so the faithful translation omits dropout entirely.
    return jnp.transpose(time_embed, (0, 2, 1)) + token_embed      # (B, L, D)

if __name__ == "__main__":
    import jax
    _d = setup_inputs()
    print(jax.jit(kernel)(*tuple(_d.values())))

</pallas_src>

<mosaic_0001>
#map = affine_map<(d0, d1) -> (0)>
#map1 = affine_map<(d0, d1) -> (0, 0)>
module attributes {stable_mosaic.version = 14 : i64} {
  func.func @_sc_body(%arg0: i32, %arg1: i32, %arg2: memref<819200xi32, #tpu.memory_space<hbm>>, %arg3: memref<1000000x128xf32, #tpu.memory_space<hbm>>, %arg4: memref<25600xf32, #tpu.memory_space<hbm>>, %arg5: memref<819200x64xf32, #tpu.memory_space<hbm>>, %arg6: memref<25600xf32, #tpu.memory_space<vmem>>, %arg7: memref<128xi32, #tpu.memory_space<vmem>>, %arg8: memref<128xi32, #tpu.memory_space<vmem>>, %arg9: memref<128xi32, #tpu.memory_space<vmem>>, %arg10: memref<128xi32, #tpu.memory_space<vmem>>, %arg11: memref<128xi32, #tpu.memory_space<vmem>>, %arg12: memref<128xi32, #tpu.memory_space<vmem>>, %arg13: memref<128xi32, #tpu.memory_space<vmem>>, %arg14: memref<128xi32, #tpu.memory_space<vmem>>, %arg15: memref<128x128xf32, #tpu.memory_space<vmem>>, %arg16: memref<128x128xf32, #tpu.memory_space<vmem>>, %arg17: memref<128x128xf32, #tpu.memory_space<vmem>>, %arg18: memref<128x128xf32, #tpu.memory_space<vmem>>, %arg19: memref<128x64xf32, #tpu.memory_space<vmem>>, %arg20: memref<128x64xf32, #tpu.memory_space<vmem>>, %arg21: memref<!tpu.dma_semaphore, #tpu.memory_space<semaphore_mem>>, %arg22: memref<!tpu.dma_semaphore, #tpu.memory_space<semaphore_mem>>, %arg23: memref<!tpu.dma_semaphore, #tpu.memory_space<semaphore_mem>>, %arg24: memref<!tpu.dma_semaphore, #tpu.memory_space<semaphore_mem>>, %arg25: memref<!tpu.dma_semaphore, #tpu.memory_space<semaphore_mem>>, %arg26: memref<!tpu.dma_semaphore, #tpu.memory_space<semaphore_mem>>, %arg27: memref<!tpu.dma_semaphore, #tpu.memory_space<semaphore_mem>>, %arg28: memref<!tpu.dma_semaphore, #tpu.memory_space<semaphore_mem>>, %arg29: memref<!tpu.dma_semaphore, #tpu.memory_space<semaphore_mem>>, %arg30: memref<!tpu.dma_semaphore, #tpu.memory_space<semaphore_mem>>, %arg31: memref<!tpu.dma_semaphore, #tpu.memory_space<semaphore_mem>>, %arg32: memref<!tpu.dma_semaphore, #tpu.memory_space<semaphore_mem>>, %arg33: memref<!tpu.dma_semaphore, #tpu.memory_space<semaphore_mem>>, %arg34: memref<!tpu.dma_semaphore, #tpu.memory_space<semaphore_mem>>) attributes {dimension_semantics = [#tpu.dimension_semantics<core_parallel>, #tpu.dimension_semantics<subcore_parallel>], iteration_bounds = array<i64: 2, 16>, scalar_prefetch = 0 : i64, scratch_operands = 29 : i64, tpu.core_type = #tpu.core_type<sc_vector_subcore>, window_params = [{transform_indices = #map}, {transform_indices = #map1}, {transform_indices = #map}, {transform_indices = #map1}]} {
    %mul3A = arith.constant 2 : i32
    %mul3A_0 = arith.muli %arg1, %mul3A : i32
    %add3A = arith.addi %mul3A_0, %arg0 : i32
    "tpu.region"() ({
      %run_scoped3A = tpu.sem_alloc : memref<!tpu.dma_semaphore, #tpu.memory_space<semaphore_mem>>
      tpu.enqueue_dma source(%arg4 : memref<25600xf32, #tpu.memory_space<hbm>>) target(%arg6 : memref<25600xf32, #tpu.memory_space<vmem>>) target_semaphore(%run_scoped3A : memref<!tpu.dma_semaphore, #tpu.memory_space<semaphore_mem>>)
      tpu.wait_dma2 semaphore(%run_scoped3A : memref<!tpu.dma_semaphore, #tpu.memory_space<semaphore_mem>>) src(%arg4 : memref<25600xf32, #tpu.memory_space<hbm>>) dst(%arg6 : memref<25600xf32, #tpu.memory_space<vmem>>)
      tpu.yield
    }) : () -> ()
    %mul3A_1 = arith.constant 200 : i32
    %mul3A_2 = arith.muli %add3A, %mul3A_1 : i32
    %add3A_3 = arith.constant 0 : i32
    %add3A_4 = arith.addi %mul3A_2, %add3A_3 : i32
    %mul3A_5 = arith.constant 128 : i32
    %mul3A_6 = arith.muli %add3A_4, %mul3A_5 : i32
    %dma_start3A = tpu.memref_slice %arg2[%mul3A_6] : memref<819200xi32, #tpu.memory_space<hbm>> -> memref<128xi32, #tpu.memory_space<hbm>>
    %dma_start3A_7 = tpu.memref_slice %arg2[%mul3A_6] : memref<819200xi32, #tpu.memory_space<hbm>> -> memref<128xi32, #tpu.memory_space<hbm>>
    tpu.enqueue_dma source(%dma_start3A_7 : memref<128xi32, #tpu.memory_space<hbm>>) target(%arg7 : memref<128xi32, #tpu.memory_space<vmem>>) target_semaphore(%arg21 : memref<!tpu.dma_semaphore, #tpu.memory_space<semaphore_mem>>)
    %add3A_8 = arith.constant 1 : i32
    %add3A_9 = arith.addi %mul3A_2, %add3A_8 : i32
    %mul3A_10 = arith.constant 128 : i32
    %mul3A_11 = arith.muli %add3A_9, %mul3A_10 : i32
    %dma_start3A_12 = tpu.memref_slice %arg2[%mul3A_11] : memref<819200xi32, #tpu.memory_space<hbm>> -> memref<128xi32, #tpu.memory_space<hbm>>
    %dma_start3A_13 = tpu.memref_slice %arg2[%mul3A_11] : memref<819200xi32, #tpu.memory_space<hbm>> -> memref<128xi32, #tpu.memory_space<hbm>>
    tpu.enqueue_dma source(%dma_start3A_13 : memref<128xi32, #tpu.memory_space<hbm>>) target(%arg8 : memref<128xi32, #tpu.memory_space<vmem>>) target_semaphore(%arg22 : memref<!tpu.dma_semaphore, #tpu.memory_space<semaphore_mem>>)
    %add3A_14 = arith.constant 2 : i32
    %add3A_15 = arith.addi %mul3A_2, %add3A_14 : i32
    %mul3A_16 = arith.constant 128 : i32
    %mul3A_17 = arith.muli %add3A_15, %mul3A_16 : i32
    %dma_start3A_18 = tpu.memref_slice %arg2[%mul3A_17] : memref<819200xi32, #tpu.memory_space<hbm>> -> memref<128xi32, #tpu.memory_space<hbm>>
    %dma_start3A_19 = tpu.memref_slice %arg2[%mul3A_17] : memref<819200xi32, #tpu.memory_space<hbm>> -> memref<128xi32, #tpu.memory_space<hbm>>
    tpu.enqueue_dma source(%dma_start3A_19 : memref<128xi32, #tpu.memory_space<hbm>>) target(%arg9 : memref<128xi32, #tpu.memory_space<vmem>>) target_semaphore(%arg23 : memref<!tpu.dma_semaphore, #tpu.memory_space<semaphore_mem>>)
    %add3A_20 = arith.constant 3 : i32
    %add3A_21 = arith.addi %mul3A_2, %add3A_20 : i32
    %mul3A_22 = arith.constant 128 : i32
    %mul3A_23 = arith.muli %add3A_21, %mul3A_22 : i32
    %dma_start3A_24 = tpu.memref_slice %arg2[%mul3A_23] : memref<819200xi32, #tpu.memory_space<hbm>> -> memref<128xi32, #tpu.memory_space<hbm>>
    %dma_start3A_25 = tpu.memref_slice %arg2[%mul3A_23] : memref<819200xi32, #tpu.memory_space<hbm>> -> memref<128xi32, #tpu.memory_space<hbm>>
    tpu.enqueue_dma source(%dma_start3A_25 : memref<128xi32, #tpu.memory_space<hbm>>) target(%arg10 : memref<128xi32, #tpu.memory_space<vmem>>) target_semaphore(%arg24 : memref<!tpu.dma_semaphore, #tpu.memory_space<semaphore_mem>>)
    %add3A_26 = arith.constant 4 : i32
    %add3A_27 = arith.addi %mul3A_2, %add3A_26 : i32
    %mul3A_28 = arith.constant 128 : i32
    %mul3A_29 = arith.muli %add3A_27, %mul3A_28 : i32
    %dma_start3A_30 = tpu.memref_slice %arg2[%mul3A_29] : memref<819200xi32, #tpu.memory_space<hbm>> -> memref<128xi32, #tpu.memory_space<hbm>>
    %dma_start3A_31 = tpu.memref_slice %arg2[%mul3A_29] : memref<819200xi32, #tpu.memory_space<hbm>> -> memref<128xi32, #tpu.memory_space<hbm>>
    tpu.enqueue_dma source(%dma_start3A_31 : memref<128xi32, #tpu.memory_space<hbm>>) target(%arg11 : memref<128xi32, #tpu.memory_space<vmem>>) target_semaphore(%arg25 : memref<!tpu.dma_semaphore, #tpu.memory_space<semaphore_mem>>)
    %add3A_32 = arith.constant 5 : i32
    %add3A_33 = arith.addi %mul3A_2, %add3A_32 : i32
    %mul3A_34 = arith.constant 128 : i32
    %mul3A_35 = arith.muli %add3A_33, %mul3A_34 : i32
    %dma_start3A_36 = tpu.memref_slice %arg2[%mul3A_35] : memref<819200xi32, #tpu.memory_space<hbm>> -> memref<128xi32, #tpu.memory_space<hbm>>
    %dma_start3A_37 = tpu.memref_slice %arg2[%mul3A_35] : memref<819200xi32, #tpu.memory_space<hbm>> -> memref<128xi32, #tpu.memory_space<hbm>>
    tpu.enqueue_dma source(%dma_start3A_37 : memref<128xi32, #tpu.memory_space<hbm>>) target(%arg12 : memref<128xi32, #tpu.memory_space<vmem>>) target_semaphore(%arg26 : memref<!tpu.dma_semaphore, #tpu.memory_space<semaphore_mem>>)
    %add3A_38 = arith.constant 6 : i32
    %add3A_39 = arith.addi %mul3A_2, %add3A_38 : i32
    %mul3A_40 = arith.constant 128 : i32
    %mul3A_41 = arith.muli %add3A_39, %mul3A_40 : i32
    %dma_start3A_42 = tpu.memref_slice %arg2[%mul3A_41] : memref<819200xi32, #tpu.memory_space<hbm>> -> memref<128xi32, #tpu.memory_space<hbm>>
    %dma_start3A_43 = tpu.memref_slice %arg2[%mul3A_41] : memref<819200xi32, #tpu.memory_space<hbm>> -> memref<128xi32, #tpu.memory_space<hbm>>
    tpu.enqueue_dma source(%dma_start3A_43 : memref<128xi32, #tpu.memory_space<hbm>>) target(%arg13 : memref<128xi32, #tpu.memory_space<vmem>>) target_semaphore(%arg27 : memref<!tpu.dma_semaphore, #tpu.memory_space<semaphore_mem>>)
    %add3A_44 = arith.constant 7 : i32
    %add3A_45 = arith.addi %mul3A_2, %add3A_44 : i32
    %mul3A_46 = arith.constant 128 : i32
    %mul3A_47 = arith.muli %add3A_45, %mul3A_46 : i32
    %dma_start3A_48 = tpu.memref_slice %arg2[%mul3A_47] : memref<819200xi32, #tpu.memory_space<hbm>> -> memref<128xi32, #tpu.memory_space<hbm>>
    %dma_start3A_49 = tpu.memref_slice %arg2[%mul3A_47] : memref<819200xi32, #tpu.memory_space<hbm>> -> memref<128xi32, #tpu.memory_space<hbm>>
    tpu.enqueue_dma source(%dma_start3A_49 : memref<128xi32, #tpu.memory_space<hbm>>) target(%arg14 : memref<128xi32, #tpu.memory_space<vmem>>) target_semaphore(%arg28 : memref<!tpu.dma_semaphore, #tpu.memory_space<semaphore_mem>>)
    %add3A_50 = arith.constant 0 : i32
    %add3A_51 = arith.addi %mul3A_2, %add3A_50 : i32
    %mul3A_52 = arith.constant 128 : i32
    %mul3A_53 = arith.muli %add3A_51, %mul3A_52 : i32
    %dma_wait3A = tpu.memref_slice %arg2[%mul3A_53] : memref<819200xi32, #tpu.memory_space<hbm>> -> memref<128xi32, #tpu.memory_space<hbm>>
    %dma_wait3A_54 = tpu.memref_slice %arg2[%mul3A_53] : memref<819200xi32, #tpu.memory_space<hbm>> -> memref<128xi32, #tpu.memory_space<hbm>>
    tpu.wait_dma2 semaphore(%arg21 : memref<!tpu.dma_semaphore, #tpu.memory_space<semaphore_mem>>) src(%dma_wait3A_54 : memref<128xi32, #tpu.memory_space<hbm>>) dst(%arg7 : memref<128xi32, #tpu.memory_space<vmem>>)
    %dma_start3A_55 = arith.constant 0 : i32
    %dma_start3A_56 = arith.constant 0 : i32
    %dma_start3A_57 = tpu.memref_slice %arg3[%dma_start3A_55, %dma_start3A_56] : memref<1000000x128xf32, #tpu.memory_space<hbm>> -> memref<1000000x128xf32, #tpu.memory_space<hbm>>
    tpu.enqueue_indirect_dma source(%dma_start3A_57 : memref<1000000x128xf32, #tpu.memory_space<hbm>>) target(%arg15 : memref<128x128xf32, #tpu.memory_space<vmem>>) offsets(%arg7 : memref<128xi32, #tpu.memory_space<vmem>>) semaphore(%arg29 : memref<!tpu.dma_semaphore, #tpu.memory_space<semaphore_mem>>)
    %add3A_58 = arith.constant 1 : i32
    %add3A_59 = arith.addi %mul3A_2, %add3A_58 : i32
    %mul3A_60 = arith.constant 128 : i32
    %mul3A_61 = arith.muli %add3A_59, %mul3A_60 : i32
    %dma_wait3A_62 = tpu.memref_slice %arg2[%mul3A_61] : memref<819200xi32, #tpu.memory_space<hbm>> -> memref<128xi32, #tpu.memory_space<hbm>>
    %dma_wait3A_63 = tpu.memref_slice %arg2[%mul3A_61] : memref<819200xi32, #tpu.memory_space<hbm>> -> memref<128xi32, #tpu.memory_space<hbm>>
    tpu.wait_dma2 semaphore(%arg22 : memref<!tpu.dma_semaphore, #tpu.memory_space<semaphore_mem>>) src(%dma_wait3A_63 : memref<128xi32, #tpu.memory_space<hbm>>) dst(%arg8 : memref<128xi32, #tpu.memory_space<vmem>>)
    %dma_start3A_64 = arith.constant 0 : i32
    %dma_start3A_65 = arith.constant 0 : i32
    %dma_start3A_66 = tpu.memref_slice %arg3[%dma_start3A_64, %dma_start3A_65] : memref<1000000x128xf32, #tpu.memory_space<hbm>> -> memref<1000000x128xf32, #tpu.memory_space<hbm>>
    tpu.enqueue_indirect_dma source(%dma_start3A_66 : memref<1000000x128xf32, #tpu.memory_space<hbm>>) target(%arg16 : memref<128x128xf32, #tpu.memory_space<vmem>>) offsets(%arg8 : memref<128xi32, #tpu.memory_space<vmem>>) semaphore(%arg30 : memref<!tpu.dma_semaphore, #tpu.memory_space<semaphore_mem>>)
    %add3A_67 = arith.constant 2 : i32
    %add3A_68 = arith.addi %mul3A_2, %add3A_67 : i32
    %mul3A_69 = arith.constant 128 : i32
    %mul3A_70 = arith.muli %add3A_68, %mul3A_69 : i32
    %dma_wait3A_71 = tpu.memref_slice %arg2[%mul3A_70] : memref<819200xi32, #tpu.memory_space<hbm>> -> memref<128xi32, #tpu.memory_space<hbm>>
    %dma_wait3A_72 = tpu.memref_slice %arg2[%mul3A_70] : memref<819200xi32, #tpu.memory_space<hbm>> -> memref<128xi32, #tpu.memory_space<hbm>>
    tpu.wait_dma2 semaphore(%arg23 : memref<!tpu.dma_semaphore, #tpu.memory_space<semaphore_mem>>) src(%dma_wait3A_72 : memref<128xi32, #tpu.memory_space<hbm>>) dst(%arg9 : memref<128xi32, #tpu.memory_space<vmem>>)
    %dma_start3A_73 = arith.constant 0 : i32
    %dma_start3A_74 = arith.constant 0 : i32
    %dma_start3A_75 = tpu.memref_slice %arg3[%dma_start3A_73, %dma_start3A_74] : memref<1000000x128xf32, #tpu.memory_space<hbm>> -> memref<1000000x128xf32, #tpu.memory_space<hbm>>
    tpu.enqueue_indirect_dma source(%dma_start3A_75 : memref<1000000x128xf32, #tpu.memory_space<hbm>>) target(%arg17 : memref<128x128xf32, #tpu.memory_space<vmem>>) offsets(%arg9 : memref<128xi32, #tpu.memory_space<vmem>>) semaphore(%arg31 : memref<!tpu.dma_semaphore, #tpu.memory_space<semaphore_mem>>)
    %scan3A = arith.constant 0 : i32
    %scan3A_76 = arith.constant 0 : i32
    %scan3A_77 = arith.constant 25 : i32
    %scan3A_78 = arith.addi %scan3A_76, %scan3A_77 : i32
    %scan3A_79 = arith.constant 1 : i32
    %scan3A_80 = scf.for %scan3A_98 = %scan3A_76 to %scan3A_78 step %scan3A_79 iter_args(%scan3A_99 = %scan3A) -> (i32)  : i32 {
      %mul3A_100 = arith.constant 8 : i32
      %mul3A_101 = arith.muli %scan3A_98, %mul3A_100 : i32
      %add3A_102 = arith.constant 0 : i32
      %add3A_103 = arith.addi %mul3A_101, %add3A_102 : i32
      %dma_wait3A_104 = arith.constant 0 : i32
      %dma_wait3A_105 = arith.constant 0 : i32
      %dma_wait3A_106 = tpu.memref_slice %arg3[%dma_wait3A_104, %dma_wait3A_105] : memref<1000000x128xf32, #tpu.memory_space<hbm>> -> memref<1000000x128xf32, #tpu.memory_space<hbm>>
      tpu.wait_indirect_dma semaphore(%arg29 : memref<!tpu.dma_semaphore, #tpu.memory_space<semaphore_mem>>) src(%dma_wait3A_106 : memref<1000000x128xf32, #tpu.memory_space<hbm>>) dst(%arg15 : memref<128x128xf32, #tpu.memory_space<vmem>>)
      %ge3A = arith.constant 2 : i32
      %ge3A_107 = arith.cmpi sge, %add3A_103, %ge3A : i32
      %convert_element_type3A = arith.extui %ge3A_107 : i1 to i32
      %cond3A = arith.constant 0 : i32
      %cond3A_108 = arith.cmpi ne, %convert_element_type3A, %cond3A : i32
      scf.if %cond3A_108 {
        %sub3A = arith.constant 2 : i32
        %sub3A_415 = arith.subi %add3A_103, %sub3A : i32
        %add3A_416 = arith.addi %mul3A_2, %sub3A_415 : i32
        %mul3A_417 = arith.constant 128 : i32
        %mul3A_418 = arith.muli %add3A_416, %mul3A_417 : i32
        %dma_wait3A_419 = arith.constant 0 : i32
        %dma_wait3A_420 = tpu.memref_slice %arg5[%mul3A_418, %dma_wait3A_419] : memref<819200x64xf32, #tpu.memory_space<hbm>> -> memref<128x64xf32, #tpu.memory_space<hbm>>
        %dma_wait3A_421 = arith.constant 0 : i32
        %dma_wait3A_422 = tpu.memref_slice %arg5[%mul3A_418, %dma_wait3A_421] : memref<819200x64xf32, #tpu.memory_space<hbm>> -> memref<128x64xf32, #tpu.memory_space<hbm>>
        tpu.wait_dma2 semaphore(%arg33 : memref<!tpu.dma_semaphore, #tpu.memory_space<semaphore_mem>>) src(%arg19 : memref<128x64xf32, #tpu.memory_space<vmem>>) dst(%dma_wait3A_422 : memref<128x64xf32, #tpu.memory_space<hbm>>)
      } else {
      }
      %add3A_109 = arith.constant 8 : i32
      %add3A_110 = arith.addi %add3A_103, %add3A_109 : i32
      %lt3A = arith.constant 200 : i32
      %lt3A_111 = arith.cmpi slt, %add3A_110, %lt3A : i32
      %convert_element_type3A_112 = arith.extui %lt3A_111 : i1 to i32
      %cond3A_113 = arith.constant 0 : i32
      %cond3A_114 = arith.cmpi ne, %convert_element_type3A_112, %cond3A_113 : i32
      scf.if %cond3A_114 {
        %add3A_415 = arith.constant 8 : i32
        %add3A_416 = arith.addi %add3A_103, %add3A_415 : i32
        %add3A_417 = arith.addi %mul3A_2, %add3A_416 : i32
        %mul3A_418 = arith.constant 128 : i32
        %mul3A_419 = arith.muli %add3A_417, %mul3A_418 : i32
        %dma_start3A_420 = tpu.memref_slice %arg2[%mul3A_419] : memref<819200xi32, #tpu.memory_space<hbm>> -> memref<128xi32, #tpu.memory_space<hbm>>
        %dma_start3A_421 = tpu.memref_slice %arg2[%mul3A_419] : memref<819200xi32, #tpu.memory_space<hbm>> -> memref<128xi32, #tpu.memory_space<hbm>>
        tpu.enqueue_dma source(%dma_start3A_421 : memref<128xi32, #tpu.memory_space<hbm>>) target(%arg7 : memref<128xi32, #tpu.memory_space<vmem>>) target_semaphore(%arg21 : memref<!tpu.dma_semaphore, #tpu.memory_space<semaphore_mem>>)
      } else {
      }
      %add3A_115 = arith.constant 3 : i32
      %add3A_116 = arith.addi %add3A_103, %add3A_115 : i32
      %lt3A_117 = arith.constant 200 : i32
      %lt3A_118 = arith.cmpi slt, %add3A_116, %lt3A_117 : i32
      %convert_element_type3A_119 = arith.extui %lt3A_118 : i1 to i32
      %cond3A_120 = arith.constant 0 : i32
      %cond3A_121 = arith.cmpi ne, %convert_element_type3A_119, %cond3A_120 : i32
      scf.if %cond3A_121 {
        %add3A_415 = arith.addi %mul3A_2, %add3A_116 : i32
        %mul3A_416 = arith.constant 128 : i32
        %mul3A_417 = arith.muli %add3A_415, %mul3A_416 : i32
        %dma_wait3A_418 = tpu.memref_slice %arg2[%mul3A_417] : memref<819200xi32, #tpu.memory_space<hbm>> -> memref<128xi32, #tpu.memory_space<hbm>>
        %dma_wait3A_419 = tpu.memref_slice %arg2[%mul3A_417] : memref<819200xi32, #tpu.memory_space<hbm>> -> memref<128xi32, #tpu.memory_space<hbm>>
        tpu.wait_dma2 semaphore(%arg24 : memref<!tpu.dma_semaphore, #tpu.memory_space<semaphore_mem>>) src(%dma_wait3A_419 : memref<128xi32, #tpu.memory_space<hbm>>) dst(%arg10 : memref<128xi32, #tpu.memory_space<vmem>>)
        %dma_start3A_420 = arith.constant 0 : i32
        %dma_start3A_421 = arith.constant 0 : i32
        %dma_start3A_422 = tpu.memref_slice %arg3[%dma_start3A_420, %dma_start3A_421] : memref<1000000x128xf32, #tpu.memory_space<hbm>> -> memref<1000000x128xf32, #tpu.memory_space<hbm>>
        tpu.enqueue_indirect_dma source(%dma_start3A_422 : memref<1000000x128xf32, #tpu.memory_space<hbm>>) target(%arg18 : memref<128x128xf32, #tpu.memory_space<vmem>>) offsets(%arg10 : memref<128xi32, #tpu.memory_space<vmem>>) semaphore(%arg32 : memref<!tpu.dma_semaphore, #tpu.memory_space<semaphore_mem>>)
      } else {
      }
      %mul3A_122 = arith.constant 128 : i32
      %mul3A_123 = arith.muli %add3A_103, %mul3A_122 : i32
      %rem3A = arith.constant 200 : i32
      %rem3A_124 = arith.remsi %mul3A_123, %rem3A : i32
      %parallel_loop3A = arith.constant 0 : i32
      %parallel_loop3A_125 = arith.constant 128 : i32
      %parallel_loop3A_126 = arith.constant 1 : i32
      scf.for %parallel_loop3A_415 = %parallel_loop3A to %parallel_loop3A_125 step %parallel_loop3A_126  : i32 {
        %parallel_loop3A_416 = arith.addi %rem3A_124, %parallel_loop3A_415 : i32
        %parallel_loop3A_417 = arith.constant 64 : i32
        %parallel_loop3A_418 = arith.muli %parallel_loop3A_416, %parallel_loop3A_417 : i32
        %parallel_loop3A_419 = arith.index_cast %parallel_loop3A_415 : i32 to index
        %parallel_loop3A_420 = arith.constant 0 : index
        %parallel_loop3A_421 = tpu.vector_load %arg15[%parallel_loop3A_419, %parallel_loop3A_420] {strides = array<i32>} : memref<128x128xf32, #tpu.memory_space<vmem>>, vector<1x16xf32>,
        %parallel_loop3A_422 = vector.shape_cast %parallel_loop3A_421 : vector<1x16xf32> to vector<16xf32>
        %parallel_loop3A_423 = arith.constant 0 : i32
        %parallel_loop3A_424 = arith.addi %parallel_loop3A_418, %parallel_loop3A_423 : i32
        %parallel_loop3A_425 = arith.index_cast %parallel_loop3A_424 : i32 to index
        %parallel_loop3A_426 = tpu.vector_load %arg6[%parallel_loop3A_425] {strides = array<i32>} : memref<25600xf32, #tpu.memory_space<vmem>>, vector<16xf32>,
        %parallel_loop3A_427 = vector.shape_cast %parallel_loop3A_426 : vector<16xf32> to vector<16xf32>
        %parallel_loop3A_428 = arith.addf %parallel_loop3A_422, %parallel_loop3A_427 : vector<16xf32>
        %parallel_loop3A_429 = arith.index_cast %parallel_loop3A_415 : i32 to index
        %parallel_loop3A_430 = arith.constant 0 : index
        %parallel_loop3A_431 = tpu.vector_load %arg19[%parallel_loop3A_429, %parallel_loop3A_430] {strides = array<i32>} : memref<128x64xf32, #tpu.memory_space<vmem>>, vector<1x16xf32>,
        %parallel_loop3A_432 = vector.shape_cast %parallel_loop3A_431 : vector<1x16xf32> to vector<16xf32>
        %parallel_loop3A_433 = vector.shape_cast %parallel_loop3A_428 : vector<16xf32> to vector<1x16xf32>
        tpu.vector_store %arg19[%parallel_loop3A_429, %parallel_loop3A_430], %parallel_loop3A_433 {strides = array<i32>} : memref<128x64xf32, #tpu.memory_space<vmem>>, vector<1x16xf32>,
        %parallel_loop3A_434 = arith.index_cast %parallel_loop3A_415 : i32 to index
        %parallel_loop3A_435 = arith.constant 16 : index
        %parallel_loop3A_436 = tpu.vector_load %arg15[%parallel_loop3A_434, %parallel_loop3A_435] {strides = array<i32>} : memref<128x128xf32, #tpu.memory_space<vmem>>, vector<1x16xf32>,
        %parallel_loop3A_437 = vector.shape_cast %parallel_loop3A_436 : vector<1x16xf32> to vector<16xf32>
        %parallel_loop3A_438 = arith.constant 16 : i32
        %parallel_loop3A_439 = arith.addi %parallel_loop3A_418, %parallel_loop3A_438 : i32
        %parallel_loop3A_440 = arith.index_cast %parallel_loop3A_439 : i32 to index
        %parallel_loop3A_441 = tpu.vector_load %arg6[%parallel_loop3A_440] {strides = array<i32>} : memref<25600xf32, #tpu.memory_space<vmem>>, vector<16xf32>,
        %parallel_loop3A_442 = vector.shape_cast %parallel_loop3A_441 : vector<16xf32> to vector<16xf32>
        %parallel_loop3A_443 = arith.addf %parallel_loop3A_437, %parallel_loop3A_442 : vector<16xf32>
        %parallel_loop3A_444 = arith.index_cast %parallel_loop3A_415 : i32 to index
        %parallel_loop3A_445 = arith.constant 16 : index
        %parallel_loop3A_446 = tpu.vector_load %arg19[%parallel_loop3A_444, %parallel_loop3A_445] {strides = array<i32>} : memref<128x64xf32, #tpu.memory_space<vmem>>, vector<1x16xf32>,
        %parallel_loop3A_447 = vector.shape_cast %parallel_loop3A_446 : vector<1x16xf32> to vector<16xf32>
        %parallel_loop3A_448 = vector.shape_cast %parallel_loop3A_443 : vector<16xf32> to vector<1x16xf32>
        tpu.vector_store %arg19[%parallel_loop3A_444, %parallel_loop3A_445], %parallel_loop3A_448 {strides = array<i32>} : memref<128x64xf32, #tpu.memory_space<vmem>>, vector<1x16xf32>,
        %parallel_loop3A_449 = arith.index_cast %parallel_loop3A_415 : i32 to index
        %parallel_loop3A_450 = arith.constant 32 : index
        %parallel_loop3A_451 = tpu.vector_load %arg15[%parallel_loop3A_449, %parallel_loop3A_450] {strides = array<i32>} : memref<128x128xf32, #tpu.memory_space<vmem>>, vector<1x16xf32>,
        %parallel_loop3A_452 = vector.shape_cast %parallel_loop3A_451 : vector<1x16xf32> to vector<16xf32>
        %parallel_loop3A_453 = arith.constant 32 : i32
        %parallel_loop3A_454 = arith.addi %parallel_loop3A_418, %parallel_loop3A_453 : i32
        %parallel_loop3A_455 = arith.index_cast %parallel_loop3A_454 : i32 to index
        %parallel_loop3A_456 = tpu.vector_load %arg6[%parallel_loop3A_455] {strides = array<i32>} : memref<25600xf32, #tpu.memory_space<vmem>>, vector<16xf32>,
        %parallel_loop3A_457 = vector.shape_cast %parallel_loop3A_456 : vector<16xf32> to vector<16xf32>
        %parallel_loop3A_458 = arith.addf %parallel_loop3A_452, %parallel_loop3A_457 : vector<16xf32>
        %parallel_loop3A_459 = arith.index_cast %parallel_loop3A_415 : i32 to index
        %parallel_loop3A_460 = arith.constant 32 : index
        %parallel_loop3A_461 = tpu.vector_load %arg19[%parallel_loop3A_459, %parallel_loop3A_460] {strides = array<i32>} : memref<128x64xf32, #tpu.memory_space<vmem>>, vector<1x16xf32>,
        %parallel_loop3A_462 = vector.shape_cast %parallel_loop3A_461 : vector<1x16xf32> to vector<16xf32>
        %parallel_loop3A_463 = vector.shape_cast %parallel_loop3A_458 : vector<16xf32> to vector<1x16xf32>
        tpu.vector_store %arg19[%parallel_loop3A_459, %parallel_loop3A_460], %parallel_loop3A_463 {strides = array<i32>} : memref<128x64xf32, #tpu.memory_space<vmem>>, vector<1x16xf32>,
        %parallel_loop3A_464 = arith.index_cast %parallel_loop3A_415 : i32 to index
        %parallel_loop3A_465 = arith.constant 48 : index
        %parallel_loop3A_466 = tpu.vector_load %arg15[%parallel_loop3A_464, %parallel_loop3A_465] {strides = array<i32>} : memref<128x128xf32, #tpu.memory_space<vmem>>, vector<1x16xf32>,
        %parallel_loop3A_467 = vector.shape_cast %parallel_loop3A_466 : vector<1x16xf32> to vector<16xf32>
        %parallel_loop3A_468 = arith.constant 48 : i32
        %parallel_loop3A_469 = arith.addi %parallel_loop3A_418, %parallel_loop3A_468 : i32
        %parallel_loop3A_470 = arith.index_cast %parallel_loop3A_469 : i32 to index
        %parallel_loop3A_471 = tpu.vector_load %arg6[%parallel_loop3A_470] {strides = array<i32>} : memref<25600xf32, #tpu.memory_space<vmem>>, vector<16xf32>,
        %parallel_loop3A_472 = vector.shape_cast %parallel_loop3A_471 : vector<16xf32> to vector<16xf32>
        %parallel_loop3A_473 = arith.addf %parallel_loop3A_467, %parallel_loop3A_472 : vector<16xf32>
        %parallel_loop3A_474 = arith.index_cast %parallel_loop3A_415 : i32 to index
        %parallel_loop3A_475 = arith.constant 48 : index
        %parallel_loop3A_476 = tpu.vector_load %arg19[%parallel_loop3A_474, %parallel_loop3A_475] {strides = array<i32>} : memref<128x64xf32, #tpu.memory_space<vmem>>, vector<1x16xf32>,
        %parallel_loop3A_477 = vector.shape_cast %parallel_loop3A_476 : vector<1x16xf32> to vector<16xf32>
        %parallel_loop3A_478 = vector.shape_cast %parallel_loop3A_473 : vector<16xf32> to vector<1x16xf32>
        tpu.vector_store %arg19[%parallel_loop3A_474, %parallel_loop3A_475], %parallel_loop3A_478 {strides = array<i32>} : memref<128x64xf32, #tpu.memory_space<vmem>>, vector<1x16xf32>,
      } {sc.loop_unroll_factor = 8 : i64, sc.parallel_access}
      %add3A_127 = arith.addi %mul3A_2, %add3A_103 : i32
      %mul3A_128 = arith.constant 128 : i32
      %mul3A_129 = arith.muli %add3A_127, %mul3A_128 : i32
      %dma_start3A_130 = arith.constant 0 : i32
      %dma_start3A_131 = tpu.memref_slice %arg5[%mul3A_129, %dma_start3A_130] : memref<819200x64xf32, #tpu.memory_space<hbm>> -> memref<128x64xf32, #tpu.memory_space<hbm>>
      %dma_start3A_132 = arith.constant 0 : i32
      %dma_start3A_133 = tpu.memref_slice %arg5[%mul3A_129, %dma_start3A_132] : memref<819200x64xf32, #tpu.memory_space<hbm>> -> memref<128x64xf32, #tpu.memory_space<hbm>>
      tpu.enqueue_dma source(%arg19 : memref<128x64xf32, #tpu.memory_space<vmem>>) target(%dma_start3A_133 : memref<128x64xf32, #tpu.memory_space<hbm>>) target_semaphore(%arg33 : memref<!tpu.dma_semaphore, #tpu.memory_space<semaphore_mem>>)
      %mul3A_134 = arith.constant 8 : i32
      %mul3A_135 = arith.muli %scan3A_98, %mul3A_134 : i32
      %add3A_136 = arith.constant 1 : i32
      %add3A_137 = arith.addi %mul3A_135, %add3A_136 : i32
      %dma_wait3A_138 = arith.constant 0 : i32
      %dma_wait3A_139 = arith.constant 0 : i32
      %dma_wait3A_140 = tpu.memref_slice %arg3[%dma_wait3A_138, %dma_wait3A_139] : memref<1000000x128xf32, #tpu.memory_space<hbm>> -> memref<1000000x128xf32, #tpu.memory_space<hbm>>
      tpu.wait_indirect_dma semaphore(%arg30 : memref<!tpu.dma_semaphore, #tpu.memory_space<semaphore_mem>>) src(%dma_wait3A_140 : memref<1000000x128xf32, #tpu.memory_space<hbm>>) dst(%arg16 : memref<128x128xf32, #tpu.memory_space<vmem>>)
      %ge3A_141 = arith.constant 2 : i32
      %ge3A_142 = arith.cmpi sge, %add3A_137, %ge3A_141 : i32
      %convert_element_type3A_143 = arith.extui %ge3A_142 : i1 to i32
      %cond3A_144 = arith.constant 0 : i32
      %cond3A_145 = arith.cmpi ne, %convert_element_type3A_143, %cond3A_144 : i32
      scf.if %cond3A_145 {
        %sub3A = arith.constant 2 : i32
        %sub3A_415 = arith.subi %add3A_137, %sub3A : i32
        %add3A_416 = arith.addi %mul3A_2, %sub3A_415 : i32
        %mul3A_417 = arith.constant 128 : i32
        %mul3A_418 = arith.muli %add3A_416, %mul3A_417 : i32
        %dma_wait3A_419 = arith.constant 0 : i32
        %dma_wait3A_420 = tpu.memref_slice %arg5[%mul3A_418, %dma_wait3A_419] : memref<819200x64xf32, #tpu.memory_space<hbm>> -> memref<128x64xf32, #tpu.memory_space<hbm>>
        %dma_wait3A_421 = arith.constant 0 : i32
        %dma_wait3A_422 = tpu.memref_slice %arg5[%mul3A_418, %dma_wait3A_421] : memref<819200x64xf32, #tpu.memory_space<hbm>> -> memref<128x64xf32, #tpu.memory_space<hbm>>
        tpu.wait_dma2 semaphore(%arg34 : memref<!tpu.dma_semaphore, #tpu.memory_space<semaphore_mem>>) src(%arg20 : memref<128x64xf32, #tpu.memory_space<vmem>>) dst(%dma_wait3A_422 : memref<128x64xf32, #tpu.memory_space<hbm>>)
      } else {
      }
      %add3A_146 = arith.constant 8 : i32
      %add3A_147 = arith.addi %add3A_137, %add3A_146 : i32
      %lt3A_148 = arith.constant 200 : i32
      %lt3A_149 = arith.cmpi slt, %add3A_147, %lt3A_148 : i32
      %convert_element_type3A_150 = arith.extui %lt3A_149 : i1 to i32
      %cond3A_151 = arith.constant 0 : i32
      %cond3A_152 = arith.cmpi ne, %convert_element_type3A_150, %cond3A_151 : i32
      scf.if %cond3A_152 {
        %add3A_415 = arith.constant 8 : i32
        %add3A_416 = arith.addi %add3A_137, %add3A_415 : i32
        %add3A_417 = arith.addi %mul3A_2, %add3A_416 : i32
        %mul3A_418 = arith.constant 128 : i32
        %mul3A_419 = arith.muli %add3A_417, %mul3A_418 : i32
        %dma_start3A_420 = tpu.memref_slice %arg2[%mul3A_419] : memref<819200xi32, #tpu.memory_space<hbm>> -> memref<128xi32, #tpu.memory_space<hbm>>
        %dma_start3A_421 = tpu.memref_slice %arg2[%mul3A_419] : memref<819200xi32, #tpu.memory_space<hbm>> -> memref<128xi32, #tpu.memory_space<hbm>>
        tpu.enqueue_dma source(%dma_start3A_421 : memref<128xi32, #tpu.memory_space<hbm>>) target(%arg8 : memref<128xi32, #tpu.memory_space<vmem>>) target_semaphore(%arg22 : memref<!tpu.dma_semaphore, #tpu.memory_space<semaphore_mem>>)
      } else {
      }
      %add3A_153 = arith.constant 3 : i32
      %add3A_154 = arith.addi %add3A_137, %add3A_153 : i32
      %lt3A_155 = arith.constant 200 : i32
      %lt3A_156 = arith.cmpi slt, %add3A_154, %lt3A_155 : i32
      %convert_element_type3A_157 = arith.extui %lt3A_156 : i1 to i32
      %cond3A_158 = arith.constant 0 : i32
      %cond3A_159 = arith.cmpi ne, %convert_element_type3A_157, %cond3A_158 : i32
      scf.if %cond3A_159 {
        %add3A_415 = arith.addi %mul3A_2, %add3A_154 : i32
        %mul3A_416 = arith.constant 128 : i32
        %mul3A_417 = arith.muli %add3A_415, %mul3A_416 : i32
        %dma_wait3A_418 = tpu.memref_slice %arg2[%mul3A_417] : memref<819200xi32, #tpu.memory_space<hbm>> -> memref<128xi32, #tpu.memory_space<hbm>>
        %dma_wait3A_419 = tpu.memref_slice %arg2[%mul3A_417] : memref<819200xi32, #tpu.memory_space<hbm>> -> memref<128xi32, #tpu.memory_space<hbm>>
        tpu.wait_dma2 semaphore(%arg25 : memref<!tpu.dma_semaphore, #tpu.memory_space<semaphore_mem>>) src(%dma_wait3A_419 : memref<128xi32, #tpu.memory_space<hbm>>) dst(%arg11 : memref<128xi32, #tpu.memory_space<vmem>>)
        %dma_start3A_420 = arith.constant 0 : i32
        %dma_start3A_421 = arith.constant 0 : i32
        %dma_start3A_422 = tpu.memref_slice %arg3[%dma_start3A_420, %dma_start3A_421] : memref<1000000x128xf32, #tpu.memory_space<hbm>> -> memref<1000000x128xf32, #tpu.memory_space<hbm>>
        tpu.enqueue_indirect_dma source(%dma_start3A_422 : memref<1000000x128xf32, #tpu.memory_space<hbm>>) target(%arg15 : memref<128x128xf32, #tpu.memory_space<vmem>>) offsets(%arg11 : memref<128xi32, #tpu.memory_space<vmem>>) semaphore(%arg29 : memref<!tpu.dma_semaphore, #tpu.memory_space<semaphore_mem>>)
      } else {
      }
      %mul3A_160 = arith.constant 128 : i32
      %mul3A_161 = arith.muli %add3A_137, %mul3A_160 : i32
      %rem3A_162 = arith.constant 200 : i32
      %rem3A_163 = arith.remsi %mul3A_161, %rem3A_162 : i32
      %parallel_loop3A_164 = arith.constant 0 : i32
      %parallel_loop3A_165 = arith.constant 128 : i32
      %parallel_loop3A_166 = arith.constant 1 : i32
      scf.for %parallel_loop3A_415 = %parallel_loop3A_164 to %parallel_loop3A_165 step %parallel_loop3A_166  : i32 {
        %parallel_loop3A_416 = arith.addi %rem3A_163, %parallel_loop3A_415 : i32
        %parallel_loop3A_417 = arith.constant 64 : i32
        %parallel_loop3A_418 = arith.muli %parallel_loop3A_416, %parallel_loop3A_417 : i32
        %parallel_loop3A_419 = arith.index_cast %parallel_loop3A_415 : i32 to index
        %parallel_loop3A_420 = arith.constant 0 : index
        %parallel_loop3A_421 = tpu.vector_load %arg16[%parallel_loop3A_419, %parallel_loop3A_420] {strides = array<i32>} : memref<128x128xf32, #tpu.memory_space<vmem>>, vector<1x16xf32>,
        %parallel_loop3A_422 = vector.shape_cast %parallel_loop3A_421 : vector<1x16xf32> to vector<16xf32>
        %parallel_loop3A_423 = arith.constant 0 : i32
        %parallel_loop3A_424 = arith.addi %parallel_loop3A_418, %parallel_loop3A_423 : i32
        %parallel_loop3A_425 = arith.index_cast %parallel_loop3A_424 : i32 to index
        %parallel_loop3A_426 = tpu.vector_load %arg6[%parallel_loop3A_425] {strides = array<i32>} : memref<25600xf32, #tpu.memory_space<vmem>>, vector<16xf32>,
        %parallel_loop3A_427 = vector.shape_cast %parallel_loop3A_426 : vector<16xf32> to vector<16xf32>
        %parallel_loop3A_428 = arith.addf %parallel_loop3A_422, %parallel_loop3A_427 : vector<16xf32>
        %parallel_loop3A_429 = arith.index_cast %parallel_loop3A_415 : i32 to index
        %parallel_loop3A_430 = arith.constant 0 : index
        %parallel_loop3A_431 = tpu.vector_load %arg20[%parallel_loop3A_429, %parallel_loop3A_430] {strides = array<i32>} : memref<128x64xf32, #tpu.memory_space<vmem>>, vector<1x16xf32>,
        %parallel_loop3A_432 = vector.shape_cast %parallel_loop3A_431 : vector<1x16xf32> to vector<16xf32>
        %parallel_loop3A_433 = vector.shape_cast %parallel_loop3A_428 : vector<16xf32> to vector<1x16xf32>
        tpu.vector_store %arg20[%parallel_loop3A_429, %parallel_loop3A_430], %parallel_loop3A_433 {strides = array<i32>} : memref<128x64xf32, #tpu.memory_space<vmem>>, vector<1x16xf32>,
        %parallel_loop3A_434 = arith.index_cast %parallel_loop3A_415 : i32 to index
        %parallel_loop3A_435 = arith.constant 16 : index
        %parallel_loop3A_436 = tpu.vector_load %arg16[%parallel_loop3A_434, %parallel_loop3A_435] {strides = array<i32>} : memref<128x128xf32, #tpu.memory_space<vmem>>, vector<1x16xf32>,
        %parallel_loop3A_437 = vector.shape_cast %parallel_loop3A_436 : vector<1x16xf32> to vector<16xf32>
        %parallel_loop3A_438 = arith.constant 16 : i32
        %parallel_loop3A_439 = arith.addi %parallel_loop3A_418, %parallel_loop3A_438 : i32
        %parallel_loop3A_440 = arith.index_cast %parallel_loop3A_439 : i32 to index
        %parallel_loop3A_441 = tpu.vector_load %arg6[%parallel_loop3A_440] {strides = array<i32>} : memref<25600xf32, #tpu.memory_space<vmem>>, vector<16xf32>,
        %parallel_loop3A_442 = vector.shape_cast %parallel_loop3A_441 : vector<16xf32> to vector<16xf32>
        %parallel_loop3A_443 = arith.addf %parallel_loop3A_437, %parallel_loop3A_442 : vector<16xf32>
        %parallel_loop3A_444 = arith.index_cast %parallel_loop3A_415 : i32 to index
        %parallel_loop3A_445 = arith.constant 16 : index
        %parallel_loop3A_446 = tpu.vector_load %arg20[%parallel_loop3A_444, %parallel_loop3A_445] {strides = array<i32>} : memref<128x64xf32, #tpu.memory_space<vmem>>, vector<1x16xf32>,
        %parallel_loop3A_447 = vector.shape_cast %parallel_loop3A_446 : vector<1x16xf32> to vector<16xf32>
        %parallel_loop3A_448 = vector.shape_cast %parallel_loop3A_443 : vector<16xf32> to vector<1x16xf32>
        tpu.vector_store %arg20[%parallel_loop3A_444, %parallel_loop3A_445], %parallel_loop3A_448 {strides = array<i32>} : memref<128x64xf32, #tpu.memory_space<vmem>>, vector<1x16xf32>,
        %parallel_loop3A_449 = arith.index_cast %parallel_loop3A_415 : i32 to index
        %parallel_loop3A_450 = arith.constant 32 : index
        %parallel_loop3A_451 = tpu.vector_load %arg16[%parallel_loop3A_449, %parallel_loop3A_450] {strides = array<i32>} : memref<128x128xf32, #tpu.memory_space<vmem>>, vector<1x16xf32>,
        %parallel_loop3A_452 = vector.shape_cast %parallel_loop3A_451 : vector<1x16xf32> to vector<16xf32>
        %parallel_loop3A_453 = arith.constant 32 : i32
        %parallel_loop3A_454 = arith.addi %parallel_loop3A_418, %parallel_loop3A_453 : i32
        %parallel_loop3A_455 = arith.index_cast %parallel_loop3A_454 : i32 to index
        %parallel_loop3A_456 = tpu.vector_load %arg6[%parallel_loop3A_455] {strides = array<i32>} : memref<25600xf32, #tpu.memory_space<vmem>>, vector<16xf32>,
        %parallel_loop3A_457 = vector.shape_cast %parallel_loop3A_456 : vector<16xf32> to vector<16xf32>
        %parallel_loop3A_458 = arith.addf %parallel_loop3A_452, %parallel_loop3A_457 : vector<16xf32>
        %parallel_loop3A_459 = arith.index_cast %parallel_loop3A_415 : i32 to index
        %parallel_loop3A_460 = arith.constant 32 : index
        %parallel_loop3A_461 = tpu.vector_load %arg20[%parallel_loop3A_459, %parallel_loop3A_460] {strides = array<i32>} : memref<128x64xf32, #tpu.memory_space<vmem>>, vector<1x16xf32>,
        %parallel_loop3A_462 = vector.shape_cast %parallel_loop3A_461 : vector<1x16xf32> to vector<16xf32>
        %parallel_loop3A_463 = vector.shape_cast %parallel_loop3A_458 : vector<16xf32> to vector<1x16xf32>
        tpu.vector_store %arg20[%parallel_loop3A_459, %parallel_loop3A_460], %parallel_loop3A_463 {strides = array<i32>} : memref<128x64xf32, #tpu.memory_space<vmem>>, vector<1x16xf32>,
        %parallel_loop3A_464 = arith.index_cast %parallel_loop3A_415 : i32 to index
        %parallel_loop3A_465 = arith.constant 48 : index
        %parallel_loop3A_466 = tpu.vector_load %arg16[%parallel_loop3A_464, %parallel_loop3A_465] {strides = array<i32>} : memref<128x128xf32, #tpu.memory_space<vmem>>, vector<1x16xf32>,
        %parallel_loop3A_467 = vector.shape_cast %parallel_loop3A_466 : vector<1x16xf32> to vector<16xf32>
        %parallel_loop3A_468 = arith.constant 48 : i32
        %parallel_loop3A_469 = arith.addi %parallel_loop3A_418, %parallel_loop3A_468 : i32
        %parallel_loop3A_470 = arith.index_cast %parallel_loop3A_469 : i32 to index
        %parallel_loop3A_471 = tpu.vector_load %arg6[%parallel_loop3A_470] {strides = array<i32>} : memref<25600xf32, #tpu.memory_space<vmem>>, vector<16xf32>,
        %parallel_loop3A_472 = vector.shape_cast %parallel_loop3A_471 : vector<16xf32> to vector<16xf32>
        %parallel_loop3A_473 = arith.addf %parallel_loop3A_467, %parallel_loop3A_472 : vector<16xf32>
        %parallel_loop3A_474 = arith.index_cast %parallel_loop3A_415 : i32 to index
        %parallel_loop3A_475 = arith.constant 48 : index
        %parallel_loop3A_476 = tpu.vector_load %arg20[%parallel_loop3A_474, %parallel_loop3A_475] {strides = array<i32>} : memref<128x64xf32, #tpu.memory_space<vmem>>, vector<1x16xf32>,
        %parallel_loop3A_477 = vector.shape_cast %parallel_loop3A_476 : vector<1x16xf32> to vector<16xf32>
        %parallel_loop3A_478 = vector.shape_cast %parallel_loop3A_473 : vector<16xf32> to vector<1x16xf32>
        tpu.vector_store %arg20[%parallel_loop3A_474, %parallel_loop3A_475], %parallel_loop3A_478 {strides = array<i32>} : memref<128x64xf32, #tpu.memory_space<vmem>>, vector<1x16xf32>,
      } {sc.loop_unroll_factor = 8 : i64, sc.parallel_access}
      %add3A_167 = arith.addi %mul3A_2, %add3A_137 : i32
      %mul3A_168 = arith.constant 128 : i32
      %mul3A_169 = arith.muli %add3A_167, %mul3A_168 : i32
      %dma_start3A_170 = arith.constant 0 : i32
      %dma_start3A_171 = tpu.memref_slice %arg5[%mul3A_169, %dma_start3A_170] : memref<819200x64xf32, #tpu.memory_space<hbm>> -> memref<128x64xf32, #tpu.memory_space<hbm>>
      %dma_start3A_172 = arith.constant 0 : i32
      %dma_start3A_173 = tpu.memref_slice %arg5[%mul3A_169, %dma_start3A_172] : memref<819200x64xf32, #tpu.memory_space<hbm>> -> memref<128x64xf32, #tpu.memory_space<hbm>>
      tpu.enqueue_dma source(%arg20 : memref<128x64xf32, #tpu.memory_space<vmem>>) target(%dma_start3A_173 : memref<128x64xf32, #tpu.memory_space<hbm>>) target_semaphore(%arg34 : memref<!tpu.dma_semaphore, #tpu.memory_space<semaphore_mem>>)
      %mul3A_174 = arith.constant 8 : i32
      %mul3A_175 = arith.muli %scan3A_98, %mul3A_174 : i32
      %add3A_176 = arith.constant 2 : i32
      %add3A_177 = arith.addi %mul3A_175, %add3A_176 : i32
      %dma_wait3A_178 = arith.constant 0 : i32
      %dma_wait3A_179 = arith.constant 0 : i32
      %dma_wait3A_180 = tpu.memref_slice %arg3[%dma_wait3A_178, %dma_wait3A_179] : memref<1000000x128xf32, #tpu.memory_space<hbm>> -> memref<1000000x128xf32, #tpu.memory_space<hbm>>
      tpu.wait_indirect_dma semaphore(%arg31 : memref<!tpu.dma_semaphore, #tpu.memory_space<semaphore_mem>>) src(%dma_wait3A_180 : memref<1000000x128xf32, #tpu.memory_space<hbm>>) dst(%arg17 : memref<128x128xf32, #tpu.memory_space<vmem>>)
      %ge3A_181 = arith.constant 2 : i32
      %ge3A_182 = arith.cmpi sge, %add3A_177, %ge3A_181 : i32
      %convert_element_type3A_183 = arith.extui %ge3A_182 : i1 to i32
      %cond3A_184 = arith.constant 0 : i32
      %cond3A_185 = arith.cmpi ne, %convert_element_type3A_183, %cond3A_184 : i32
      scf.if %cond3A_185 {
        %sub3A = arith.constant 2 : i32
        %sub3A_415 = arith.subi %add3A_177, %sub3A : i32
        %add3A_416 = arith.addi %mul3A_2, %sub3A_415 : i32
        %mul3A_417 = arith.constant 128 : i32
        %mul3A_418 = arith.muli %add3A_416, %mul3A_417 : i32
        %dma_wait3A_419 = arith.constant 0 : i32
        %dma_wait3A_420 = tpu.memref_slice %arg5[%mul3A_418, %dma_wait3A_419] : memref<819200x64xf32, #tpu.memory_space<hbm>> -> memref<128x64xf32, #tpu.memory_space<hbm>>
        %dma_wait3A_421 = arith.constant 0 : i32
        %dma_wait3A_422 = tpu.memref_slice %arg5[%mul3A_418, %dma_wait3A_421] : memref<819200x64xf32, #tpu.memory_space<hbm>> -> memref<128x64xf32, #tpu.memory_space<hbm>>
        tpu.wait_dma2 semaphore(%arg33 : memref<!tpu.dma_semaphore, #tpu.memory_space<semaphore_mem>>) src(%arg19 : memref<128x64xf32, #tpu.memory_space<vmem>>) dst(%dma_wait3A_422 : memref<128x64xf32, #tpu.memory_space<hbm>>)
      } else {
      }
      %add3A_186 = arith.constant 8 : i32
      %add3A_187 = arith.addi %add3A_177, %add3A_186 : i32
      %lt3A_188 = arith.constant 200 : i32
      %lt3A_189 = arith.cmpi slt, %add3A_187, %lt3A_188 : i32
      %convert_element_type3A_190 = arith.extui %lt3A_189 : i1 to i32
      %cond3A_191 = arith.constant 0 : i32
      %cond3A_192 = arith.cmpi ne, %convert_element_type3A_190, %cond3A_191 : i32
      scf.if %cond3A_192 {
        %add3A_415 = arith.constant 8 : i32
        %add3A_416 = arith.addi %add3A_177, %add3A_415 : i32
        %add3A_417 = arith.addi %mul3A_2, %add3A_416 : i32
        %mul3A_418 = arith.constant 128 : i32
        %mul3A_419 = arith.muli %add3A_417, %mul3A_418 : i32
        %dma_start3A_420 = tpu.memref_slice %arg2[%mul3A_419] : memref<819200xi32, #tpu.memory_space<hbm>> -> memref<128xi32, #tpu.memory_space<hbm>>
        %dma_start3A_421 = tpu.memref_slice %arg2[%mul3A_419] : memref<819200xi32, #tpu.memory_space<hbm>> -> memref<128xi32, #tpu.memory_space<hbm>>
        tpu.enqueue_dma source(%dma_start3A_421 : memref<128xi32, #tpu.memory_space<hbm>>) target(%arg9 : memref<128xi32, #tpu.memory_space<vmem>>) target_semaphore(%arg23 : memref<!tpu.dma_semaphore, #tpu.memory_space<semaphore_mem>>)
      } else {
      }
      %add3A_193 = arith.constant 3 : i32
      %add3A_194 = arith.addi %add3A_177, %add3A_193 : i32
      %lt3A_195 = arith.constant 200 : i32
      %lt3A_196 = arith.cmpi slt, %add3A_194, %lt3A_195 : i32
      %convert_element_type3A_197 = arith.extui %lt3A_196 : i1 to i32
      %cond3A_198 = arith.constant 0 : i32
      %cond3A_199 = arith.cmpi ne, %convert_element_type3A_197, %cond3A_198 : i32
      scf.if %cond3A_199 {
        %add3A_415 = arith.addi %mul3A_2, %add3A_194 : i32
        %mul3A_416 = arith.constant 128 : i32
        %mul3A_417 = arith.muli %add3A_415, %mul3A_416 : i32
        %dma_wait3A_418 = tpu.memref_slice %arg2[%mul3A_417] : memref<819200xi32, #tpu.memory_space<hbm>> -> memref<128xi32, #tpu.memory_space<hbm>>
        %dma_wait3A_419 = tpu.memref_slice %arg2[%mul3A_417] : memref<819200xi32, #tpu.memory_space<hbm>> -> memref<128xi32, #tpu.memory_space<hbm>>
        tpu.wait_dma2 semaphore(%arg26 : memref<!tpu.dma_semaphore, #tpu.memory_space<semaphore_mem>>) src(%dma_wait3A_419 : memref<128xi32, #tpu.memory_space<hbm>>) dst(%arg12 : memref<128xi32, #tpu.memory_space<vmem>>)
        %dma_start3A_420 = arith.constant 0 : i32
        %dma_start3A_421 = arith.constant 0 : i32
        %dma_start3A_422 = tpu.memref_slice %arg3[%dma_start3A_420, %dma_start3A_421] : memref<1000000x128xf32, #tpu.memory_space<hbm>> -> memref<1000000x128xf32, #tpu.memory_space<hbm>>
        tpu.enqueue_indirect_dma source(%dma_start3A_422 : memref<1000000x128xf32, #tpu.memory_space<hbm>>) target(%arg16 : memref<128x128xf32, #tpu.memory_space<vmem>>) offsets(%arg12 : memref<128xi32, #tpu.memory_space<vmem>>) semaphore(%arg30 : memref<!tpu.dma_semaphore, #tpu.memory_space<semaphore_mem>>)
      } else {
      }
      %mul3A_200 = arith.constant 128 : i32
      %mul3A_201 = arith.muli %add3A_177, %mul3A_200 : i32
      %rem3A_202 = arith.constant 200 : i32
      %rem3A_203 = arith.remsi %mul3A_201, %rem3A_202 : i32
      %parallel_loop3A_204 = arith.constant 0 : i32
      %parallel_loop3A_205 = arith.constant 128 : i32
      %parallel_loop3A_206 = arith.constant 1 : i32
      scf.for %parallel_loop3A_415 = %parallel_loop3A_204 to %parallel_loop3A_205 step %parallel_loop3A_206  : i32 {
        %parallel_loop3A_416 = arith.addi %rem3A_203, %parallel_loop3A_415 : i32
        %parallel_loop3A_417 = arith.constant 64 : i32
        %parallel_loop3A_418 = arith.muli %parallel_loop3A_416, %parallel_loop3A_417 : i32
        %parallel_loop3A_419 = arith.index_cast %parallel_loop3A_415 : i32 to index
        %parallel_loop3A_420 = arith.constant 0 : index
        %parallel_loop3A_421 = tpu.vector_load %arg17[%parallel_loop3A_419, %parallel_loop3A_420] {strides = array<i32>} : memref<128x128xf32, #tpu.memory_space<vmem>>, vector<1x16xf32>,
        %parallel_loop3A_422 = vector.shape_cast %parallel_loop3A_421 : vector<1x16xf32> to vector<16xf32>
        %parallel_loop3A_423 = arith.constant 0 : i32
        %parallel_loop3A_424 = arith.addi %parallel_loop3A_418, %parallel_loop3A_423 : i32
        %parallel_loop3A_425 = arith.index_cast %parallel_loop3A_424 : i32 to index
        %parallel_loop3A_426 = tpu.vector_load %arg6[%parallel_loop3A_425] {strides = array<i32>} : memref<25600xf32, #tpu.memory_space<vmem>>, vector<16xf32>,
        %parallel_loop3A_427 = vector.shape_cast %parallel_loop3A_426 : vector<16xf32> to vector<16xf32>
        %parallel_loop3A_428 = arith.addf %parallel_loop3A_422, %parallel_loop3A_427 : vector<16xf32>
        %parallel_loop3A_429 = arith.index_cast %parallel_loop3A_415 : i32 to index
        %parallel_loop3A_430 = arith.constant 0 : index
        %parallel_loop3A_431 = tpu.vector_load %arg19[%parallel_loop3A_429, %parallel_loop3A_430] {strides = array<i32>} : memref<128x64xf32, #tpu.memory_space<vmem>>, vector<1x16xf32>,
        %parallel_loop3A_432 = vector.shape_cast %parallel_loop3A_431 : vector<1x16xf32> to vector<16xf32>
        %parallel_loop3A_433 = vector.shape_cast %parallel_loop3A_428 : vector<16xf32> to vector<1x16xf32>
        tpu.vector_store %arg19[%parallel_loop3A_429, %parallel_loop3A_430], %parallel_loop3A_433 {strides = array<i32>} : memref<128x64xf32, #tpu.memory_space<vmem>>, vector<1x16xf32>,
        %parallel_loop3A_434 = arith.index_cast %parallel_loop3A_415 : i32 to index
        %parallel_loop3A_435 = arith.constant 16 : index
        %parallel_loop3A_436 = tpu.vector_load %arg17[%parallel_loop3A_434, %parallel_loop3A_435] {strides = array<i32>} : memref<128x128xf32, #tpu.memory_space<vmem>>, vector<1x16xf32>,
        %parallel_loop3A_437 = vector.shape_cast %parallel_loop3A_436 : vector<1x16xf32> to vector<16xf32>
        %parallel_loop3A_438 = arith.constant 16 : i32
        %parallel_loop3A_439 = arith.addi %parallel_loop3A_418, %parallel_loop3A_438 : i32
        %parallel_loop3A_440 = arith.index_cast %parallel_loop3A_439 : i32 to index
        %parallel_loop3A_441 = tpu.vector_load %arg6[%parallel_loop3A_440] {strides = array<i32>} : memref<25600xf32, #tpu.memory_space<vmem>>, vector<16xf32>,
        %parallel_loop3A_442 = vector.shape_cast %parallel_loop3A_441 : vector<16xf32> to vector<16xf32>
        %parallel_loop3A_443 = arith.addf %parallel_loop3A_437, %parallel_loop3A_442 : vector<16xf32>
        %parallel_loop3A_444 = arith.index_cast %parallel_loop3A_415 : i32 to index
        %parallel_loop3A_445 = arith.constant 16 : index
        %parallel_loop3A_446 = tpu.vector_load %arg19[%parallel_loop3A_444, %parallel_loop3A_445] {strides = array<i32>} : memref<128x64xf32, #tpu.memory_space<vmem>>, vector<1x16xf32>,
        %parallel_loop3A_447 = vector.shape_cast %parallel_loop3A_446 : vector<1x16xf32> to vector<16xf32>
        %parallel_loop3A_448 = vector.shape_cast %parallel_loop3A_443 : vector<16xf32> to vector<1x16xf32>
        tpu.vector_store %arg19[%parallel_loop3A_444, %parallel_loop3A_445], %parallel_loop3A_448 {strides = array<i32>} : memref<128x64xf32, #tpu.memory_space<vmem>>, vector<1x16xf32>,
        %parallel_loop3A_449 = arith.index_cast %parallel_loop3A_415 : i32 to index
        %parallel_loop3A_450 = arith.constant 32 : index
        %parallel_loop3A_451 = tpu.vector_load %arg17[%parallel_loop3A_449, %parallel_loop3A_450] {strides = array<i32>} : memref<128x128xf32, #tpu.memory_space<vmem>>, vector<1x16xf32>,
        %parallel_loop3A_452 = vector.shape_cast %parallel_loop3A_451 : vector<1x16xf32> to vector<16xf32>
        %parallel_loop3A_453 = arith.constant 32 : i32
        %parallel_loop3A_454 = arith.addi %parallel_loop3A_418, %parallel_loop3A_453 : i32
        %parallel_loop3A_455 = arith.index_cast %parallel_loop3A_454 : i32 to index
        %parallel_loop3A_456 = tpu.vector_load %arg6[%parallel_loop3A_455] {strides = array<i32>} : memref<25600xf32, #tpu.memory_space<vmem>>, vector<16xf32>,
        %parallel_loop3A_457 = vector.shape_cast %parallel_loop3A_456 : vector<16xf32> to vector<16xf32>
        %parallel_loop3A_458 = arith.addf %parallel_loop3A_452, %parallel_loop3A_457 : vector<16xf32>
        %parallel_loop3A_459 = arith.index_cast %parallel_loop3A_415 : i32 to index
        %parallel_loop3A_460 = arith.constant 32 : index
        %parallel_loop3A_461 = tpu.vector_load %arg19[%parallel_loop3A_459, %parallel_loop3A_460] {strides = array<i32>} : memref<128x64xf32, #tpu.memory_space<vmem>>, vector<1x16xf32>,
        %parallel_loop3A_462 = vector.shape_cast %parallel_loop3A_461 : vector<1x16xf32> to vector<16xf32>
        %parallel_loop3A_463 = vector.shape_cast %parallel_loop3A_458 : vector<16xf32> to vector<1x16xf32>
        tpu.vector_store %arg19[%parallel_loop3A_459, %parallel_loop3A_460], %parallel_loop3A_463 {strides = array<i32>} : memref<128x64xf32, #tpu.memory_space<vmem>>, vector<1x16xf32>,
        %parallel_loop3A_464 = arith.index_cast %parallel_loop3A_415 : i32 to index
        %parallel_loop3A_465 = arith.constant 48 : index
        %parallel_loop3A_466 = tpu.vector_load %arg17[%parallel_loop3A_464, %parallel_loop3A_465] {strides = array<i32>} : memref<128x128xf32, #tpu.memory_space<vmem>>, vector<1x16xf32>,
        %parallel_loop3A_467 = vector.shape_cast %parallel_loop3A_466 : vector<1x16xf32> to vector<16xf32>
        %parallel_loop3A_468 = arith.constant 48 : i32
        %parallel_loop3A_469 = arith.addi %parallel_loop3A_418, %parallel_loop3A_468 : i32
        %parallel_loop3A_470 = arith.index_cast %parallel_loop3A_469 : i32 to index
        %parallel_loop3A_471 = tpu.vector_load %arg6[%parallel_loop3A_470] {strides = array<i32>} : memref<25600xf32, #tpu.memory_space<vmem>>, vector<16xf32>,
        %parallel_loop3A_472 = vector.shape_cast %parallel_loop3A_471 : vector<16xf32> to vector<16xf32>
        %parallel_loop3A_473 = arith.addf %parallel_loop3A_467, %parallel_loop3A_472 : vector<16xf32>
        %parallel_loop3A_474 = arith.index_cast %parallel_loop3A_415 : i32 to index
        %parallel_loop3A_475 = arith.constant 48 : index
        %parallel_loop3A_476 = tpu.vector_load %arg19[%parallel_loop3A_474, %parallel_loop3A_475] {strides = array<i32>} : memref<128x64xf32, #tpu.memory_space<vmem>>, vector<1x16xf32>,
        %parallel_loop3A_477 = vector.shape_cast %parallel_loop3A_476 : vector<1x16xf32> to vector<16xf32>
        %parallel_loop3A_478 = vector.shape_cast %parallel_loop3A_473 : vector<16xf32> to vector<1x16xf32>
        tpu.vector_store %arg19[%parallel_loop3A_474, %parallel_loop3A_475], %parallel_loop3A_478 {strides = array<i32>} : memref<128x64xf32, #tpu.memory_space<vmem>>, vector<1x16xf32>,
      } {sc.loop_unroll_factor = 8 : i64, sc.parallel_access}
      %add3A_207 = arith.addi %mul3A_2, %add3A_177 : i32
      %mul3A_208 = arith.constant 128 : i32
      %mul3A_209 = arith.muli %add3A_207, %mul3A_208 : i32
      %dma_start3A_210 = arith.constant 0 : i32
      %dma_start3A_211 = tpu.memref_slice %arg5[%mul3A_209, %dma_start3A_210] : memref<819200x64xf32, #tpu.memory_space<hbm>> -> memref<128x64xf32, #tpu.memory_space<hbm>>
      %dma_start3A_212 = arith.constant 0 : i32
      %dma_start3A_213 = tpu.memref_slice %arg5[%mul3A_209, %dma_start3A_212] : memref<819200x64xf32, #tpu.memory_space<hbm>> -> memref<128x64xf32, #tpu.memory_space<hbm>>
      tpu.enqueue_dma source(%arg19 : memref<128x64xf32, #tpu.memory_space<vmem>>) target(%dma_start3A_213 : memref<128x64xf32, #tpu.memory_space<hbm>>) target_semaphore(%arg33 : memref<!tpu.dma_semaphore, #tpu.memory_space<semaphore_mem>>)
      %mul3A_214 = arith.constant 8 : i32
      %mul3A_215 = arith.muli %scan3A_98, %mul3A_214 : i32
      %add3A_216 = arith.constant 3 : i32
      %add3A_217 = arith.addi %mul3A_215, %add3A_216 : i32
      %dma_wait3A_218 = arith.constant 0 : i32
      %dma_wait3A_219 = arith.constant 0 : i32
      %dma_wait3A_220 = tpu.memref_slice %arg3[%dma_wait3A_218, %dma_wait3A_219] : memref<1000000x128xf32, #tpu.memory_space<hbm>> -> memref<1000000x128xf32, #tpu.memory_space<hbm>>
      tpu.wait_indirect_dma semaphore(%arg32 : memref<!tpu.dma_semaphore, #tpu.memory_space<semaphore_mem>>) src(%dma_wait3A_220 : memref<1000000x128xf32, #tpu.memory_space<hbm>>) dst(%arg18 : memref<128x128xf32, #tpu.memory_space<vmem>>)
      %ge3A_221 = arith.constant 2 : i32
      %ge3A_222 = arith.cmpi sge, %add3A_217, %ge3A_221 : i32
      %convert_element_type3A_223 = arith.extui %ge3A_222 : i1 to i32
      %cond3A_224 = arith.constant 0 : i32
      %cond3A_225 = arith.cmpi ne, %convert_element_type3A_223, %cond3A_224 : i32
      scf.if %cond3A_225 {
        %sub3A = arith.constant 2 : i32
        %sub3A_415 = arith.subi %add3A_217, %sub3A : i32
        %add3A_416 = arith.addi %mul3A_2, %sub3A_415 : i32
        %mul3A_417 = arith.constant 128 : i32
        %mul3A_418 = arith.muli %add3A_416, %mul3A_417 : i32
        %dma_wait3A_419 = arith.constant 0 : i32
        %dma_wait3A_420 = tpu.memref_slice %arg5[%mul3A_418, %dma_wait3A_419] : memref<819200x64xf32, #tpu.memory_space<hbm>> -> memref<128x64xf32, #tpu.memory_space<hbm>>
        %dma_wait3A_421 = arith.constant 0 : i32
        %dma_wait3A_422 = tpu.memref_slice %arg5[%mul3A_418, %dma_wait3A_421] : memref<819200x64xf32, #tpu.memory_space<hbm>> -> memref<128x64xf32, #tpu.memory_space<hbm>>
        tpu.wait_dma2 semaphore(%arg34 : memref<!tpu.dma_semaphore, #tpu.memory_space<semaphore_mem>>) src(%arg20 : memref<128x64xf32, #tpu.memory_space<vmem>>) dst(%dma_wait3A_422 : memref<128x64xf32, #tpu.memory_space<hbm>>)
      } else {
      }
      %add3A_226 = arith.constant 8 : i32
      %add3A_227 = arith.addi %add3A_217, %add3A_226 : i32
      %lt3A_228 = arith.constant 200 : i32
      %lt3A_229 = arith.cmpi slt, %add3A_227, %lt3A_228 : i32
      %convert_element_type3A_230 = arith.extui %lt3A_229 : i1 to i32
      %cond3A_231 = arith.constant 0 : i32
      %cond3A_232 = arith.cmpi ne, %convert_element_type3A_230, %cond3A_231 : i32
      scf.if %cond3A_232 {
        %add3A_415 = arith.constant 8 : i32
        %add3A_416 = arith.addi %add3A_217, %add3A_415 : i32
        %add3A_417 = arith.addi %mul3A_2, %add3A_416 : i32
        %mul3A_418 = arith.constant 128 : i32
        %mul3A_419 = arith.muli %add3A_417, %mul3A_418 : i32
        %dma_start3A_420 = tpu.memref_slice %arg2[%mul3A_419] : memref<819200xi32, #tpu.memory_space<hbm>> -> memref<128xi32, #tpu.memory_space<hbm>>
        %dma_start3A_421 = tpu.memref_slice %arg2[%mul3A_419] : memref<819200xi32, #tpu.memory_space<hbm>> -> memref<128xi32, #tpu.memory_space<hbm>>
        tpu.enqueue_dma source(%dma_start3A_421 : memref<128xi32, #tpu.memory_space<hbm>>) target(%arg10 : memref<128xi32, #tpu.memory_space<vmem>>) target_semaphore(%arg24 : memref<!tpu.dma_semaphore, #tpu.memory_space<semaphore_mem>>)
      } else {
      }
      %add3A_233 = arith.constant 3 : i32
      %add3A_234 = arith.addi %add3A_217, %add3A_233 : i32
      %lt3A_235 = arith.constant 200 : i32
      %lt3A_236 = arith.cmpi slt, %add3A_234, %lt3A_235 : i32
      %convert_element_type3A_237 = arith.extui %lt3A_236 : i1 to i32
      %cond3A_238 = arith.constant 0 : i32
      %cond3A_239 = arith.cmpi ne, %convert_element_type3A_237, %cond3A_238 : i32
      scf.if %cond3A_239 {
        %add3A_415 = arith.addi %mul3A_2, %add3A_234 : i32
        %mul3A_416 = arith.constant 128 : i32
        %mul3A_417 = arith.muli %add3A_415, %mul3A_416 : i32
        %dma_wait3A_418 = tpu.memref_slice %arg2[%mul3A_417] : memref<819200xi32, #tpu.memory_space<hbm>> -> memref<128xi32, #tpu.memory_space<hbm>>
        %dma_wait3A_419 = tpu.memref_slice %arg2[%mul3A_417] : memref<819200xi32, #tpu.memory_space<hbm>> -> memref<128xi32, #tpu.memory_space<hbm>>
        tpu.wait_dma2 semaphore(%arg27 : memref<!tpu.dma_semaphore, #tpu.memory_space<semaphore_mem>>) src(%dma_wait3A_419 : memref<128xi32, #tpu.memory_space<hbm>>) dst(%arg13 : memref<128xi32, #tpu.memory_space<vmem>>)
        %dma_start3A_420 = arith.constant 0 : i32
        %dma_start3A_421 = arith.constant 0 : i32
        %dma_start3A_422 = tpu.memref_slice %arg3[%dma_start3A_420, %dma_start3A_421] : memref<1000000x128xf32, #tpu.memory_space<hbm>> -> memref<1000000x128xf32, #tpu.memory_space<hbm>>
        tpu.enqueue_indirect_dma source(%dma_start3A_422 : memref<1000000x128xf32, #tpu.memory_space<hbm>>) target(%arg17 : memref<128x128xf32, #tpu.memory_space<vmem>>) offsets(%arg13 : memref<128xi32, #tpu.memory_space<vmem>>) semaphore(%arg31 : memref<!tpu.dma_semaphore, #tpu.memory_space<semaphore_mem>>)
      } else {
      }
      %mul3A_240 = arith.constant 128 : i32
      %mul3A_241 = arith.muli %add3A_217, %mul3A_240 : i32
      %rem3A_242 = arith.constant 200 : i32
      %rem3A_243 = arith.remsi %mul3A_241, %rem3A_242 : i32
      %parallel_loop3A_244 = arith.constant 0 : i32
      %parallel_loop3A_245 = arith.constant 128 : i32
      %parallel_loop3A_246 = arith.constant 1 : i32
      scf.for %parallel_loop3A_415 = %parallel_loop3A_244 to %parallel_loop3A_245 step %parallel_loop3A_246  : i32 {
        %parallel_loop3A_416 = arith.addi %rem3A_243, %parallel_loop3A_415 : i32
        %parallel_loop3A_417 = arith.constant 64 : i32
        %parallel_loop3A_418 = arith.muli %parallel_loop3A_416, %parallel_loop3A_417 : i32
        %parallel_loop3A_419 = arith.index_cast %parallel_loop3A_415 : i32 to index
        %parallel_loop3A_420 = arith.constant 0 : index
        %parallel_loop3A_421 = tpu.vector_load %arg18[%parallel_loop3A_419, %parallel_loop3A_420] {strides = array<i32>} : memref<128x128xf32, #tpu.memory_space<vmem>>, vector<1x16xf32>,
        %parallel_loop3A_422 = vector.shape_cast %parallel_loop3A_421 : vector<1x16xf32> to vector<16xf32>
        %parallel_loop3A_423 = arith.constant 0 : i32
        %parallel_loop3A_424 = arith.addi %parallel_loop3A_418, %parallel_loop3A_423 : i32
        %parallel_loop3A_425 = arith.index_cast %parallel_loop3A_424 : i32 to index
        %parallel_loop3A_426 = tpu.vector_load %arg6[%parallel_loop3A_425] {strides = array<i32>} : memref<25600xf32, #tpu.memory_space<vmem>>, vector<16xf32>,
        %parallel_loop3A_427 = vector.shape_cast %parallel_loop3A_426 : vector<16xf32> to vector<16xf32>
        %parallel_loop3A_428 = arith.addf %parallel_loop3A_422, %parallel_loop3A_427 : vector<16xf32>
        %parallel_loop3A_429 = arith.index_cast %parallel_loop3A_415 : i32 to index
        %parallel_loop3A_430 = arith.constant 0 : index
        %parallel_loop3A_431 = tpu.vector_load %arg20[%parallel_loop3A_429, %parallel_loop3A_430] {strides = array<i32>} : memref<128x64xf32, #tpu.memory_space<vmem>>, vector<1x16xf32>,
        %parallel_loop3A_432 = vector.shape_cast %parallel_loop3A_431 : vector<1x16xf32> to vector<16xf32>
        %parallel_loop3A_433 = vector.shape_cast %parallel_loop3A_428 : vector<16xf32> to vector<1x16xf32>
        tpu.vector_store %arg20[%parallel_loop3A_429, %parallel_loop3A_430], %parallel_loop3A_433 {strides = array<i32>} : memref<128x64xf32, #tpu.memory_space<vmem>>, vector<1x16xf32>,
        %parallel_loop3A_434 = arith.index_cast %parallel_loop3A_415 : i32 to index
        %parallel_loop3A_435 = arith.constant 16 : index
        %parallel_loop3A_436 = tpu.vector_load %arg18[%parallel_loop3A_434, %parallel_loop3A_435] {strides = array<i32>} : memref<128x128xf32, #tpu.memory_space<vmem>>, vector<1x16xf32>,
        %parallel_loop3A_437 = vector.shape_cast %parallel_loop3A_436 : vector<1x16xf32> to vector<16xf32>
        %parallel_loop3A_438 = arith.constant 16 : i32
        %parallel_loop3A_439 = arith.addi %parallel_loop3A_418, %parallel_loop3A_438 : i32
        %parallel_loop3A_440 = arith.index_cast %parallel_loop3A_439 : i32 to index
        %parallel_loop3A_441 = tpu.vector_load %arg6[%parallel_loop3A_440] {strides = array<i32>} : memref<25600xf32, #tpu.memory_space<vmem>>, vector<16xf32>,
        %parallel_loop3A_442 = vector.shape_cast %parallel_loop3A_441 : vector<16xf32> to vector<16xf32>
        %parallel_loop3A_443 = arith.addf %parallel_loop3A_437, %parallel_loop3A_442 : vector<16xf32>
        %parallel_loop3A_444 = arith.index_cast %parallel_loop3A_415 : i32 to index
        %parallel_loop3A_445 = arith.constant 16 : index
        %parallel_loop3A_446 = tpu.vector_load %arg20[%parallel_loop3A_444, %parallel_loop3A_445] {strides = array<i32>} : memref<128x64xf32, #tpu.memory_space<vmem>>, vector<1x16xf32>,
        %parallel_loop3A_447 = vector.shape_cast %parallel_loop3A_446 : vector<1x16xf32> to vector<16xf32>
        %parallel_loop3A_448 = vector.shape_cast %parallel_loop3A_443 : vector<16xf32> to vector<1x16xf32>
        tpu.vector_store %arg20[%parallel_loop3A_444, %parallel_loop3A_445], %parallel_loop3A_448 {strides = array<i32>} : memref<128x64xf32, #tpu.memory_space<vmem>>, vector<1x16xf32>,
        %parallel_loop3A_449 = arith.index_cast %parallel_loop3A_415 : i32 to index
        %parallel_loop3A_450 = arith.constant 32 : index
        %parallel_loop3A_451 = tpu.vector_load %arg18[%parallel_loop3A_449, %parallel_loop3A_450] {strides = array<i32>} : memref<128x128xf32, #tpu.memory_space<vmem>>, vector<1x16xf32>,
        %parallel_loop3A_452 = vector.shape_cast %parallel_loop3A_451 : vector<1x16xf32> to vector<16xf32>
        %parallel_loop3A_453 = arith.constant 32 : i32
        %parallel_loop3A_454 = arith.addi %parallel_loop3A_418, %parallel_loop3A_453 : i32
        %parallel_loop3A_455 = arith.index_cast %parallel_loop3A_454 : i32 to index
        %parallel_loop3A_456 = tpu.vector_load %arg6[%parallel_loop3A_455] {strides = array<i32>} : memref<25600xf32, #tpu.memory_space<vmem>>, vector<16xf32>,
        %parallel_loop3A_457 = vector.shape_cast %parallel_loop3A_456 : vector<16xf32> to vector<16xf32>
        %parallel_loop3A_458 = arith.addf %parallel_loop3A_452, %parallel_loop3A_457 : vector<16xf32>
        %parallel_loop3A_459 = arith.index_cast %parallel_loop3A_415 : i32 to index
        %parallel_loop3A_460 = arith.constant 32 : index
        %parallel_loop3A_461 = tpu.vector_load %arg20[%parallel_loop3A_459, %parallel_loop3A_460] {strides = array<i32>} : memref<128x64xf32, #tpu.memory_space<vmem>>, vector<1x16xf32>,
        %parallel_loop3A_462 = vector.shape_cast %parallel_loop3A_461 : vector<1x16xf32> to vector<16xf32>
        %parallel_loop3A_463 = vector.shape_cast %parallel_loop3A_458 : vector<16xf32> to vector<1x16xf32>
        tpu.vector_store %arg20[%parallel_loop3A_459, %parallel_loop3A_460], %parallel_loop3A_463 {strides = array<i32>} : memref<128x64xf32, #tpu.memory_space<vmem>>, vector<1x16xf32>,
        %parallel_loop3A_464 = arith.index_cast %parallel_loop3A_415 : i32 to index
        %parallel_loop3A_465 = arith.constant 48 : index
        %parallel_loop3A_466 = tpu.vector_load %arg18[%parallel_loop3A_464, %parallel_loop3A_465] {strides = array<i32>} : memref<128x128xf32, #tpu.memory_space<vmem>>, vector<1x16xf32>,
        %parallel_loop3A_467 = vector.shape_cast %parallel_loop3A_466 : vector<1x16xf32> to vector<16xf32>
        %parallel_loop3A_468 = arith.constant 48 : i32
        %parallel_loop3A_469 = arith.addi %parallel_loop3A_418, %parallel_loop3A_468 : i32
        %parallel_loop3A_470 = arith.index_cast %parallel_loop3A_469 : i32 to index
        %parallel_loop3A_471 = tpu.vector_load %arg6[%parallel_loop3A_470] {strides = array<i32>} : memref<25600xf32, #tpu.memory_space<vmem>>, vector<16xf32>,
        %parallel_loop3A_472 = vector.shape_cast %parallel_loop3A_471 : vector<16xf32> to vector<16xf32>
        %parallel_loop3A_473 = arith.addf %parallel_loop3A_467, %parallel_loop3A_472 : vector<16xf32>
        %parallel_loop3A_474 = arith.index_cast %parallel_loop3A_415 : i32 to index
        %parallel_loop3A_475 = arith.constant 48 : index
        %parallel_loop3A_476 = tpu.vector_load %arg20[%parallel_loop3A_474, %parallel_loop3A_475] {strides = array<i32>} : memref<128x64xf32, #tpu.memory_space<vmem>>, vector<1x16xf32>,
        %parallel_loop3A_477 = vector.shape_cast %parallel_loop3A_476 : vector<1x16xf32> to vector<16xf32>
        %parallel_loop3A_478 = vector.shape_cast %parallel_loop3A_473 : vector<16xf32> to vector<1x16xf32>
        tpu.vector_store %arg20[%parallel_loop3A_474, %parallel_loop3A_475], %parallel_loop3A_478 {strides = array<i32>} : memref<128x64xf32, #tpu.memory_space<vmem>>, vector<1x16xf32>,
      } {sc.loop_unroll_factor = 8 : i64, sc.parallel_access}
      %add3A_247 = arith.addi %mul3A_2, %add3A_217 : i32
      %mul3A_248 = arith.constant 128 : i32
      %mul3A_249 = arith.muli %add3A_247, %mul3A_248 : i32
      %dma_start3A_250 = arith.constant 0 : i32
      %dma_start3A_251 = tpu.memref_slice %arg5[%mul3A_249, %dma_start3A_250] : memref<819200x64xf32, #tpu.memory_space<hbm>> -> memref<128x64xf32, #tpu.memory_space<hbm>>
      %dma_start3A_252 = arith.constant 0 : i32
      %dma_start3A_253 = tpu.memref_slice %arg5[%mul3A_249, %dma_start3A_252] : memref<819200x64xf32, #tpu.memory_space<hbm>> -> memref<128x64xf32, #tpu.memory_space<hbm>>
      tpu.enqueue_dma source(%arg20 : memref<128x64xf32, #tpu.memory_space<vmem>>) target(%dma_start3A_253 : memref<128x64xf32, #tpu.memory_space<hbm>>) target_semaphore(%arg34 : memref<!tpu.dma_semaphore, #tpu.memory_space<semaphore_mem>>)
      %mul3A_254 = arith.constant 8 : i32
      %mul3A_255 = arith.muli %scan3A_98, %mul3A_254 : i32
      %add3A_256 = arith.constant 4 : i32
      %add3A_257 = arith.addi %mul3A_255, %add3A_256 : i32
      %dma_wait3A_258 = arith.constant 0 : i32
      %dma_wait3A_259 = arith.constant 0 : i32
      %dma_wait3A_260 = tpu.memref_slice %arg3[%dma_wait3A_258, %dma_wait3A_259] : memref<1000000x128xf32, #tpu.memory_space<hbm>> -> memref<1000000x128xf32, #tpu.memory_space<hbm>>
      tpu.wait_indirect_dma semaphore(%arg29 : memref<!tpu.dma_semaphore, #tpu.memory_space<semaphore_mem>>) src(%dma_wait3A_260 : memref<1000000x128xf32, #tpu.memory_space<hbm>>) dst(%arg15 : memref<128x128xf32, #tpu.memory_space<vmem>>)
      %ge3A_261 = arith.constant 2 : i32
      %ge3A_262 = arith.cmpi sge, %add3A_257, %ge3A_261 : i32
      %convert_element_type3A_263 = arith.extui %ge3A_262 : i1 to i32
      %cond3A_264 = arith.constant 0 : i32
      %cond3A_265 = arith.cmpi ne, %convert_element_type3A_263, %cond3A_264 : i32
      scf.if %cond3A_265 {
        %sub3A = arith.constant 2 : i32
        %sub3A_415 = arith.subi %add3A_257, %sub3A : i32
        %add3A_416 = arith.addi %mul3A_2, %sub3A_415 : i32
        %mul3A_417 = arith.constant 128 : i32
        %mul3A_418 = arith.muli %add3A_416, %mul3A_417 : i32
        %dma_wait3A_419 = arith.constant 0 : i32
        %dma_wait3A_420 = tpu.memref_slice %arg5[%mul3A_418, %dma_wait3A_419] : memref<819200x64xf32, #tpu.memory_space<hbm>> -> memref<128x64xf32, #tpu.memory_space<hbm>>
        %dma_wait3A_421 = arith.constant 0 : i32
        %dma_wait3A_422 = tpu.memref_slice %arg5[%mul3A_418, %dma_wait3A_421] : memref<819200x64xf32, #tpu.memory_space<hbm>> -> memref<128x64xf32, #tpu.memory_space<hbm>>
        tpu.wait_dma2 semaphore(%arg33 : memref<!tpu.dma_semaphore, #tpu.memory_space<semaphore_mem>>) src(%arg19 : memref<128x64xf32, #tpu.memory_space<vmem>>) dst(%dma_wait3A_422 : memref<128x64xf32, #tpu.memory_space<hbm>>)
      } else {
      }
      %add3A_266 = arith.constant 8 : i32
      %add3A_267 = arith.addi %add3A_257, %add3A_266 : i32
      %lt3A_268 = arith.constant 200 : i32
      %lt3A_269 = arith.cmpi slt, %add3A_267, %lt3A_268 : i32
      %convert_element_type3A_270 = arith.extui %lt3A_269 : i1 to i32
      %cond3A_271 = arith.constant 0 : i32
      %cond3A_272 = arith.cmpi ne, %convert_element_type3A_270, %cond3A_271 : i32
      scf.if %cond3A_272 {
        %add3A_415 = arith.constant 8 : i32
        %add3A_416 = arith.addi %add3A_257, %add3A_415 : i32
        %add3A_417 = arith.addi %mul3A_2, %add3A_416 : i32
        %mul3A_418 = arith.constant 128 : i32
        %mul3A_419 = arith.muli %add3A_417, %mul3A_418 : i32
        %dma_start3A_420 = tpu.memref_slice %arg2[%mul3A_419] : memref<819200xi32, #tpu.memory_space<hbm>> -> memref<128xi32, #tpu.memory_space<hbm>>
        %dma_start3A_421 = tpu.memref_slice %arg2[%mul3A_419] : memref<819200xi32, #tpu.memory_space<hbm>> -> memref<128xi32, #tpu.memory_space<hbm>>
        tpu.enqueue_dma source(%dma_start3A_421 : memref<128xi32, #tpu.memory_space<hbm>>) target(%arg11 : memref<128xi32, #tpu.memory_space<vmem>>) target_semaphore(%arg25 : memref<!tpu.dma_semaphore, #tpu.memory_space<semaphore_mem>>)
      } else {
      }
      %add3A_273 = arith.constant 3 : i32
      %add3A_274 = arith.addi %add3A_257, %add3A_273 : i32
      %lt3A_275 = arith.constant 200 : i32
      %lt3A_276 = arith.cmpi slt, %add3A_274, %lt3A_275 : i32
      %convert_element_type3A_277 = arith.extui %lt3A_276 : i1 to i32
      %cond3A_278 = arith.constant 0 : i32
      %cond3A_279 = arith.cmpi ne, %convert_element_type3A_277, %cond3A_278 : i32
      scf.if %cond3A_279 {
        %add3A_415 = arith.addi %mul3A_2, %add3A_274 : i32
        %mul3A_416 = arith.constant 128 : i32
        %mul3A_417 = arith.muli %add3A_415, %mul3A_416 : i32
        %dma_wait3A_418 = tpu.memref_slice %arg2[%mul3A_417] : memref<819200xi32, #tpu.memory_space<hbm>> -> memref<128xi32, #tpu.memory_space<hbm>>
        %dma_wait3A_419 = tpu.memref_slice %arg2[%mul3A_417] : memref<819200xi32, #tpu.memory_space<hbm>> -> memref<128xi32, #tpu.memory_space<hbm>>
        tpu.wait_dma2 semaphore(%arg28 : memref<!tpu.dma_semaphore, #tpu.memory_space<semaphore_mem>>) src(%dma_wait3A_419 : memref<128xi32, #tpu.memory_space<hbm>>) dst(%arg14 : memref<128xi32, #tpu.memory_space<vmem>>)
        %dma_start3A_420 = arith.constant 0 : i32
        %dma_start3A_421 = arith.constant 0 : i32
        %dma_start3A_422 = tpu.memref_slice %arg3[%dma_start3A_420, %dma_start3A_421] : memref<1000000x128xf32, #tpu.memory_space<hbm>> -> memref<1000000x128xf32, #tpu.memory_space<hbm>>
        tpu.enqueue_indirect_dma source(%dma_start3A_422 : memref<1000000x128xf32, #tpu.memory_space<hbm>>) target(%arg18 : memref<128x128xf32, #tpu.memory_space<vmem>>) offsets(%arg14 : memref<128xi32, #tpu.memory_space<vmem>>) semaphore(%arg32 : memref<!tpu.dma_semaphore, #tpu.memory_space<semaphore_mem>>)
      } else {
      }
      %mul3A_280 = arith.constant 128 : i32
      %mul3A_281 = arith.muli %add3A_257, %mul3A_280 : i32
      %rem3A_282 = arith.constant 200 : i32
      %rem3A_283 = arith.remsi %mul3A_281, %rem3A_282 : i32
      %parallel_loop3A_284 = arith.constant 0 : i32
      %parallel_loop3A_285 = arith.constant 128 : i32
      %parallel_loop3A_286 = arith.constant 1 : i32
      scf.for %parallel_loop3A_415 = %parallel_loop3A_284 to %parallel_loop3A_285 step %parallel_loop3A_286  : i32 {
        %parallel_loop3A_416 = arith.addi %rem3A_283, %parallel_loop3A_415 : i32
        %parallel_loop3A_417 = arith.constant 64 : i32
        %parallel_loop3A_418 = arith.muli %parallel_loop3A_416, %parallel_loop3A_417 : i32
        %parallel_loop3A_419 = arith.index_cast %parallel_loop3A_415 : i32 to index
        %parallel_loop3A_420 = arith.constant 0 : index
        %parallel_loop3A_421 = tpu.vector_load %arg15[%parallel_loop3A_419, %parallel_loop3A_420] {strides = array<i32>} : memref<128x128xf32, #tpu.memory_space<vmem>>, vector<1x16xf32>,
        %parallel_loop3A_422 = vector.shape_cast %parallel_loop3A_421 : vector<1x16xf32> to vector<16xf32>
        %parallel_loop3A_423 = arith.constant 0 : i32
        %parallel_loop3A_424 = arith.addi %parallel_loop3A_418, %parallel_loop3A_423 : i32
        %parallel_loop3A_425 = arith.index_cast %parallel_loop3A_424 : i32 to index
        %parallel_loop3A_426 = tpu.vector_load %arg6[%parallel_loop3A_425] {strides = array<i32>} : memref<25600xf32, #tpu.memory_space<vmem>>, vector<16xf32>,
        %parallel_loop3A_427 = vector.shape_cast %parallel_loop3A_426 : vector<16xf32> to vector<16xf32>
        %parallel_loop3A_428 = arith.addf %parallel_loop3A_422, %parallel_loop3A_427 : vector<16xf32>
        %parallel_loop3A_429 = arith.index_cast %parallel_loop3A_415 : i32 to index
        %parallel_loop3A_430 = arith.constant 0 : index
        %parallel_loop3A_431 = tpu.vector_load %arg19[%parallel_loop3A_429, %parallel_loop3A_430] {strides = array<i32>} : memref<128x64xf32, #tpu.memory_space<vmem>>, vector<1x16xf32>,
        %parallel_loop3A_432 = vector.shape_cast %parallel_loop3A_431 : vector<1x16xf32> to vector<16xf32>
        %parallel_loop3A_433 = vector.shape_cast %parallel_loop3A_428 : vector<16xf32> to vector<1x16xf32>
        tpu.vector_store %arg19[%parallel_loop3A_429, %parallel_loop3A_430], %parallel_loop3A_433 {strides = array<i32>} : memref<128x64xf32, #tpu.memory_space<vmem>>, vector<1x16xf32>,
        %parallel_loop3A_434 = arith.index_cast %parallel_loop3A_415 : i32 to index
        %parallel_loop3A_435 = arith.constant 16 : index
        %parallel_loop3A_436 = tpu.vector_load %arg15[%parallel_loop3A_434, %parallel_loop3A_435] {strides = array<i32>} : memref<128x128xf32, #tpu.memory_space<vmem>>, vector<1x16xf32>,
        %parallel_loop3A_437 = vector.shape_cast %parallel_loop3A_436 : vector<1x16xf32> to vector<16xf32>
        %parallel_loop3A_438 = arith.constant 16 : i32
        %parallel_loop3A_439 = arith.addi %parallel_loop3A_418, %parallel_loop3A_438 : i32
        %parallel_loop3A_440 = arith.index_cast %parallel_loop3A_439 : i32 to index
        %parallel_loop3A_441 = tpu.vector_load %arg6[%parallel_loop3A_440] {strides = array<i32>} : memref<25600xf32, #tpu.memory_space<vmem>>, vector<16xf32>,
        %parallel_loop3A_442 = vector.shape_cast %parallel_loop3A_441 : vector<16xf32> to vector<16xf32>
        %parallel_loop3A_443 = arith.addf %parallel_loop3A_437, %parallel_loop3A_442 : vector<16xf32>
        %parallel_loop3A_444 = arith.index_cast %parallel_loop3A_415 : i32 to index
        %parallel_loop3A_445 = arith.constant 16 : index
        %parallel_loop3A_446 = tpu.vector_load %arg19[%parallel_loop3A_444, %parallel_loop3A_445] {strides = array<i32>} : memref<128x64xf32, #tpu.memory_space<vmem>>, vector<1x16xf32>,
        %parallel_loop3A_447 = vector.shape_cast %parallel_loop3A_446 : vector<1x16xf32> to vector<16xf32>
        %parallel_loop3A_448 = vector.shape_cast %parallel_loop3A_443 : vector<16xf32> to vector<1x16xf32>
        tpu.vector_store %arg19[%parallel_loop3A_444, %parallel_loop3A_445], %parallel_loop3A_448 {strides = array<i32>} : memref<128x64xf32, #tpu.memory_space<vmem>>, vector<1x16xf32>,
        %parallel_loop3A_449 = arith.index_cast %parallel_loop3A_415 : i32 to index
        %parallel_loop3A_450 = arith.constant 32 : index
        %parallel_loop3A_451 = tpu.vector_load %arg15[%parallel_loop3A_449, %parallel_loop3A_450] {strides = array<i32>} : memref<128x128xf32, #tpu.memory_space<vmem>>, vector<1x16xf32>,
        %parallel_loop3A_452 = vector.shape_cast %parallel_loop3A_451 : vector<1x16xf32> to vector<16xf32>
        %parallel_loop3A_453 = arith.constant 32 : i32
        %parallel_loop3A_454 = arith.addi %parallel_loop3A_418, %parallel_loop3A_453 : i32
        %parallel_loop3A_455 = arith.index_cast %parallel_loop3A_454 : i32 to index
        %parallel_loop3A_456 = tpu.vector_load %arg6[%parallel_loop3A_455] {strides = array<i32>} : memref<25600xf32, #tpu.memory_space<vmem>>, vector<16xf32>,
        %parallel_loop3A_457 = vector.shape_cast %parallel_loop3A_456 : vector<16xf32> to vector<16xf32>
        %parallel_loop3A_458 = arith.addf %parallel_loop3A_452, %parallel_loop3A_457 : vector<16xf32>
        %parallel_loop3A_459 = arith.index_cast %parallel_loop3A_415 : i32 to index
        %parallel_loop3A_460 = arith.constant 32 : index
        %parallel_loop3A_461 = tpu.vector_load %arg19[%parallel_loop3A_459, %parallel_loop3A_460] {strides = array<i32>} : memref<128x64xf32, #tpu.memory_space<vmem>>, vector<1x16xf32>,
        %parallel_loop3A_462 = vector.shape_cast %parallel_loop3A_461 : vector<1x16xf32> to vector<16xf32>
        %parallel_loop3A_463 = vector.shape_cast %parallel_loop3A_458 : vector<16xf32> to vector<1x16xf32>
        tpu.vector_store %arg19[%parallel_loop3A_459, %parallel_loop3A_460], %parallel_loop3A_463 {strides = array<i32>} : memref<128x64xf32, #tpu.memory_space<vmem>>, vector<1x16xf32>,
        %parallel_loop3A_464 = arith.index_cast %parallel_loop3A_415 : i32 to index
        %parallel_loop3A_465 = arith.constant 48 : index
        %parallel_loop3A_466 = tpu.vector_load %arg15[%parallel_loop3A_464, %parallel_loop3A_465] {strides = array<i32>} : memref<128x128xf32, #tpu.memory_space<vmem>>, vector<1x16xf32>,
        %parallel_loop3A_467 = vector.shape_cast %parallel_loop3A_466 : vector<1x16xf32> to vector<16xf32>
        %parallel_loop3A_468 = arith.constant 48 : i32
        %parallel_loop3A_469 = arith.addi %parallel_loop3A_418, %parallel_loop3A_468 : i32
        %parallel_loop3A_470 = arith.index_cast %parallel_loop3A_469 : i32 to index
        %parallel_loop3A_471 = tpu.vector_load %arg6[%parallel_loop3A_470] {strides = array<i32>} : memref<25600xf32, #tpu.memory_space<vmem>>, vector<16xf32>,
        %parallel_loop3A_472 = vector.shape_cast %parallel_loop3A_471 : vector<16xf32> to vector<16xf32>
        %parallel_loop3A_473 = arith.addf %parallel_loop3A_467, %parallel_loop3A_472 : vector<16xf32>
        %parallel_loop3A_474 = arith.index_cast %parallel_loop3A_415 : i32 to index
        %parallel_loop3A_475 = arith.constant 48 : index
        %parallel_loop3A_476 = tpu.vector_load %arg19[%parallel_loop3A_474, %parallel_loop3A_475] {strides = array<i32>} : memref<128x64xf32, #tpu.memory_space<vmem>>, vector<1x16xf32>,
        %parallel_loop3A_477 = vector.shape_cast %parallel_loop3A_476 : vector<1x16xf32> to vector<16xf32>
        %parallel_loop3A_478 = vector.shape_cast %parallel_loop3A_473 : vector<16xf32> to vector<1x16xf32>
        tpu.vector_store %arg19[%parallel_loop3A_474, %parallel_loop3A_475], %parallel_loop3A_478 {strides = array<i32>} : memref<128x64xf32, #tpu.memory_space<vmem>>, vector<1x16xf32>,
      } {sc.loop_unroll_factor = 8 : i64, sc.parallel_access}
      %add3A_287 = arith.addi %mul3A_2, %add3A_257 : i32
      %mul3A_288 = arith.constant 128 : i32
      %mul3A_289 = arith.muli %add3A_287, %mul3A_288 : i32
      %dma_start3A_290 = arith.constant 0 : i32
      %dma_start3A_291 = tpu.memref_slice %arg5[%mul3A_289, %dma_start3A_290] : memref<819200x64xf32, #tpu.memory_space<hbm>> -> memref<128x64xf32, #tpu.memory_space<hbm>>
      %dma_start3A_292 = arith.constant 0 : i32
      %dma_start3A_293 = tpu.memref_slice %arg5[%mul3A_289, %dma_start3A_292] : memref<819200x64xf32, #tpu.memory_space<hbm>> -> memref<128x64xf32, #tpu.memory_space<hbm>>
      tpu.enqueue_dma source(%arg19 : memref<128x64xf32, #tpu.memory_space<vmem>>) target(%dma_start3A_293 : memref<128x64xf32, #tpu.memory_space<hbm>>) target_semaphore(%arg33 : memref<!tpu.dma_semaphore, #tpu.memory_space<semaphore_mem>>)
      %mul3A_294 = arith.constant 8 : i32
      %mul3A_295 = arith.muli %scan3A_98, %mul3A_294 : i32
      %add3A_296 = arith.constant 5 : i32
      %add3A_297 = arith.addi %mul3A_295, %add3A_296 : i32
      %dma_wait3A_298 = arith.constant 0 : i32
      %dma_wait3A_299 = arith.constant 0 : i32
      %dma_wait3A_300 = tpu.memref_slice %arg3[%dma_wait3A_298, %dma_wait3A_299] : memref<1000000x128xf32, #tpu.memory_space<hbm>> -> memref<1000000x128xf32, #tpu.memory_space<hbm>>
      tpu.wait_indirect_dma semaphore(%arg30 : memref<!tpu.dma_semaphore, #tpu.memory_space<semaphore_mem>>) src(%dma_wait3A_300 : memref<1000000x128xf32, #tpu.memory_space<hbm>>) dst(%arg16 : memref<128x128xf32, #tpu.memory_space<vmem>>)
      %ge3A_301 = arith.constant 2 : i32
      %ge3A_302 = arith.cmpi sge, %add3A_297, %ge3A_301 : i32
      %convert_element_type3A_303 = arith.extui %ge3A_302 : i1 to i32
      %cond3A_304 = arith.constant 0 : i32
      %cond3A_305 = arith.cmpi ne, %convert_element_type3A_303, %cond3A_304 : i32
      scf.if %cond3A_305 {
        %sub3A = arith.constant 2 : i32
        %sub3A_415 = arith.subi %add3A_297, %sub3A : i32
        %add3A_416 = arith.addi %mul3A_2, %sub3A_415 : i32
        %mul3A_417 = arith.constant 128 : i32
        %mul3A_418 = arith.muli %add3A_416, %mul3A_417 : i32
        %dma_wait3A_419 = arith.constant 0 : i32
        %dma_wait3A_420 = tpu.memref_slice %arg5[%mul3A_418, %dma_wait3A_419] : memref<819200x64xf32, #tpu.memory_space<hbm>> -> memref<128x64xf32, #tpu.memory_space<hbm>>
        %dma_wait3A_421 = arith.constant 0 : i32
        %dma_wait3A_422 = tpu.memref_slice %arg5[%mul3A_418, %dma_wait3A_421] : memref<819200x64xf32, #tpu.memory_space<hbm>> -> memref<128x64xf32, #tpu.memory_space<hbm>>
        tpu.wait_dma2 semaphore(%arg34 : memref<!tpu.dma_semaphore, #tpu.memory_space<semaphore_mem>>) src(%arg20 : memref<128x64xf32, #tpu.memory_space<vmem>>) dst(%dma_wait3A_422 : memref<128x64xf32, #tpu.memory_space<hbm>>)
      } else {
      }
      %add3A_306 = arith.constant 8 : i32
      %add3A_307 = arith.addi %add3A_297, %add3A_306 : i32
      %lt3A_308 = arith.constant 200 : i32
      %lt3A_309 = arith.cmpi slt, %add3A_307, %lt3A_308 : i32
      %convert_element_type3A_310 = arith.extui %lt3A_309 : i1 to i32
      %cond3A_311 = arith.constant 0 : i32
      %cond3A_312 = arith.cmpi ne, %convert_element_type3A_310, %cond3A_311 : i32
      scf.if %cond3A_312 {
        %add3A_415 = arith.constant 8 : i32
        %add3A_416 = arith.addi %add3A_297, %add3A_415 : i32
        %add3A_417 = arith.addi %mul3A_2, %add3A_416 : i32
        %mul3A_418 = arith.constant 128 : i32
        %mul3A_419 = arith.muli %add3A_417, %mul3A_418 : i32
        %dma_start3A_420 = tpu.memref_slice %arg2[%mul3A_419] : memref<819200xi32, #tpu.memory_space<hbm>> -> memref<128xi32, #tpu.memory_space<hbm>>
        %dma_start3A_421 = tpu.memref_slice %arg2[%mul3A_419] : memref<819200xi32, #tpu.memory_space<hbm>> -> memref<128xi32, #tpu.memory_space<hbm>>
        tpu.enqueue_dma source(%dma_start3A_421 : memref<128xi32, #tpu.memory_space<hbm>>) target(%arg12 : memref<128xi32, #tpu.memory_space<vmem>>) target_semaphore(%arg26 : memref<!tpu.dma_semaphore, #tpu.memory_space<semaphore_mem>>)
      } else {
      }
      %add3A_313 = arith.constant 3 : i32
      %add3A_314 = arith.addi %add3A_297, %add3A_313 : i32
      %lt3A_315 = arith.constant 200 : i32
      %lt3A_316 = arith.cmpi slt, %add3A_314, %lt3A_315 : i32
      %convert_element_type3A_317 = arith.extui %lt3A_316 : i1 to i32
      %cond3A_318 = arith.constant 0 : i32
      %cond3A_319 = arith.cmpi ne, %convert_element_type3A_317, %cond3A_318 : i32
      scf.if %cond3A_319 {
        %add3A_415 = arith.addi %mul3A_2, %add3A_314 : i32
        %mul3A_416 = arith.constant 128 : i32
        %mul3A_417 = arith.muli %add3A_415, %mul3A_416 : i32
        %dma_wait3A_418 = tpu.memref_slice %arg2[%mul3A_417] : memref<819200xi32, #tpu.memory_space<hbm>> -> memref<128xi32, #tpu.memory_space<hbm>>
        %dma_wait3A_419 = tpu.memref_slice %arg2[%mul3A_417] : memref<819200xi32, #tpu.memory_space<hbm>> -> memref<128xi32, #tpu.memory_space<hbm>>
        tpu.wait_dma2 semaphore(%arg21 : memref<!tpu.dma_semaphore, #tpu.memory_space<semaphore_mem>>) src(%dma_wait3A_419 : memref<128xi32, #tpu.memory_space<hbm>>) dst(%arg7 : memref<128xi32, #tpu.memory_space<vmem>>)
        %dma_start3A_420 = arith.constant 0 : i32
        %dma_start3A_421 = arith.constant 0 : i32
        %dma_start3A_422 = tpu.memref_slice %arg3[%dma_start3A_420, %dma_start3A_421] : memref<1000000x128xf32, #tpu.memory_space<hbm>> -> memref<1000000x128xf32, #tpu.memory_space<hbm>>
        tpu.enqueue_indirect_dma source(%dma_start3A_422 : memref<1000000x128xf32, #tpu.memory_space<hbm>>) target(%arg15 : memref<128x128xf32, #tpu.memory_space<vmem>>) offsets(%arg7 : memref<128xi32, #tpu.memory_space<vmem>>) semaphore(%arg29 : memref<!tpu.dma_semaphore, #tpu.memory_space<semaphore_mem>>)
      } else {
      }
      %mul3A_320 = arith.constant 128 : i32
      %mul3A_321 = arith.muli %add3A_297, %mul3A_320 : i32
      %rem3A_322 = arith.constant 200 : i32
      %rem3A_323 = arith.remsi %mul3A_321, %rem3A_322 : i32
      %parallel_loop3A_324 = arith.constant 0 : i32
      %parallel_loop3A_325 = arith.constant 128 : i32
      %parallel_loop3A_326 = arith.constant 1 : i32
      scf.for %parallel_loop3A_415 = %parallel_loop3A_324 to %parallel_loop3A_325 step %parallel_loop3A_326  : i32 {
        %parallel_loop3A_416 = arith.addi %rem3A_323, %parallel_loop3A_415 : i32
        %parallel_loop3A_417 = arith.constant 64 : i32
        %parallel_loop3A_418 = arith.muli %parallel_loop3A_416, %parallel_loop3A_417 : i32
        %parallel_loop3A_419 = arith.index_cast %parallel_loop3A_415 : i32 to index
        %parallel_loop3A_420 = arith.constant 0 : index
        %parallel_loop3A_421 = tpu.vector_load %arg16[%parallel_loop3A_419, %parallel_loop3A_420] {strides = array<i32>} : memref<128x128xf32, #tpu.memory_space<vmem>>, vector<1x16xf32>,
        %parallel_loop3A_422 = vector.shape_cast %parallel_loop3A_421 : vector<1x16xf32> to vector<16xf32>
        %parallel_loop3A_423 = arith.constant 0 : i32
        %parallel_loop3A_424 = arith.addi %parallel_loop3A_418, %parallel_loop3A_423 : i32
        %parallel_loop3A_425 = arith.index_cast %parallel_loop3A_424 : i32 to index
        %parallel_loop3A_426 = tpu.vector_load %arg6[%parallel_loop3A_425] {strides = array<i32>} : memref<25600xf32, #tpu.memory_space<vmem>>, vector<16xf32>,
        %parallel_loop3A_427 = vector.shape_cast %parallel_loop3A_426 : vector<16xf32> to vector<16xf32>
        %parallel_loop3A_428 = arith.addf %parallel_loop3A_422, %parallel_loop3A_427 : vector<16xf32>
        %parallel_loop3A_429 = arith.index_cast %parallel_loop3A_415 : i32 to index
        %parallel_loop3A_430 = arith.constant 0 : index
        %parallel_loop3A_431 = tpu.vector_load %arg20[%parallel_loop3A_429, %parallel_loop3A_430] {strides = array<i32>} : memref<128x64xf32, #tpu.memory_space<vmem>>, vector<1x16xf32>,
        %parallel_loop3A_432 = vector.shape_cast %parallel_loop3A_431 : vector<1x16xf32> to vector<16xf32>
        %parallel_loop3A_433 = vector.shape_cast %parallel_loop3A_428 : vector<16xf32> to vector<1x16xf32>
        tpu.vector_store %arg20[%parallel_loop3A_429, %parallel_loop3A_430], %parallel_loop3A_433 {strides = array<i32>} : memref<128x64xf32, #tpu.memory_space<vmem>>, vector<1x16xf32>,
        %parallel_loop3A_434 = arith.index_cast %parallel_loop3A_415 : i32 to index
        %parallel_loop3A_435 = arith.constant 16 : index
        %parallel_loop3A_436 = tpu.vector_load %arg16[%parallel_loop3A_434, %parallel_loop3A_435] {strides = array<i32>} : memref<128x128xf32, #tpu.memory_space<vmem>>, vector<1x16xf32>,
        %parallel_loop3A_437 = vector.shape_cast %parallel_loop3A_436 : vector<1x16xf32> to vector<16xf32>
        %parallel_loop3A_438 = arith.constant 16 : i32
        %parallel_loop3A_439 = arith.addi %parallel_loop3A_418, %parallel_loop3A_438 : i32
        %parallel_loop3A_440 = arith.index_cast %parallel_loop3A_439 : i32 to index
        %parallel_loop3A_441 = tpu.vector_load %arg6[%parallel_loop3A_440] {strides = array<i32>} : memref<25600xf32, #tpu.memory_space<vmem>>, vector<16xf32>,
        %parallel_loop3A_442 = vector.shape_cast %parallel_loop3A_441 : vector<16xf32> to vector<16xf32>
        %parallel_loop3A_443 = arith.addf %parallel_loop3A_437, %parallel_loop3A_442 : vector<16xf32>
        %parallel_loop3A_444 = arith.index_cast %parallel_loop3A_415 : i32 to index
        %parallel_loop3A_445 = arith.constant 16 : index
        %parallel_loop3A_446 = tpu.vector_load %arg20[%parallel_loop3A_444, %parallel_loop3A_445] {strides = array<i32>} : memref<128x64xf32, #tpu.memory_space<vmem>>, vector<1x16xf32>,
        %parallel_loop3A_447 = vector.shape_cast %parallel_loop3A_446 : vector<1x16xf32> to vector<16xf32>
        %parallel_loop3A_448 = vector.shape_cast %parallel_loop3A_443 : vector<16xf32> to vector<1x16xf32>
        tpu.vector_store %arg20[%parallel_loop3A_444, %parallel_loop3A_445], %parallel_loop3A_448 {strides = array<i32>} : memref<128x64xf32, #tpu.memory_space<vmem>>, vector<1x16xf32>,
        %parallel_loop3A_449 = arith.index_cast %parallel_loop3A_415 : i32 to index
        %parallel_loop3A_450 = arith.constant 32 : index
        %parallel_loop3A_451 = tpu.vector_load %arg16[%parallel_loop3A_449, %parallel_loop3A_450] {strides = array<i32>} : memref<128x128xf32, #tpu.memory_space<vmem>>, vector<1x16xf32>,
        %parallel_loop3A_452 = vector.shape_cast %parallel_loop3A_451 : vector<1x16xf32> to vector<16xf32>
        %parallel_loop3A_453 = arith.constant 32 : i32
        %parallel_loop3A_454 = arith.addi %parallel_loop3A_418, %parallel_loop3A_453 : i32
        %parallel_loop3A_455 = arith.index_cast %parallel_loop3A_454 : i32 to index
        %parallel_loop3A_456 = tpu.vector_load %arg6[%parallel_loop3A_455] {strides = array<i32>} : memref<25600xf32, #tpu.memory_space<vmem>>, vector<16xf32>,
        %parallel_loop3A_457 = vector.shape_cast %parallel_loop3A_456 : vector<16xf32> to vector<16xf32>
        %parallel_loop3A_458 = arith.addf %parallel_loop3A_452, %parallel_loop3A_457 : vector<16xf32>
        %parallel_loop3A_459 = arith.index_cast %parallel_loop3A_415 : i32 to index
        %parallel_loop3A_460 = arith.constant 32 : index
        %parallel_loop3A_461 = tpu.vector_load %arg20[%parallel_loop3A_459, %parallel_loop3A_460] {strides = array<i32>} : memref<128x64xf32, #tpu.memory_space<vmem>>, vector<1x16xf32>,
        %parallel_loop3A_462 = vector.shape_cast %parallel_loop3A_461 : vector<1x16xf32> to vector<16xf32>
        %parallel_loop3A_463 = vector.shape_cast %parallel_loop3A_458 : vector<16xf32> to vector<1x16xf32>
        tpu.vector_store %arg20[%parallel_loop3A_459, %parallel_loop3A_460], %parallel_loop3A_463 {strides = array<i32>} : memref<128x64xf32, #tpu.memory_space<vmem>>, vector<1x16xf32>,
        %parallel_loop3A_464 = arith.index_cast %parallel_loop3A_415 : i32 to index
        %parallel_loop3A_465 = arith.constant 48 : index
        %parallel_loop3A_466 = tpu.vector_load %arg16[%parallel_loop3A_464, %parallel_loop3A_465] {strides = array<i32>} : memref<128x128xf32, #tpu.memory_space<vmem>>, vector<1x16xf32>,
        %parallel_loop3A_467 = vector.shape_cast %parallel_loop3A_466 : vector<1x16xf32> to vector<16xf32>
        %parallel_loop3A_468 = arith.constant 48 : i32
        %parallel_loop3A_469 = arith.addi %parallel_loop3A_418, %parallel_loop3A_468 : i32
        %parallel_loop3A_470 = arith.index_cast %parallel_loop3A_469 : i32 to index
        %parallel_loop3A_471 = tpu.vector_load %arg6[%parallel_loop3A_470] {strides = array<i32>} : memref<25600xf32, #tpu.memory_space<vmem>>, vector<16xf32>,
        %parallel_loop3A_472 = vector.shape_cast %parallel_loop3A_471 : vector<16xf32> to vector<16xf32>
        %parallel_loop3A_473 = arith.addf %parallel_loop3A_467, %parallel_loop3A_472 : vector<16xf32>
        %parallel_loop3A_474 = arith.index_cast %parallel_loop3A_415 : i32 to index
        %parallel_loop3A_475 = arith.constant 48 : index
        %parallel_loop3A_476 = tpu.vector_load %arg20[%parallel_loop3A_474, %parallel_loop3A_475] {strides = array<i32>} : memref<128x64xf32, #tpu.memory_space<vmem>>, vector<1x16xf32>,
        %parallel_loop3A_477 = vector.shape_cast %parallel_loop3A_476 : vector<1x16xf32> to vector<16xf32>
        %parallel_loop3A_478 = vector.shape_cast %parallel_loop3A_473 : vector<16xf32> to vector<1x16xf32>
        tpu.vector_store %arg20[%parallel_loop3A_474, %parallel_loop3A_475], %parallel_loop3A_478 {strides = array<i32>} : memref<128x64xf32, #tpu.memory_space<vmem>>, vector<1x16xf32>,
      } {sc.loop_unroll_factor = 8 : i64, sc.parallel_access}
      %add3A_327 = arith.addi %mul3A_2, %add3A_297 : i32
      %mul3A_328 = arith.constant 128 : i32
      %mul3A_329 = arith.muli %add3A_327, %mul3A_328 : i32
      %dma_start3A_330 = arith.constant 0 : i32
      %dma_start3A_331 = tpu.memref_slice %arg5[%mul3A_329, %dma_start3A_330] : memref<819200x64xf32, #tpu.memory_space<hbm>> -> memref<128x64xf32, #tpu.memory_space<hbm>>
      %dma_start3A_332 = arith.constant 0 : i32
      %dma_start3A_333 = tpu.memref_slice %arg5[%mul3A_329, %dma_start3A_332] : memref<819200x64xf32, #tpu.memory_space<hbm>> -> memref<128x64xf32, #tpu.memory_space<hbm>>
      tpu.enqueue_dma source(%arg20 : memref<128x64xf32, #tpu.memory_space<vmem>>) target(%dma_start3A_333 : memref<128x64xf32, #tpu.memory_space<hbm>>) target_semaphore(%arg34 : memref<!tpu.dma_semaphore, #tpu.memory_space<semaphore_mem>>)
      %mul3A_334 = arith.constant 8 : i32
      %mul3A_335 = arith.muli %scan3A_98, %mul3A_334 : i32
      %add3A_336 = arith.constant 6 : i32
      %add3A_337 = arith.addi %mul3A_335, %add3A_336 : i32
      %dma_wait3A_338 = arith.constant 0 : i32
      %dma_wait3A_339 = arith.constant 0 : i32
      %dma_wait3A_340 = tpu.memref_slice %arg3[%dma_wait3A_338, %dma_wait3A_339] : memref<1000000x128xf32, #tpu.memory_space<hbm>> -> memref<1000000x128xf32, #tpu.memory_space<hbm>>
      tpu.wait_indirect_dma semaphore(%arg31 : memref<!tpu.dma_semaphore, #tpu.memory_space<semaphore_mem>>) src(%dma_wait3A_340 : memref<1000000x128xf32, #tpu.memory_space<hbm>>) dst(%arg17 : memref<128x128xf32, #tpu.memory_space<vmem>>)
      %ge3A_341 = arith.constant 2 : i32
      %ge3A_342 = arith.cmpi sge, %add3A_337, %ge3A_341 : i32
      %convert_element_type3A_343 = arith.extui %ge3A_342 : i1 to i32
      %cond3A_344 = arith.constant 0 : i32
      %cond3A_345 = arith.cmpi ne, %convert_element_type3A_343, %cond3A_344 : i32
      scf.if %cond3A_345 {
        %sub3A = arith.constant 2 : i32
        %sub3A_415 = arith.subi %add3A_337, %sub3A : i32
        %add3A_416 = arith.addi %mul3A_2, %sub3A_415 : i32
        %mul3A_417 = arith.constant 128 : i32
        %mul3A_418 = arith.muli %add3A_416, %mul3A_417 : i32
        %dma_wait3A_419 = arith.constant 0 : i32
        %dma_wait3A_420 = tpu.memref_slice %arg5[%mul3A_418, %dma_wait3A_419] : memref<819200x64xf32, #tpu.memory_space<hbm>> -> memref<128x64xf32, #tpu.memory_space<hbm>>
        %dma_wait3A_421 = arith.constant 0 : i32
        %dma_wait3A_422 = tpu.memref_slice %arg5[%mul3A_418, %dma_wait3A_421] : memref<819200x64xf32, #tpu.memory_space<hbm>> -> memref<128x64xf32, #tpu.memory_space<hbm>>
        tpu.wait_dma2 semaphore(%arg33 : memref<!tpu.dma_semaphore, #tpu.memory_space<semaphore_mem>>) src(%arg19 : memref<128x64xf32, #tpu.memory_space<vmem>>) dst(%dma_wait3A_422 : memref<128x64xf32, #tpu.memory_space<hbm>>)
      } else {
      }
      %add3A_346 = arith.constant 8 : i32
      %add3A_347 = arith.addi %add3A_337, %add3A_346 : i32
      %lt3A_348 = arith.constant 200 : i32
      %lt3A_349 = arith.cmpi slt, %add3A_347, %lt3A_348 : i32
      %convert_element_type3A_350 = arith.extui %lt3A_349 : i1 to i32
      %cond3A_351 = arith.constant 0 : i32
      %cond3A_352 = arith.cmpi ne, %convert_element_type3A_350, %cond3A_351 : i32
      scf.if %cond3A_352 {
        %add3A_415 = arith.constant 8 : i32
        %add3A_416 = arith.addi %add3A_337, %add3A_415 : i32
        %add3A_417 = arith.addi %mul3A_2, %add3A_416 : i32
        %mul3A_418 = arith.constant 128 : i32
        %mul3A_419 = arith.muli %add3A_417, %mul3A_418 : i32
        %dma_start3A_420 = tpu.memref_slice %arg2[%mul3A_419] : memref<819200xi32, #tpu.memory_space<hbm>> -> memref<128xi32, #tpu.memory_space<hbm>>
        %dma_start3A_421 = tpu.memref_slice %arg2[%mul3A_419] : memref<819200xi32, #tpu.memory_space<hbm>> -> memref<128xi32, #tpu.memory_space<hbm>>
        tpu.enqueue_dma source(%dma_start3A_421 : memref<128xi32, #tpu.memory_space<hbm>>) target(%arg13 : memref<128xi32, #tpu.memory_space<vmem>>) target_semaphore(%arg27 : memref<!tpu.dma_semaphore, #tpu.memory_space<semaphore_mem>>)
      } else {
      }
      %add3A_353 = arith.constant 3 : i32
      %add3A_354 = arith.addi %add3A_337, %add3A_353 : i32
      %lt3A_355 = arith.constant 200 : i32
      %lt3A_356 = arith.cmpi slt, %add3A_354, %lt3A_355 : i32
      %convert_element_type3A_357 = arith.extui %lt3A_356 : i1 to i32
      %cond3A_358 = arith.constant 0 : i32
      %cond3A_359 = arith.cmpi ne, %convert_element_type3A_357, %cond3A_358 : i32
      scf.if %cond3A_359 {
        %add3A_415 = arith.addi %mul3A_2, %add3A_354 : i32
        %mul3A_416 = arith.constant 128 : i32
        %mul3A_417 = arith.muli %add3A_415, %mul3A_416 : i32
        %dma_wait3A_418 = tpu.memref_slice %arg2[%mul3A_417] : memref<819200xi32, #tpu.memory_space<hbm>> -> memref<128xi32, #tpu.memory_space<hbm>>
        %dma_wait3A_419 = tpu.memref_slice %arg2[%mul3A_417] : memref<819200xi32, #tpu.memory_space<hbm>> -> memref<128xi32, #tpu.memory_space<hbm>>
        tpu.wait_dma2 semaphore(%arg22 : memref<!tpu.dma_semaphore, #tpu.memory_space<semaphore_mem>>) src(%dma_wait3A_419 : memref<128xi32, #tpu.memory_space<hbm>>) dst(%arg8 : memref<128xi32, #tpu.memory_space<vmem>>)
        %dma_start3A_420 = arith.constant 0 : i32
        %dma_start3A_421 = arith.constant 0 : i32
        %dma_start3A_422 = tpu.memref_slice %arg3[%dma_start3A_420, %dma_start3A_421] : memref<1000000x128xf32, #tpu.memory_space<hbm>> -> memref<1000000x128xf32, #tpu.memory_space<hbm>>
        tpu.enqueue_indirect_dma source(%dma_start3A_422 : memref<1000000x128xf32, #tpu.memory_space<hbm>>) target(%arg16 : memref<128x128xf32, #tpu.memory_space<vmem>>) offsets(%arg8 : memref<128xi32, #tpu.memory_space<vmem>>) semaphore(%arg30 : memref<!tpu.dma_semaphore, #tpu.memory_space<semaphore_mem>>)
      } else {
      }
      %mul3A_360 = arith.constant 128 : i32
      %mul3A_361 = arith.muli %add3A_337, %mul3A_360 : i32
      %rem3A_362 = arith.constant 200 : i32
      %rem3A_363 = arith.remsi %mul3A_361, %rem3A_362 : i32
      %parallel_loop3A_364 = arith.constant 0 : i32
      %parallel_loop3A_365 = arith.constant 128 : i32
      %parallel_loop3A_366 = arith.constant 1 : i32
      scf.for %parallel_loop3A_415 = %parallel_loop3A_364 to %parallel_loop3A_365 step %parallel_loop3A_366  : i32 {
        %parallel_loop3A_416 = arith.addi %rem3A_363, %parallel_loop3A_415 : i32
        %parallel_loop3A_417 = arith.constant 64 : i32
        %parallel_loop3A_418 = arith.muli %parallel_loop3A_416, %parallel_loop3A_417 : i32
        %parallel_loop3A_419 = arith.index_cast %parallel_loop3A_415 : i32 to index
        %parallel_loop3A_420 = arith.constant 0 : index
        %parallel_loop3A_421 = tpu.vector_load %arg17[%parallel_loop3A_419, %parallel_loop3A_420] {strides = array<i32>} : memref<128x128xf32, #tpu.memory_space<vmem>>, vector<1x16xf32>,
        %parallel_loop3A_422 = vector.shape_cast %parallel_loop3A_421 : vector<1x16xf32> to vector<16xf32>
        %parallel_loop3A_423 = arith.constant 0 : i32
        %parallel_loop3A_424 = arith.addi %parallel_loop3A_418, %parallel_loop3A_423 : i32
        %parallel_loop3A_425 = arith.index_cast %parallel_loop3A_424 : i32 to index
        %parallel_loop3A_426 = tpu.vector_load %arg6[%parallel_loop3A_425] {strides = array<i32>} : memref<25600xf32, #tpu.memory_space<vmem>>, vector<16xf32>,
        %parallel_loop3A_427 = vector.shape_cast %parallel_loop3A_426 : vector<16xf32> to vector<16xf32>
        %parallel_loop3A_428 = arith.addf %parallel_loop3A_422, %parallel_loop3A_427 : vector<16xf32>
        %parallel_loop3A_429 = arith.index_cast %parallel_loop3A_415 : i32 to index
        %parallel_loop3A_430 = arith.constant 0 : index
        %parallel_loop3A_431 = tpu.vector_load %arg19[%parallel_loop3A_429, %parallel_loop3A_430] {strides = array<i32>} : memref<128x64xf32, #tpu.memory_space<vmem>>, vector<1x16xf32>,
        %parallel_loop3A_432 = vector.shape_cast %parallel_loop3A_431 : vector<1x16xf32> to vector<16xf32>
        %parallel_loop3A_433 = vector.shape_cast %parallel_loop3A_428 : vector<16xf32> to vector<1x16xf32>
        tpu.vector_store %arg19[%parallel_loop3A_429, %parallel_loop3A_430], %parallel_loop3A_433 {strides = array<i32>} : memref<128x64xf32, #tpu.memory_space<vmem>>, vector<1x16xf32>,
        %parallel_loop3A_434 = arith.index_cast %parallel_loop3A_415 : i32 to index
        %parallel_loop3A_435 = arith.constant 16 : index
        %parallel_loop3A_436 = tpu.vector_load %arg17[%parallel_loop3A_434, %parallel_loop3A_435] {strides = array<i32>} : memref<128x128xf32, #tpu.memory_space<vmem>>, vector<1x16xf32>,
        %parallel_loop3A_437 = vector.shape_cast %parallel_loop3A_436 : vector<1x16xf32> to vector<16xf32>
        %parallel_loop3A_438 = arith.constant 16 : i32
        %parallel_loop3A_439 = arith.addi %parallel_loop3A_418, %parallel_loop3A_438 : i32
        %parallel_loop3A_440 = arith.index_cast %parallel_loop3A_439 : i32 to index
        %parallel_loop3A_441 = tpu.vector_load %arg6[%parallel_loop3A_440] {strides = array<i32>} : memref<25600xf32, #tpu.memory_space<vmem>>, vector<16xf32>,
        %parallel_loop3A_442 = vector.shape_cast %parallel_loop3A_441 : vector<16xf32> to vector<16xf32>
        %parallel_loop3A_443 = arith.addf %parallel_loop3A_437, %parallel_loop3A_442 : vector<16xf32>
        %parallel_loop3A_444 = arith.index_cast %parallel_loop3A_415 : i32 to index
        %parallel_loop3A_445 = arith.constant 16 : index
        %parallel_loop3A_446 = tpu.vector_load %arg19[%parallel_loop3A_444, %parallel_loop3A_445] {strides = array<i32>} : memref<128x64xf32, #tpu.memory_space<vmem>>, vector<1x16xf32>,
        %parallel_loop3A_447 = vector.shape_cast %parallel_loop3A_446 : vector<1x16xf32> to vector<16xf32>
        %parallel_loop3A_448 = vector.shape_cast %parallel_loop3A_443 : vector<16xf32> to vector<1x16xf32>
        tpu.vector_store %arg19[%parallel_loop3A_444, %parallel_loop3A_445], %parallel_loop3A_448 {strides = array<i32>} : memref<128x64xf32, #tpu.memory_space<vmem>>, vector<1x16xf32>,
        %parallel_loop3A_449 = arith.index_cast %parallel_loop3A_415 : i32 to index
        %parallel_loop3A_450 = arith.constant 32 : index
        %parallel_loop3A_451 = tpu.vector_load %arg17[%parallel_loop3A_449, %parallel_loop3A_450] {strides = array<i32>} : memref<128x128xf32, #tpu.memory_space<vmem>>, vector<1x16xf32>,
        %parallel_loop3A_452 = vector.shape_cast %parallel_loop3A_451 : vector<1x16xf32> to vector<16xf32>
        %parallel_loop3A_453 = arith.constant 32 : i32
        %parallel_loop3A_454 = arith.addi %parallel_loop3A_418, %parallel_loop3A_453 : i32
        %parallel_loop3A_455 = arith.index_cast %parallel_loop3A_454 : i32 to index
        %parallel_loop3A_456 = tpu.vector_load %arg6[%parallel_loop3A_455] {strides = array<i32>} : memref<25600xf32, #tpu.memory_space<vmem>>, vector<16xf32>,
        %parallel_loop3A_457 = vector.shape_cast %parallel_loop3A_456 : vector<16xf32> to vector<16xf32>
        %parallel_loop3A_458 = arith.addf %parallel_loop3A_452, %parallel_loop3A_457 : vector<16xf32>
        %parallel_loop3A_459 = arith.index_cast %parallel_loop3A_415 : i32 to index
        %parallel_loop3A_460 = arith.constant 32 : index
        %parallel_loop3A_461 = tpu.vector_load %arg19[%parallel_loop3A_459, %parallel_loop3A_460] {strides = array<i32>} : memref<128x64xf32, #tpu.memory_space<vmem>>, vector<1x16xf32>,
        %parallel_loop3A_462 = vector.shape_cast %parallel_loop3A_461 : vector<1x16xf32> to vector<16xf32>
        %parallel_loop3A_463 = vector.shape_cast %parallel_loop3A_458 : vector<16xf32> to vector<1x16xf32>
        tpu.vector_store %arg19[%parallel_loop3A_459, %parallel_loop3A_460], %parallel_loop3A_463 {strides = array<i32>} : memref<128x64xf32, #tpu.memory_space<vmem>>, vector<1x16xf32>,
        %parallel_loop3A_464 = arith.index_cast %parallel_loop3A_415 : i32 to index
        %parallel_loop3A_465 = arith.constant 48 : index
        %parallel_loop3A_466 = tpu.vector_load %arg17[%parallel_loop3A_464, %parallel_loop3A_465] {strides = array<i32>} : memref<128x128xf32, #tpu.memory_space<vmem>>, vector<1x16xf32>,
        %parallel_loop3A_467 = vector.shape_cast %parallel_loop3A_466 : vector<1x16xf32> to vector<16xf32>
        %parallel_loop3A_468 = arith.constant 48 : i32
        %parallel_loop3A_469 = arith.addi %parallel_loop3A_418, %parallel_loop3A_468 : i32
        %parallel_loop3A_470 = arith.index_cast %parallel_loop3A_469 : i32 to index
        %parallel_loop3A_471 = tpu.vector_load %arg6[%parallel_loop3A_470] {strides = array<i32>} : memref<25600xf32, #tpu.memory_space<vmem>>, vector<16xf32>,
        %parallel_loop3A_472 = vector.shape_cast %parallel_loop3A_471 : vector<16xf32> to vector<16xf32>
        %parallel_loop3A_473 = arith.addf %parallel_loop3A_467, %parallel_loop3A_472 : vector<16xf32>
        %parallel_loop3A_474 = arith.index_cast %parallel_loop3A_415 : i32 to index
        %parallel_loop3A_475 = arith.constant 48 : index
        %parallel_loop3A_476 = tpu.vector_load %arg19[%parallel_loop3A_474, %parallel_loop3A_475] {strides = array<i32>} : memref<128x64xf32, #tpu.memory_space<vmem>>, vector<1x16xf32>,
        %parallel_loop3A_477 = vector.shape_cast %parallel_loop3A_476 : vector<1x16xf32> to vector<16xf32>
        %parallel_loop3A_478 = vector.shape_cast %parallel_loop3A_473 : vector<16xf32> to vector<1x16xf32>
        tpu.vector_store %arg19[%parallel_loop3A_474, %parallel_loop3A_475], %parallel_loop3A_478 {strides = array<i32>} : memref<128x64xf32, #tpu.memory_space<vmem>>, vector<1x16xf32>,
      } {sc.loop_unroll_factor = 8 : i64, sc.parallel_access}
      %add3A_367 = arith.addi %mul3A_2, %add3A_337 : i32
      %mul3A_368 = arith.constant 128 : i32
      %mul3A_369 = arith.muli %add3A_367, %mul3A_368 : i32
      %dma_start3A_370 = arith.constant 0 : i32
      %dma_start3A_371 = tpu.memref_slice %arg5[%mul3A_369, %dma_start3A_370] : memref<819200x64xf32, #tpu.memory_space<hbm>> -> memref<128x64xf32, #tpu.memory_space<hbm>>
      %dma_start3A_372 = arith.constant 0 : i32
      %dma_start3A_373 = tpu.memref_slice %arg5[%mul3A_369, %dma_start3A_372] : memref<819200x64xf32, #tpu.memory_space<hbm>> -> memref<128x64xf32, #tpu.memory_space<hbm>>
      tpu.enqueue_dma source(%arg19 : memref<128x64xf32, #tpu.memory_space<vmem>>) target(%dma_start3A_373 : memref<128x64xf32, #tpu.memory_space<hbm>>) target_semaphore(%arg33 : memref<!tpu.dma_semaphore, #tpu.memory_space<semaphore_mem>>)
      %mul3A_374 = arith.constant 8 : i32
      %mul3A_375 = arith.muli %scan3A_98, %mul3A_374 : i32
      %add3A_376 = arith.constant 7 : i32
      %add3A_377 = arith.addi %mul3A_375, %add3A_376 : i32
      %dma_wait3A_378 = arith.constant 0 : i32
      %dma_wait3A_379 = arith.constant 0 : i32
      %dma_wait3A_380 = tpu.memref_slice %arg3[%dma_wait3A_378, %dma_wait3A_379] : memref<1000000x128xf32, #tpu.memory_space<hbm>> -> memref<1000000x128xf32, #tpu.memory_space<hbm>>
      tpu.wait_indirect_dma semaphore(%arg32 : memref<!tpu.dma_semaphore, #tpu.memory_space<semaphore_mem>>) src(%dma_wait3A_380 : memref<1000000x128xf32, #tpu.memory_space<hbm>>) dst(%arg18 : memref<128x128xf32, #tpu.memory_space<vmem>>)
      %ge3A_381 = arith.constant 2 : i32
      %ge3A_382 = arith.cmpi sge, %add3A_377, %ge3A_381 : i32
      %convert_element_type3A_383 = arith.extui %ge3A_382 : i1 to i32
      %cond3A_384 = arith.constant 0 : i32
      %cond3A_385 = arith.cmpi ne, %convert_element_type3A_383, %cond3A_384 : i32
      scf.if %cond3A_385 {
        %sub3A = arith.constant 2 : i32
        %sub3A_415 = arith.subi %add3A_377, %sub3A : i32
        %add3A_416 = arith.addi %mul3A_2, %sub3A_415 : i32
        %mul3A_417 = arith.constant 128 : i32
        %mul3A_418 = arith.muli %add3A_416, %mul3A_417 : i32
        %dma_wait3A_419 = arith.constant 0 : i32
        %dma_wait3A_420 = tpu.memref_slice %arg5[%mul3A_418, %dma_wait3A_419] : memref<819200x64xf32, #tpu.memory_space<hbm>> -> memref<128x64xf32, #tpu.memory_space<hbm>>
        %dma_wait3A_421 = arith.constant 0 : i32
        %dma_wait3A_422 = tpu.memref_slice %arg5[%mul3A_418, %dma_wait3A_421] : memref<819200x64xf32, #tpu.memory_space<hbm>> -> memref<128x64xf32, #tpu.memory_space<hbm>>
        tpu.wait_dma2 semaphore(%arg34 : memref<!tpu.dma_semaphore, #tpu.memory_space<semaphore_mem>>) src(%arg20 : memref<128x64xf32, #tpu.memory_space<vmem>>) dst(%dma_wait3A_422 : memref<128x64xf32, #tpu.memory_space<hbm>>)
      } else {
      }
      %add3A_386 = arith.constant 8 : i32
      %add3A_387 = arith.addi %add3A_377, %add3A_386 : i32
      %lt3A_388 = arith.constant 200 : i32
      %lt3A_389 = arith.cmpi slt, %add3A_387, %lt3A_388 : i32
      %convert_element_type3A_390 = arith.extui %lt3A_389 : i1 to i32
      %cond3A_391 = arith.constant 0 : i32
      %cond3A_392 = arith.cmpi ne, %convert_element_type3A_390, %cond3A_391 : i32
      scf.if %cond3A_392 {
        %add3A_415 = arith.constant 8 : i32
        %add3A_416 = arith.addi %add3A_377, %add3A_415 : i32
        %add3A_417 = arith.addi %mul3A_2, %add3A_416 : i32
        %mul3A_418 = arith.constant 128 : i32
        %mul3A_419 = arith.muli %add3A_417, %mul3A_418 : i32
        %dma_start3A_420 = tpu.memref_slice %arg2[%mul3A_419] : memref<819200xi32, #tpu.memory_space<hbm>> -> memref<128xi32, #tpu.memory_space<hbm>>
        %dma_start3A_421 = tpu.memref_slice %arg2[%mul3A_419] : memref<819200xi32, #tpu.memory_space<hbm>> -> memref<128xi32, #tpu.memory_space<hbm>>
        tpu.enqueue_dma source(%dma_start3A_421 : memref<128xi32, #tpu.memory_space<hbm>>) target(%arg14 : memref<128xi32, #tpu.memory_space<vmem>>) target_semaphore(%arg28 : memref<!tpu.dma_semaphore, #tpu.memory_space<semaphore_mem>>)
      } else {
      }
      %add3A_393 = arith.constant 3 : i32
      %add3A_394 = arith.addi %add3A_377, %add3A_393 : i32
      %lt3A_395 = arith.constant 200 : i32
      %lt3A_396 = arith.cmpi slt, %add3A_394, %lt3A_395 : i32
      %convert_element_type3A_397 = arith.extui %lt3A_396 : i1 to i32
      %cond3A_398 = arith.constant 0 : i32
      %cond3A_399 = arith.cmpi ne, %convert_element_type3A_397, %cond3A_398 : i32
      scf.if %cond3A_399 {
        %add3A_415 = arith.addi %mul3A_2, %add3A_394 : i32
        %mul3A_416 = arith.constant 128 : i32
        %mul3A_417 = arith.muli %add3A_415, %mul3A_416 : i32
        %dma_wait3A_418 = tpu.memref_slice %arg2[%mul3A_417] : memref<819200xi32, #tpu.memory_space<hbm>> -> memref<128xi32, #tpu.memory_space<hbm>>
        %dma_wait3A_419 = tpu.memref_slice %arg2[%mul3A_417] : memref<819200xi32, #tpu.memory_space<hbm>> -> memref<128xi32, #tpu.memory_space<hbm>>
        tpu.wait_dma2 semaphore(%arg23 : memref<!tpu.dma_semaphore, #tpu.memory_space<semaphore_mem>>) src(%dma_wait3A_419 : memref<128xi32, #tpu.memory_space<hbm>>) dst(%arg9 : memref<128xi32, #tpu.memory_space<vmem>>)
        %dma_start3A_420 = arith.constant 0 : i32
        %dma_start3A_421 = arith.constant 0 : i32
        %dma_start3A_422 = tpu.memref_slice %arg3[%dma_start3A_420, %dma_start3A_421] : memref<1000000x128xf32, #tpu.memory_space<hbm>> -> memref<1000000x128xf32, #tpu.memory_space<hbm>>
        tpu.enqueue_indirect_dma source(%dma_start3A_422 : memref<1000000x128xf32, #tpu.memory_space<hbm>>) target(%arg17 : memref<128x128xf32, #tpu.memory_space<vmem>>) offsets(%arg9 : memref<128xi32, #tpu.memory_space<vmem>>) semaphore(%arg31 : memref<!tpu.dma_semaphore, #tpu.memory_space<semaphore_mem>>)
      } else {
      }
      %mul3A_400 = arith.constant 128 : i32
      %mul3A_401 = arith.muli %add3A_377, %mul3A_400 : i32
      %rem3A_402 = arith.constant 200 : i32
      %rem3A_403 = arith.remsi %mul3A_401, %rem3A_402 : i32
      %parallel_loop3A_404 = arith.constant 0 : i32
      %parallel_loop3A_405 = arith.constant 128 : i32
      %parallel_loop3A_406 = arith.constant 1 : i32
      scf.for %parallel_loop3A_415 = %parallel_loop3A_404 to %parallel_loop3A_405 step %parallel_loop3A_406  : i32 {
        %parallel_loop3A_416 = arith.addi %rem3A_403, %parallel_loop3A_415 : i32
        %parallel_loop3A_417 = arith.constant 64 : i32
        %parallel_loop3A_418 = arith.muli %parallel_loop3A_416, %parallel_loop3A_417 : i32
        %parallel_loop3A_419 = arith.index_cast %parallel_loop3A_415 : i32 to index
        %parallel_loop3A_420 = arith.constant 0 : index
        %parallel_loop3A_421 = tpu.vector_load %arg18[%parallel_loop3A_419, %parallel_loop3A_420] {strides = array<i32>} : memref<128x128xf32, #tpu.memory_space<vmem>>, vector<1x16xf32>,
        %parallel_loop3A_422 = vector.shape_cast %parallel_loop3A_421 : vector<1x16xf32> to vector<16xf32>
        %parallel_loop3A_423 = arith.constant 0 : i32
        %parallel_loop3A_424 = arith.addi %parallel_loop3A_418, %parallel_loop3A_423 : i32
        %parallel_loop3A_425 = arith.index_cast %parallel_loop3A_424 : i32 to index
        %parallel_loop3A_426 = tpu.vector_load %arg6[%parallel_loop3A_425] {strides = array<i32>} : memref<25600xf32, #tpu.memory_space<vmem>>, vector<16xf32>,
        %parallel_loop3A_427 = vector.shape_cast %parallel_loop3A_426 : vector<16xf32> to vector<16xf32>
        %parallel_loop3A_428 = arith.addf %parallel_loop3A_422, %parallel_loop3A_427 : vector<16xf32>
        %parallel_loop3A_429 = arith.index_cast %parallel_loop3A_415 : i32 to index
        %parallel_loop3A_430 = arith.constant 0 : index
        %parallel_loop3A_431 = tpu.vector_load %arg20[%parallel_loop3A_429, %parallel_loop3A_430] {strides = array<i32>} : memref<128x64xf32, #tpu.memory_space<vmem>>, vector<1x16xf32>,
        %parallel_loop3A_432 = vector.shape_cast %parallel_loop3A_431 : vector<1x16xf32> to vector<16xf32>
        %parallel_loop3A_433 = vector.shape_cast %parallel_loop3A_428 : vector<16xf32> to vector<1x16xf32>
        tpu.vector_store %arg20[%parallel_loop3A_429, %parallel_loop3A_430], %parallel_loop3A_433 {strides = array<i32>} : memref<128x64xf32, #tpu.memory_space<vmem>>, vector<1x16xf32>,
        %parallel_loop3A_434 = arith.index_cast %parallel_loop3A_415 : i32 to index
        %parallel_loop3A_435 = arith.constant 16 : index
        %parallel_loop3A_436 = tpu.vector_load %arg18[%parallel_loop3A_434, %parallel_loop3A_435] {strides = array<i32>} : memref<128x128xf32, #tpu.memory_space<vmem>>, vector<1x16xf32>,
        %parallel_loop3A_437 = vector.shape_cast %parallel_loop3A_436 : vector<1x16xf32> to vector<16xf32>
        %parallel_loop3A_438 = arith.constant 16 : i32
        %parallel_loop3A_439 = arith.addi %parallel_loop3A_418, %parallel_loop3A_438 : i32
        %parallel_loop3A_440 = arith.index_cast %parallel_loop3A_439 : i32 to index
        %parallel_loop3A_441 = tpu.vector_load %arg6[%parallel_loop3A_440] {strides = array<i32>} : memref<25600xf32, #tpu.memory_space<vmem>>, vector<16xf32>,
        %parallel_loop3A_442 = vector.shape_cast %parallel_loop3A_441 : vector<16xf32> to vector<16xf32>
        %parallel_loop3A_443 = arith.addf %parallel_loop3A_437, %parallel_loop3A_442 : vector<16xf32>
        %parallel_loop3A_444 = arith.index_cast %parallel_loop3A_415 : i32 to index
        %parallel_loop3A_445 = arith.constant 16 : index
        %parallel_loop3A_446 = tpu.vector_load %arg20[%parallel_loop3A_444, %parallel_loop3A_445] {strides = array<i32>} : memref<128x64xf32, #tpu.memory_space<vmem>>, vector<1x16xf32>,
        %parallel_loop3A_447 = vector.shape_cast %parallel_loop3A_446 : vector<1x16xf32> to vector<16xf32>
        %parallel_loop3A_448 = vector.shape_cast %parallel_loop3A_443 : vector<16xf32> to vector<1x16xf32>
        tpu.vector_store %arg20[%parallel_loop3A_444, %parallel_loop3A_445], %parallel_loop3A_448 {strides = array<i32>} : memref<128x64xf32, #tpu.memory_space<vmem>>, vector<1x16xf32>,
        %parallel_loop3A_449 = arith.index_cast %parallel_loop3A_415 : i32 to index
        %parallel_loop3A_450 = arith.constant 32 : index
        %parallel_loop3A_451 = tpu.vector_load %arg18[%parallel_loop3A_449, %parallel_loop3A_450] {strides = array<i32>} : memref<128x128xf32, #tpu.memory_space<vmem>>, vector<1x16xf32>,
        %parallel_loop3A_452 = vector.shape_cast %parallel_loop3A_451 : vector<1x16xf32> to vector<16xf32>
        %parallel_loop3A_453 = arith.constant 32 : i32
        %parallel_loop3A_454 = arith.addi %parallel_loop3A_418, %parallel_loop3A_453 : i32
        %parallel_loop3A_455 = arith.index_cast %parallel_loop3A_454 : i32 to index
        %parallel_loop3A_456 = tpu.vector_load %arg6[%parallel_loop3A_455] {strides = array<i32>} : memref<25600xf32, #tpu.memory_space<vmem>>, vector<16xf32>,
        %parallel_loop3A_457 = vector.shape_cast %parallel_loop3A_456 : vector<16xf32> to vector<16xf32>
        %parallel_loop3A_458 = arith.addf %parallel_loop3A_452, %parallel_loop3A_457 : vector<16xf32>
        %parallel_loop3A_459 = arith.index_cast %parallel_loop3A_415 : i32 to index
        %parallel_loop3A_460 = arith.constant 32 : index
        %parallel_loop3A_461 = tpu.vector_load %arg20[%parallel_loop3A_459, %parallel_loop3A_460] {strides = array<i32>} : memref<128x64xf32, #tpu.memory_space<vmem>>, vector<1x16xf32>,
        %parallel_loop3A_462 = vector.shape_cast %parallel_loop3A_461 : vector<1x16xf32> to vector<16xf32>
        %parallel_loop3A_463 = vector.shape_cast %parallel_loop3A_458 : vector<16xf32> to vector<1x16xf32>
        tpu.vector_store %arg20[%parallel_loop3A_459, %parallel_loop3A_460], %parallel_loop3A_463 {strides = array<i32>} : memref<128x64xf32, #tpu.memory_space<vmem>>, vector<1x16xf32>,
        %parallel_loop3A_464 = arith.index_cast %parallel_loop3A_415 : i32 to index
        %parallel_loop3A_465 = arith.constant 48 : index
        %parallel_loop3A_466 = tpu.vector_load %arg18[%parallel_loop3A_464, %parallel_loop3A_465] {strides = array<i32>} : memref<128x128xf32, #tpu.memory_space<vmem>>, vector<1x16xf32>,
        %parallel_loop3A_467 = vector.shape_cast %parallel_loop3A_466 : vector<1x16xf32> to vector<16xf32>
        %parallel_loop3A_468 = arith.constant 48 : i32
        %parallel_loop3A_469 = arith.addi %parallel_loop3A_418, %parallel_loop3A_468 : i32
        %parallel_loop3A_470 = arith.index_cast %parallel_loop3A_469 : i32 to index
        %parallel_loop3A_471 = tpu.vector_load %arg6[%parallel_loop3A_470] {strides = array<i32>} : memref<25600xf32, #tpu.memory_space<vmem>>, vector<16xf32>,
        %parallel_loop3A_472 = vector.shape_cast %parallel_loop3A_471 : vector<16xf32> to vector<16xf32>
        %parallel_loop3A_473 = arith.addf %parallel_loop3A_467, %parallel_loop3A_472 : vector<16xf32>
        %parallel_loop3A_474 = arith.index_cast %parallel_loop3A_415 : i32 to index
        %parallel_loop3A_475 = arith.constant 48 : index
        %parallel_loop3A_476 = tpu.vector_load %arg20[%parallel_loop3A_474, %parallel_loop3A_475] {strides = array<i32>} : memref<128x64xf32, #tpu.memory_space<vmem>>, vector<1x16xf32>,
        %parallel_loop3A_477 = vector.shape_cast %parallel_loop3A_476 : vector<1x16xf32> to vector<16xf32>
        %parallel_loop3A_478 = vector.shape_cast %parallel_loop3A_473 : vector<16xf32> to vector<1x16xf32>
        tpu.vector_store %arg20[%parallel_loop3A_474, %parallel_loop3A_475], %parallel_loop3A_478 {strides = array<i32>} : memref<128x64xf32, #tpu.memory_space<vmem>>, vector<1x16xf32>,
      } {sc.loop_unroll_factor = 8 : i64, sc.parallel_access}
      %add3A_407 = arith.addi %mul3A_2, %add3A_377 : i32
      %mul3A_408 = arith.constant 128 : i32
      %mul3A_409 = arith.muli %add3A_407, %mul3A_408 : i32
      %dma_start3A_410 = arith.constant 0 : i32
      %dma_start3A_411 = tpu.memref_slice %arg5[%mul3A_409, %dma_start3A_410] : memref<819200x64xf32, #tpu.memory_space<hbm>> -> memref<128x64xf32, #tpu.memory_space<hbm>>
      %dma_start3A_412 = arith.constant 0 : i32
      %dma_start3A_413 = tpu.memref_slice %arg5[%mul3A_409, %dma_start3A_412] : memref<819200x64xf32, #tpu.memory_space<hbm>> -> memref<128x64xf32, #tpu.memory_space<hbm>>
      tpu.enqueue_dma source(%arg20 : memref<128x64xf32, #tpu.memory_space<vmem>>) target(%dma_start3A_413 : memref<128x64xf32, #tpu.memory_space<hbm>>) target_semaphore(%arg34 : memref<!tpu.dma_semaphore, #tpu.memory_space<semaphore_mem>>)
      %scan3A_414 = arith.constant 0 : i32
      scf.yield %scan3A_414 : i32
    }
    %scan3A_81 = arith.constant 25 : i32
    %add3A_82 = arith.constant 198 : i32
    %add3A_83 = arith.addi %mul3A_2, %add3A_82 : i32
    %mul3A_84 = arith.constant 128 : i32
    %mul3A_85 = arith.muli %add3A_83, %mul3A_84 : i32
    %dma_wait3A_86 = arith.constant 0 : i32
    %dma_wait3A_87 = tpu.memref_slice %arg5[%mul3A_85, %dma_wait3A_86] : memref<819200x64xf32, #tpu.memory_space<hbm>> -> memref<128x64xf32, #tpu.memory_space<hbm>>
    %dma_wait3A_88 = arith.constant 0 : i32
    %dma_wait3A_89 = tpu.memref_slice %arg5[%mul3A_85, %dma_wait3A_88] : memref<819200x64xf32, #tpu.memory_space<hbm>> -> memref<128x64xf32, #tpu.memory_space<hbm>>
    tpu.wait_dma2 semaphore(%arg33 : memref<!tpu.dma_semaphore, #tpu.memory_space<semaphore_mem>>) src(%arg19 : memref<128x64xf32, #tpu.memory_space<vmem>>) dst(%dma_wait3A_89 : memref<128x64xf32, #tpu.memory_space<hbm>>)
    %add3A_90 = arith.constant 199 : i32
    %add3A_91 = arith.addi %mul3A_2, %add3A_90 : i32
    %mul3A_92 = arith.constant 128 : i32
    %mul3A_93 = arith.muli %add3A_91, %mul3A_92 : i32
    %dma_wait3A_94 = arith.constant 0 : i32
    %dma_wait3A_95 = tpu.memref_slice %arg5[%mul3A_93, %dma_wait3A_94] : memref<819200x64xf32, #tpu.memory_space<hbm>> -> memref<128x64xf32, #tpu.memory_space<hbm>>
    %dma_wait3A_96 = arith.constant 0 : i32
    %dma_wait3A_97 = tpu.memref_slice %arg5[%mul3A_93, %dma_wait3A_96] : memref<819200x64xf32, #tpu.memory_space<hbm>> -> memref<128x64xf32, #tpu.memory_space<hbm>>
    tpu.wait_dma2 semaphore(%arg34 : memref<!tpu.dma_semaphore, #tpu.memory_space<semaphore_mem>>) src(%arg20 : memref<128x64xf32, #tpu.memory_space<vmem>>) dst(%dma_wait3A_97 : memref<128x64xf32, #tpu.memory_space<hbm>>)
    return
  }
}

</mosaic_0001>

<sc_bundles>
// kernel: _embed.3.cloned.1.call-start
scs
__scs_entry_jumppad:
0x0: {  	(pc) =	sbr.rel $0x88, $3  }
0x1: {  	(tag) =	ssettag $0x0;
	lr =	simm.s32 $0x1  }
0x2: {  	[smem:$0x3F9E] =	sst lr;
	_ =	strace $0xD0000000  }
0x3: {  	_ = 	snop  }
0x4: {  	_ = 	snop  }
0x5: {  	_ = 	snop  }
0x6: {  	_ = 	snop  }
0x7: {  	_ = 	snop  }
__scs_overlays_trampoline_lowered:
0x8: {  	[smem:$0x3FAD] =	sst s0  }
0x9: {  	[smem:$0x3FAE] =	sst s1  }
0xa: {  	[smem:$0x3FAF] =	sst s2  }
0xb: {  	[smem:$0x3FB0] =	sst s3  }
0xc: {  	[smem:$0x3FB1] =	sst s4  }
0xd: {  	[smem:$0x3FB2] =	sst s5  }
0xe: {  	[smem:$0x3FB3] =	sst s6  }
0xf: {  	[smem:$0x3FB4] =	sst s7  }
0x10: {  	[smem:$0x3FB5] =	sst s8  }
0x11: {  	[smem:$0x3FB6] =	sst s9;
	s0 =	simm.s32 @!p0 $0x0  }
0x12: {  	s1 =	sld [smem:$0x3F9C];
	s0 =	simm.s32 @p0 $0x1  }
0x13: {  	[smem:$0x3FB7] =	sst s0;
	s0 =	simm.s32 @!p1 $0x0  }
0x14: {  	s2 =	sld [smem:$0x3F9B];
	s0 =	simm.s32 @p1 $0x1  }
0x15: {  	[smem:$0x3FB8] =	sst s0;
	s0 =	simm.s32 @!p2 $0x0  }
0x16: {  	s3 =	sld [smem:$0x3FDB];
	s0 =	simm.s32 @p2 $0x1  }
0x17: {  	s4 =	simm.s32 $0x1BF5;
	[smem:$0x3FBA] =	sst s0  }
0x18: {  	s0 =	sld [smem:$0x3F9D];
	_ =	swait.ge [sflag:s4], $0x0  }
0x19: {  	s7 =	sld [smem:$0x3F9E]  }
0x1a: {  	s8 =	sadd.s32 $0xFFFFE003, lr  }
0x1b: {  	s9 =	sadd.s32 $0xFFFFFEF7, lr;
	s5 =	simm.s32 $0xFFFFFFFF;
	p2 =	slt.u32 s8, $0xFFFFF086  }
0x1c: {  	p1 =	slt.u32 s9, $0xF7A;
	s5 =	simm.s32 @!p2 $0x0  }
0x1d: {  	s5 =	simm.s32 @p1 $0x1;
	p0 =	seq.s32 s7, s2  }
0x1e: {  	s7 =	smul.u32 @!p0 $0xF7A, s2;
	p2 =	seq.s32 @!p0 s5, $0x0  }
0x1f: {  	s9 =	smul.u32 $0xF7A, s1;
	s8 =	simm.s32 @!p0 $0x1BF5;
	p2 =	por !p2, p0  }
0x20: {  	[sflag:s8] =	ssyncset.s32 @!p0 $0xFFFFF086;
	s6 =	sadd.s32 @!p0 s3, s7;
	s7 =	simm.s32 @!p0 $0x108  }
0x21: {  	s3 =	sadd.s32 s3, s9;
	s6 =	sadd.s32 @!p0 $0x88, s6;
	s7 =	simm.s32 @p2 $0x1082  }
0x22: {  	[simem:s7], [sflag:s8] =	dma.local @!p0 [hbm:s6], $0xF7A  }
0x23: {  	s9 =	sor.u32 $0xD0000000, s2;
	s6 =	simm.s32 $0x108;
	_ =	swait.ge @!p0 [sflag:s8], $0x0  }
0x24: {  	s3 =	sadd.s32 $0x88, s3;
	s6 =	simm.s32 @!p1 $0x1082;
	[sflag:s4] =	ssyncset.s32 $0xFFFFF086  }
0x25: {  	[simem:s6], [sflag:s4] =	dma.local [hbm:s3], $0xF7A  }
0x26: {  	[smem:$0x3F9E] =	sst s1;
	(tag) =	ssettag s2;
	_ =	strace s9  }
0x27: {  	s1 =	sld [smem:$0x3FAE]  }
0x28: {  	s2 =	sld [smem:$0x3FAF]  }
0x29: {  	s4 =	sld [smem:$0x3FB1]  }
0x2a: {  	p0 =	seq.s32 s5, $0x0;
	s5 =	sld [smem:$0x3FB2]  }
0x2b: {  	s6 =	sld [smem:$0x3FB3]  }
0x2c: {  	s7 =	sld [smem:$0x3FB4]  }
0x2d: {  	s3 =	simm.s32 $0x108;
	s8 =	sld [smem:$0x3FB5]  }
0x2e: {  	s3 =	simm.s32 @!p0 $0x1082;
	s9 =	sld [smem:$0x3FB6]  }
0x2f: {  	lr =	sadd.s32 s0, s3;
	s0 =	sld [smem:$0x3FAD]  }
0x30: {  	s3 =	sld [smem:$0x3FB0]  }
0x31: {  	[smem:$0x3FB9] =	sst s10  }
0x32: {  	s10 =	sld [smem:$0x3FB7];
	_ =	sdelay $0x3  }
0x33: {  	p0 =	seq.s32 s10, $0x1;
	s10 =	sld [smem:$0x3FB9];
	_ =	sdelay $0x3  }
0x34: {  	[smem:$0x3FB9] =	sst s10  }
0x35: {  	s10 =	sld [smem:$0x3FB8];
	_ =	sdelay $0x3  }
0x36: {  	p1 =	seq.s32 s10, $0x1;
	s10 =	sld [smem:$0x3FB9];
	_ =	sdelay $0x3  }
0x37: {  	[smem:$0x3FB9] =	sst s10  }
0x38: {  	s10 =	sld [smem:$0x3FBA]  }
0x39: {  	_ = 	snop;
	(pc) =	sbr.ind lr, $3  }
0x3a: {  	_ = 	snop  }
0x3b: {  	_ = 	snop  }
0x3c: {  	p2 =	seq.s32 s10, $0x1;
	s10 =	sld [smem:$0x3FB9]  }
0x3d: {  	_ =	shalt  }
0x3e: {  	_ =	shalt  }
0x3f: {  	_ =	shalt  }
0x40: {  	_ =	shalt  }
0x41: {  	_ =	shalt  }
0x42: {  	_ =	shalt  }
0x43: {  	_ =	shalt  }
0x44: {  	_ =	shalt  }
0x45: {  	_ =	shalt  }
0x46: {  	_ =	shalt  }
0x47: {  	_ =	shalt  }
0x48: {  	_ =	shalt  }
0x49: {  	_ =	shalt  }
0x4a: {  	_ =	shalt  }
0x4b: {  	_ =	shalt  }
0x4c: {  	_ =	shalt  }
0x4d: {  	_ =	shalt  }
0x4e: {  	_ =	shalt  }
0x4f: {  	_ =	shalt  }
0x50: {  	_ =	shalt  }
0x51: {  	_ =	shalt  }
0x52: {  	_ =	shalt  }
0x53: {  	_ =	shalt  }
0x54: {  	_ =	shalt  }
0x55: {  	_ =	shalt  }
0x56: {  	_ =	shalt  }
0x57: {  	_ =	shalt  }
0x58: {  	_ =	shalt  }
0x59: {  	_ =	shalt  }
0x5a: {  	_ =	shalt  }
0x5b: {  	_ =	shalt  }
0x5c: {  	_ =	shalt  }
0x5d: {  	_ =	shalt  }
0x5e: {  	_ =	shalt  }
0x5f: {  	_ =	shalt  }
0x60: {  	_ =	shalt  }
0x61: {  	_ =	shalt  }
0x62: {  	_ =	shalt  }
0x63: {  	_ =	shalt  }
0x64: {  	_ =	shalt  }
0x65: {  	_ =	shalt  }
0x66: {  	_ =	shalt  }
0x67: {  	_ =	shalt  }
0x68: {  	_ =	shalt  }
0x69: {  	_ =	shalt  }
0x6a: {  	_ =	shalt  }
0x6b: {  	_ =	shalt  }
0x6c: {  	_ =	shalt  }
0x6d: {  	_ =	shalt  }
0x6e: {  	_ =	shalt  }
0x6f: {  	_ =	shalt  }
0x70: {  	_ =	shalt  }
0x71: {  	_ =	shalt  }
0x72: {  	_ =	shalt  }
0x73: {  	_ =	shalt  }
0x74: {  	_ =	shalt  }
0x75: {  	_ =	shalt  }
0x76: {  	_ =	shalt  }
0x77: {  	_ =	shalt  }
0x78: {  	_ =	shalt  }
0x79: {  	_ =	shalt  }
0x7a: {  	_ =	shalt  }
0x7b: {  	_ =	shalt  }
0x7c: {  	_ =	shalt  }
0x7d: {  	_ =	shalt  }
0x7e: {  	_ =	shalt  }
0x7f: {  	_ =	shalt  }
0x80: {  	_ =	shalt  }
0x81: {  	_ =	shalt  }
0x82: {  	_ =	shalt  }
0x83: {  	_ =	shalt  }
0x84: {  	_ =	shalt  }
0x85: {  	_ =	shalt  }
0x86: {  	_ =	shalt  }
0x87: {  	_ =	shalt  }
.Lfunc_end0:
.L_simem_size_0:
called_computation_lowered:
.L_overlay_start_0:
0x88: {  	s2 =	sld [smem:$0x3FD9]  }
0x89: {  	s3 =	sld [smem:$0x3FFE];
	_ =	sdelay $0x1  }
0x8a: {  	s1 =	srdreg.scid  }
0x8b: {  	s0 =	sand.u32 $0x1, s1  }
0x8c: {  	s17 =	sshll.u32 s0, $0xA;
	s2 =	sadd.s32 s3, s2  }
0x8d: {  	s2 =	sadd.s32 s2, s17  }
0x8e: {  	[smem:$0x3FC5] =	sst s2  }
0x8f: {  	_ = 	snop  }
0x90: {  	s2 =	sld [smem:$0x3FC9]  }
0x91: {  	s18 =	sld [smem:$0x3FC8]  }
0x92: {  	s4 =	sld [smem:$0x3FC7];
	(tm) =	ssettm $0x1  }
0x93: {  	s5 =	sld [smem:$0x3FFB];
	_ =	sdelay $0x3  }
0x94: {  	_ =	strace s5  }
0x95: {  	s5 =	sld [smem:$0x3FFC];
	_ =	sdelay $0x3  }
0x96: {  	_ =	strace s5  }
0x97: {  	s5 =	sld [smem:$0x3FFD];
	_ =	sdelay $0x3  }
0x98: {  	_ =	strace s5  }
0x99: {  	_ =	strace $0x8FFFFFFF  }
0x9a: {  	s19 =	sld [smem:$0x3FDB];
	_ =	sdelay $0x1  }
0x9b: {  	s6 =	simm.s32 $_scs_section_size  }
0x9c: {  	s7 =	simm.s32 $_size__tile_overlayer_lowered;
	s8 =	simm.s32 $_tile_overlayer_lowered  }
0x9d: {  	s22 =	simm.s32 $0x1BFF;
	s21 =	sshll.u32 s8, $0x1;
	s5 =	sadd.s32 s6, s19  }
0x9e: {  	s9 =	simm.s32 $0x0;
	s20 =	sshll.u32 s7, $0x1;
	s7 =	sadd.s32 s21, s5  }
0x9f: {  	[timem:s9], [sflag:s22] =	dma.local [hbm:s7], s20  }
0xa0: {  	_ =	swait.ge [sflag:s22], s20  }
0xa1: {  	s6 =	ssub.s32 $0x0, s20;
	[sflag:s22] =	ssyncset.done $0x0  }
0xa2: {  	[sflag:s22] =	ssyncadd.s32 s6;
	_ =	sdelay $0x1  }
0xa3: {  	s23 =	simm.s32 $0x1B8B  }
0xa4: {  	_ =	swait.ge [sflag:s23], $0x1  }
0xa5: {  	[sflag:s23] =	ssyncset.done $0x0  }
0xa6: {  	s25 =	simm.s32 $0x1B8E;
	s24 =	sld [smem:$0x3FFE];
	[sflag:s23] =	ssyncadd.s32 $0xFFFFFFFF  }
0xa7: {  	s26 =	simm.s32 $execute0_lowered;
	[smem:$0x3FD2] =	sst s25  }
0xa8: {  	s7 =	sshll.u32 s26, $0x1;
	_ =	strace $0x80000046;
	[dreg:$0x1] =	wrdreg $0xFFFFFFFF  }
0xa9: {  	s28 =	simm.s32 $_size_execute0_lowered;
	s5 =	sadd.s32 s5, s7;
	[dreg:$0x0] =	wrdreg $0x0  }
0xaa: {  	s7 =	sshll.u32 s28, $0x1;
	[dreg:$0x2] =	wrdreg s5  }
0xab: {  	[dreg:$0x3] =	wrdreg s7  }
0xac: {  	[dreg:$0x4] =	wrdreg $0xC0  }
0xad: {  	_ =	task [dreg:s9], $0x5FFFF  }
0xae: {  	[dreg:$0x1] =	wrdreg $0xFFFFFFFF  }
0xaf: {  	[dreg:$0x0] =	wrdreg $0x60  }
0xb0: {  	[dreg:$0x2] =	wrdreg s2  }
0xb1: {  	[dreg:$0x3] =	wrdreg s18  }
0xb2: {  	[dreg:$0x4] =	wrdreg s4  }
0xb3: {  	[dreg:$0x5] =	wrdreg s24  }
0xb4: {  	[dreg:$0x6] =	wrdreg $0x9  }
0xb5: {  	_ =	task.clear_ibuf [dreg:s9], $0x7FFFF;
	_ =	strace $0x90000046  }
0xb6: {  	s29 =	simm.s32 $0x9;
	_ =	strace $0x80000048  }
0xb7: {  	_ =	swait.ge [sflag:s29], $0x1  }
0xb8: {  	[sflag:s29] =	ssyncadd.s32 $0xFFFFFFFF  }
0xb9: {  	_ =	strace $0x90000048  }
0xba: {  	_ =	sfence  }
0xbb: {  	s30 =	sld [smem:$0x0];
	_ =	sdelay $0x2  }
0xbc: {  	s31 =	sshll.u32 s1, $0xD;
	s1 =	sshrl.u32 s1, $0x2  }
0xbd: {  	s3 =	sand.u32 $0x4000, s31;
	s1 =	sadd.s32 s1, s30  }
0xbe: {  	s0 =	sor.u32 s3, s0;
	s1 =	sshll.u32 s1, $0x11  }
0xbf: {  	s0 =	sor.u32 s1, s0  }
0xc0: {  	s0 =	sadd.s32 $0x8F2B, s0  }
0xc1: {  	[sflag:s0] =	ssyncadd.remote.s32 $0x1  }
0xc2: {  	_ =	sfence.sel $0xFFFF  }
0xc3: {  	[dreg:$0x0] =	wrdreg $0xFFFFFFFF;
	(pc) =	sbr.abs _section_cstart, $3  }
0xc4: {  	[dreg:$0x1] =	wrdreg $0xFFFFFFFF  }
0xc5: {  	_ =	task.clear_ibuf [dreg:s9], $0x2FFFF;
	_ =	strace $0x9FFFFFFF  }
0xc6: {  	(tm) =	ssettm $0x7FFFFFFF  }
0xc7: {  	_ =	shalt  }
tec
execute0_lowered:
.L_overlay_start_1:
0x0: {  	(tag) =	ssettag $0x1  }
0x1: {  	s0 =	srdreg.scid;
	s2 =	stileid.u32  }
0x2: {  	s0 =	sand.u32 $0x1, s0;
	s2 =	sshll.u32 s2, $0x1  }
0x3: {  	s30 =	rddreg [dreg:$0x0];
	s2 =	sor.u32 s0, s2  }
0x4: {  	s25 =	rddreg [dreg:$0x1];
	s3 =	smul.u32 $0xC80, s2  }
0x5: {  	s1 =	rddreg [dreg:$0x3];
	s28 =	simm.s32 $0x0;
	s24 =	smul.u32 $0xC8, s2  }
0x6: {  	[smem:$0x7FF] =	sst s28  }
0x7: {  	_ =	strace $0x80000047;
	s11 =	sadd.s32 s30, s3;
	[dreg:$0x6] =	wrdreg s24  }
0x8: {  	s18 =	sadd.s32 $0x8, s24;
	[dreg:$0x5] =	wrdreg s11  }
0x9: {  	s19 =	sadd.s32 $0x9, s24;
	[dreg:$0xe] =	wrdreg s18  }
0xa: {  	s20 =	sadd.s32 $0xA, s24;
	[dreg:$0xf] =	wrdreg s19  }
0xb: {  	s21 =	sadd.s32 $0xB, s24;
	[dreg:$0x10] =	wrdreg s20  }
0xc: {  	s22 =	sadd.s32 $0xC, s24;
	[dreg:$0x11] =	wrdreg s21  }
0xd: {  	s0 =	ssub.s32 $0x2, s0;
	s23 =	sadd.s32 $0xD, s24;
	[dreg:$0x12] =	wrdreg s22  }
0xe: {  	s4 =	sshrl.u32 s0, $0x1;
	s26 =	sadd.s32 $0xE, s24;
	[dreg:$0x13] =	wrdreg s23  }
0xf: {  	s0 =	ssub.s32 s0, s4;
	s31 =	sadd.s32 $0xF, s24;
	[dreg:$0x14] =	wrdreg s26  }
0x10: {  	s0 =	smax.u32 s0, $0x1;
	[dreg:$0x15] =	wrdreg s31  }
0x11: {  	s12 =	sadd.s32 $0x10, s11;
	[dreg:$0x16] =	wrdreg s0  }
0x12: {  	s13 =	sadd.s32 $0x20, s11;
	[dreg:$0x7] =	wrdreg s12  }
0x13: {  	s14 =	sadd.s32 $0x30, s11;
	[dreg:$0x8] =	wrdreg s13  }
0x14: {  	s15 =	sadd.s32 $0x40, s11;
	[dreg:$0x9] =	wrdreg s14  }
0x15: {  	s16 =	sadd.s32 $0x50, s11;
	[dreg:$0xa] =	wrdreg s15  }
0x16: {  	s17 =	sadd.s32 $0x60, s11;
	[dreg:$0xb] =	wrdreg s16  }
0x17: {  	s29 =	sadd.s32 $0x400, s1;
	s1 =	sadd.s32 $0x70, s11;
	[dreg:$0xc] =	wrdreg s17  }
0x18: {  	s2 =	simm.s32 $0x0;
	[dreg:$0xd] =	wrdreg s1  }
.LBB2_1:
0x19: {  	[dreg:$0x17] =	wrdreg s2  }
0x1a: {  	s0 =	rddreg [dreg:$0x2];
	s16 =	simm.s32 $0xF  }
0x1b: {  	[tilespmem:s28], [sflag:$0xF] =	stream.linear.gather [hbm4b:s0+s28], $0x6400, $0x38;
	[tilespmem:$0x1E800] =	vst v63  }
0x1c: {  	_ =	swait.ge [sflag:s16], $0x6400  }
0x1d: {  	s1 =	simm.s32 $0x6400;
	[sflag:s16] =	ssyncset.done $0x0  }
0x1e: {  	s19 =	simm.s32 $0x6480;
	s17 =	rddreg [dreg:$0x5];
	[sflag:s16] =	ssyncadd.s32 $0xFFFF9C00  }
0x1f: {  	[tilespmem:s1], [sflag:$0x1] =	stream.linear.gather [hbm4b:s17+s28], $0x80, $0x38;
	[tilespmem:$0x1E800] =	vst v63  }
0x20: {  	s3 =	simm.s32 $0x6500;
	s4 =	simm.s32 $0x6580;
	s18 =	rddreg [dreg:$0x7]  }
0x21: {  	[tilespmem:s19], [sflag:$0x2] =	stream.linear.gather [hbm4b:s18+s28], $0x80, $0x38;
	[tilespmem:$0x1E800] =	vst v63  }
0x22: {  	s23 =	simm.s32 $0x6600;
	s26 =	simm.s32 $0x6680;
	s20 =	rddreg [dreg:$0x8]  }
0x23: {  	[tilespmem:s3], [sflag:$0x3] =	stream.linear.gather [hbm4b:s20+s28], $0x80, $0x38;
	[tilespmem:$0x1E800] =	vst v63  }
0x24: {  	s6 =	simm.s32 $0x6700;
	s8 =	simm.s32 $0x6780;
	s21 =	rddreg [dreg:$0x9]  }
0x25: {  	[tilespmem:s4], [sflag:$0x4] =	stream.linear.gather [hbm4b:s21+s28], $0x80, $0x38;
	[tilespmem:$0x1E800] =	vst v63  }
0x26: {  	s9 =	simm.s32 $0x1;
	s10 =	simm.s32 $0x6800;
	s22 =	rddreg [dreg:$0xa]  }
0x27: {  	[tilespmem:s23], [sflag:$0x5] =	stream.linear.gather [hbm4b:s22+s28], $0x80, $0x38;
	[tilespmem:$0x1E800] =	vst v63  }
0x28: {  	s11 =	simm.s32 $0x80;
	s12 =	simm.s32 $0x2;
	s24 =	rddreg [dreg:$0xb]  }
0x29: {  	[tilespmem:s26], [sflag:$0x6] =	stream.linear.gather [hbm4b:s24+s28], $0x80, $0x38;
	[tilespmem:$0x1E800] =	vst v63  }
0x2a: {  	s13 =	simm.s32 $0xA800;
	s14 =	simm.s32 $0x3;
	s5 =	rddreg [dreg:$0xc]  }
0x2b: {  	[tilespmem:s6], [sflag:$0x7] =	stream.linear.gather [hbm4b:s5+s28], $0x80, $0x38;
	[tilespmem:$0x1E800] =	vst v63  }
0x2c: {  	s15 =	simm.s32 $0xE800;
	s31 =	simm.s32 $0xC1C0;
	s7 =	rddreg [dreg:$0xd]  }
0x2d: {  	[tilespmem:s8], [sflag:$0x8] =	stream.linear.gather [hbm4b:s7+s28], $0x80, $0x38;
	[tilespmem:$0x1E800] =	vst v63  }
0x2e: {  	s0 =	simm.s32 $0xA1C0;
	s16 =	simm.s32 $0x21C0;
	_ =	swait.ge [sflag:s9], $0x80  }
0x2f: {  	s17 =	simm.s32 $0x41C0;
	s18 =	simm.s32 $0x61C0;
	[sflag:s9] =	ssyncset.done $0x0  }
0x30: {  	s20 =	simm.s32 $0x1C0;
	s21 =	simm.s32 $0x81C0;
	[sflag:s9] =	ssyncadd.s32 $0xFFFFFF80  }
0x31: {  	[tilespmem:s10], [sflag:$0x9] =	stream.indirect.gather [hbm4b:s25+s11], $0x80, s1, s11, $0xb8;
	[tilespmem:$0x1E800] =	vst v63  }
0x32: {  	s4 =	simm.s32 $0x0;
	s22 =	simm.s32 $0x180;
	_ =	swait.ge [sflag:s12], $0x80  }
0x33: {  	s23 =	simm.s32 $0x200;
	s24 =	simm.s32 $0xA1C0;
	[sflag:s12] =	ssyncset.done $0x0  }
0x34: {  	s26 =	simm.s32 $0x80;
	s6 =	simm.s32 $0x0;
	[sflag:s12] =	ssyncadd.s32 $0xFFFFFF80  }
0x35: {  	[tilespmem:s13], [sflag:$0xA] =	stream.indirect.gather [hbm4b:s25+s11], $0x80, s19, s11, $0xb8;
	[tilespmem:$0x1E800] =	vst v63  }
0x36: {  	s7 =	simm.s32 $0x81C0;
	_ =	swait.ge [sflag:s14], $0x80;
	[dreg:$0x19] =	wrdreg s16  }
0x37: {  	s9 =	simm.s32 $0x61C0;
	s10 =	simm.s32 $0x380;
	[dreg:$0x1b] =	wrdreg s17  }
0x38: {  	s19 =	simm.s32 $0x100;
	s13 =	simm.s32 $0x21C0;
	[dreg:$0x1d] =	wrdreg s18  }
0x39: {  	[dreg:$0x1f] =	wrdreg s21;
	s18 =	simm.s32 $0x280;
	s17 =	simm.s32 $0x300  }
0x3a: {  	s21 =	simm.s32 $0xE1C0;
	[sflag:s14] =	ssyncset.done $0x0;
	[smem:$0x7FC] =	sst s24  }
0x3b: {  	s16 =	simm.s32 $0xE1C0;
	[smem:$0x7FD] =	sst s26;
	[sflag:s14] =	ssyncadd.s32 $0xFFFFFF80  }
0x3c: {  	[tilespmem:s15], [sflag:$0xB] =	stream.indirect.gather [hbm4b:s25+s11], $0x80, s3, s11, $0xb8;
	[tilespmem:$0x1E800] =	vst v63  }
0x3d: {  	s3 =	simm.s32 $0xC1C0;
	s15 =	simm.s32 $0x41C0;
	s11 =	simm.s32 $0x1C0  }
.LBB2_2:
0x3e: {  	[smem:$0x7F9] =	sst s21  }
0x3f: {  	[smem:$0x7FA] =	sst s31;
	s2 =	simm.s32 $0x9  }
0x40: {  	_ =	swait.ge [sflag:s2], $0x4000  }
0x41: {  	p1 =	seq.s32 s4, $0x0;
	[sflag:s2] =	ssyncset.done $0x0  }
0x42: {  	[sflag:s2] =	ssyncadd.s32 $0xFFFFC000;
	s2 =	simm.s32 @!p1 $0xD  }
0x43: {  	p0 =	seq.s32 @!p1 s4, $0x18;
	_ =	swait.ge @!p1 [sflag:s2], $0x4000  }
0x44: {  	p2 =	por p1, !p0;
	[sflag:s2] =	ssyncset.done @!p1 $0x0  }
0x45: {  	s5 =	sshll.u32 s4, $0x3;
	[sflag:s2] =	ssyncadd.s32 @!p1 $0xFFFFC000;
	s2 =	rddreg @p2 [dreg:$0xe]  }
0x46: {  	s2 =	sadd.s32 @p2 s5, s2  }
0x47: {  	s2 =	sshll.u32 @p2 s2, $0x4  }
0x48: {  	[smem:$0x7FB] =	sst s4;
	s4 =	simm.s32 @p2 $0x6400;
	s2 =	sand.u32 @p2 $0x1FFFFF80, s2  }
0x49: {  	[smem:$0x7EF] =	sst s6;
	s6 =	smulhi.u32 $0x51EB851F, s6;
	s2 =	sadd.s32 @p2 s30, s2  }
0x4a: {  	[tilespmem:s4], [sflag:$0x1] =	stream.linear.gather @p2 [hbm4b:s2+s28], $0x80, $0x38;
	[tilespmem:$0x1E800] =	vst v63  }
0x4b: {  	s12 =	simm.s32 $0x4;
	s2 =	sshrl.u32 s6, $0x6  }
0x4c: {  	s8 =	smul.u32 $0xFFFF3800, s2;
	_ =	swait.ge [sflag:s12], $0x80  }
0x4d: {  	s14 =	simm.s32 $0x6580;
	s24 =	simm.s32 $0x80;
	[sflag:s12] =	ssyncset.done $0x0  }
0x4e: {  	s4 =	sshra.s32 s8, $0x2;
	[sflag:s12] =	ssyncadd.s32 $0xFFFFFF80;
	s8 =	simm.s32 $0x12800  }
0x4f: {  	[tilespmem:s8], [sflag:$0xC] =	stream.indirect.gather [hbm4b:s25+s24], $0x80, s14, s24, $0xb8;
	[tilespmem:$0x1E800] =	vst v63  }
0x50: {  	s21 =	smov.u32 s25;
	v0 =	vmov s4;
	s25 =	simm.s32 $0x6A00  }
0x51: {  	v2 =	vld [tilespmem:s25+$0x100]  }
0x52: {  	v6 =	vld [tilespmem:s25+$0xFFFFFF00]  }
0x53: {  	v7 =	vld [tilespmem:s25+$0x0]  }
0x54: {  	v13 =	vld [tilespmem:s25+$0xFFFFFE80]  }
0x55: {  	v1 =	vld.idx.msk [tilespmem:v0+s11+$0xFFFFFFC0 ss:$0x1], $0xffff  }
0x56: {  	v14 =	vld [tilespmem:s25+$0xFFFFFF80]  }
0x57: {  	v3 =	vld.idx.msk [tilespmem:v0+s11+$0xFFFFFE40 ss:$0x1], $0xffff  }
0x58: {  	v4 =	vld.idx.msk [tilespmem:v0+s11+$0xFFFFFEC0 ss:$0x1], $0xffff  }
0x59: {  	v5 =	vld.idx.msk [tilespmem:v0+s11+$0xFFFFFF40 ss:$0x1], $0xffff  }
0x5a: {  	v8 =	vld.idx.msk [tilespmem:v0+s11+$0xFFFFFE80 ss:$0x1], $0xffff;
	v1 =	vadd.f32 v1, v2  }
0x5b: {  	s14 =	simm.s32 $0x16A00;
	v2 =	vld [tilespmem:s25+$0xFFFFFE00]  }
0x5c: {  	v48 =	vld [tilespmem:s25+$0x80];
	[tilespmem:s14+$0x100] =	vst v1  }
0x5d: {  	v1 =	vld.idx.msk [tilespmem:v0+s11+$0xFFFFFFD0 ss:$0x1], $0xffff  }
0x5e: {  	v9 =	vld [tilespmem:s25+$0x110]  }
0x5f: {  	v10 =	vld.idx.msk [tilespmem:v0+s11+$0xFFFFFF00 ss:$0x1], $0xffff;
	v5 =	vadd.f32 v5, v7;
	v7 =	vadd.f32 v8, v13  }
0x60: {  	v11 =	vld.idx.msk [tilespmem:v0+s11+$0xFFFFFF80 ss:$0x1], $0xffff;
	v2 =	vadd.f32 v3, v2;
	v3 =	vadd.f32 v4, v6  }
0x61: {  	v12 =	vld.idx.msk [tilespmem:v0+s11+$0x0 ss:$0x1], $0xffff;
	[tilespmem:s14+$0xFFFFFE80] =	vst v7  }
0x62: {  	v7 =	vld [tilespmem:s25+$0xFFFFFE90];
	[tilespmem:s14+$0xFFFFFF00] =	vst v3  }
0x63: {  	[tilespmem:s14+$0x0] =	vst v5;
	v1 =	vadd.f32 v1, v9;
	v5 =	vld.idx.msk [tilespmem:v0+s11+$0xFFFFFED0 ss:$0x1], $0xffff  }
0x64: {  	v49 =	vld [tilespmem:s25+$0xFFFFFF10]  }
0x65: {  	[tilespmem:s14+$0x110] =	vst v1;
	v1 =	vld [tilespmem:s25+$0x180]  }
0x66: {  	v4 =	vld.idx.msk [tilespmem:v0+s11+$0xFFFFFFE0 ss:$0x1], $0xffff  }
0x67: {  	[tilespmem:s14+$0xFFFFFE00] =	vst v2;
	v2 =	vld [tilespmem:s25+$0x120]  }
0x68: {  	v3 =	vld.idx.msk [tilespmem:v0+s11+$0xFFFFFE50 ss:$0x1], $0xffff;
	v9 =	vadd.f32 v11, v48  }
0x69: {  	v8 =	vld [tilespmem:s25+$0xFFFFFE10]  }
0x6a: {  	v6 =	vld.idx.msk [tilespmem:v0+s11+$0xFFFFFF50 ss:$0x1], $0xffff;
	[tilespmem:s14+$0x80] =	vst v9;
	v5 =	vadd.f32 v5, v49  }
0x6b: {  	v54 =	vld [tilespmem:s25+$0x90];
	v1 =	vadd.f32 v12, v1  }
0x6c: {  	s28 =	smov.u32 s30;
	s30 =	smul.u32 $0xFFFFCE00, s2;
	[tilespmem:s14+$0xFFFFFF10] =	vst v5;
	v2 =	vadd.f32 v4, v2;
	v4 =	vld [tilespmem:s25+$0x10]  }
0x6d: {  	v55 =	vld [tilespmem:s25+$0xFFFFFF20];
	[tilespmem:s14+$0x180] =	vst v1  }
0x6e: {  	s4 =	sadd.s32 s20, s30;
	v1 =	vadd.f32 v3, v8;
	[tilespmem:s14+$0x120] =	vst v2;
	v8 =	vld [tilespmem:s25+$0x190]  }
0x6f: {  	s12 =	sadd.s32 $0xFFFFFE80, s4;
	v2 =	vadd.f32 v10, v14;
	v50 =	vld.idx.msk [tilespmem:v0+s11+$0xFFFFFFF0 ss:$0x1], $0xffff  }
0x70: {  	s26 =	sor.u32 $0x50, s12;
	v51 =	vld [tilespmem:s25+$0x130];
	[tilespmem:s14+$0xFFFFFE10] =	vst v1  }
0x71: {  	[tilespmem:s14+$0xFFFFFF80] =	vst v2;
	v2 =	vld [tilespmem:s26+$0x0]  }
0x72: {  	s8 =	sadd.s32 $0xFFFFFF00, s4;
	v5 =	vld.idx.msk [tilespmem:v0+s11+$0xFFFFFE60 ss:$0x1], $0xffff  }
0x73: {  	s6 =	sor.u32 $0x50, s8;
	v52 =	vld [tilespmem:s25+$0xFFFFFF90]  }
0x74: {  	s26 =	sor.u32 $0x50, s4;
	v53 =	vld [tilespmem:s6+$0x0];
	s6 =	sadd.s32 $0xFFFFFF80, s4  }
0x75: {  	v1 =	vadd.f32 v6, v4;
	v4 =	vld [tilespmem:s26+$0x0];
	s24 =	sor.u32 $0x50, s6  }
0x76: {  	v3 =	vld [tilespmem:s24+$0x0]  }
0x77: {  	[tilespmem:s14+$0x10] =	vst v1;
	v1 =	vld.idx.msk [tilespmem:v0+s11+$0xFFFFFEE0 ss:$0x1], $0xffff  }
0x78: {  	s24 =	smulhi.u32 $0x51EB851F, s10;
	v6 =	vld.idx.msk [tilespmem:v0+s11+$0xFFFFFF60 ss:$0x1], $0xffff;
	v2 =	vadd.f32 v2, v7  }
0x79: {  	v7 =	vld [tilespmem:s25+$0xFFFFFE20];
	[smem:$0x7F0] =	sst s10  }
0x7a: {  	s2 =	sshrl.u32 s24, $0x6;
	[tilespmem:s14+$0xFFFFFE90] =	vst v2;
	v2 =	vadd.f32 v53, v52  }
0x7b: {  	v56 =	vld [tilespmem:s25+$0x20];
	s24 =	smul.u32 $0xFFFF3800, s2  }
0x7c: {  	s26 =	sor.u32 $0x60, s12;
	v57 =	vld [tilespmem:s25+$0xFFFFFEA0];
	[tilespmem:s14+$0xFFFFFF90] =	vst v2  }
0x7d: {  	v2 =	vadd.f32 v3, v54;
	v3 =	vld [tilespmem:s26+$0x0];
	[smem:$0x7F1] =	sst s24  }
0x7e: {  	s26 =	sor.u32 $0x60, s8;
	s24 =	smulhi.u32 $0x51EB851F, s17;
	v58 =	vld [tilespmem:s25+$0xFFFFFFA0];
	[smem:$0x7F2] =	sst s17  }
0x7f: {  	[tilespmem:s14+$0x90] =	vst v2;
	v2 =	vadd.f32 v4, v8;
	v4 =	vld [tilespmem:s26+$0x0];
	s26 =	sor.u32 $0x60, s6  }
0x80: {  	s17 =	sshrl.u32 s24, $0x6;
	s24 =	smulhi.u32 $0x51EB851F, s18;
	v8 =	vld [tilespmem:s25+$0xA0];
	[smem:$0x7F3] =	sst s18  }
0x81: {  	[tilespmem:s14+$0x190] =	vst v2;
	v2 =	vadd.f32 v5, v7;
	v5 =	vld [tilespmem:s26+$0x0];
	s26 =	smul.u32 $0xFFFF3800, s17  }
0x82: {  	s24 =	sshrl.u32 s24, $0x6  }
0x83: {  	s18 =	smul.u32 $0xFFFF3800, s24;
	[smem:$0x7F4] =	sst s26  }
0x84: {  	s10 =	sor.u32 $0x60, s4;
	v1 =	vadd.f32 v1, v55;
	v7 =	vld [tilespmem:s25+$0x1A0];
	[tilespmem:s14+$0xFFFFFE20] =	vst v2  }
0x85: {  	v2 =	vadd.f32 v6, v56;
	v6 =	vld [tilespmem:s10+$0x0];
	[smem:$0x7F5] =	sst s18  }
0x86: {  	[tilespmem:s14+$0xFFFFFF20] =	vst v1  }
0x87: {  	v59 =	vld.idx.msk [tilespmem:v0+s11+$0xFFFFFE70 ss:$0x1], $0xffff;
	[dreg:$0x1e] =	wrdreg s23;
	s23 =	smulhi.u32 $0x51EB851F, s23  }
0x88: {  	s31 =	smul.u32 $0xFFFFCE00, s24  }
0x89: {  	s24 =	smulhi.u32 $0x51EB851F, s22;
	[tilespmem:s14+$0x20] =	vst v2;
	v2 =	vld.idx.msk [tilespmem:v0+s11+$0xFFFFFEF0 ss:$0x1], $0xffff;
	s10 =	sshrl.u32 s23, $0x6  }
0x8a: {  	v60 =	vld.idx.msk [tilespmem:v0+s11+$0xFFFFFF70 ss:$0x1], $0xffff;
	[dreg:$0x1c] =	wrdreg s22;
	s22 =	smul.u32 $0xFFFF3800, s10  }
0x8b: {  	s26 =	smul.u32 $0xFFFFCE00, s17;
	s17 =	sshrl.u32 s24, $0x6;
	v1 =	vadd.f32 v3, v57  }
0x8c: {  	s23 =	smul.u32 $0xFFFF3800, s17;
	v3 =	vld [tilespmem:s25+$0xFFFFFE30];
	[smem:$0x7F6] =	sst s22  }
0x8d: {  	v61 =	vld [tilespmem:s25+$0xFFFFFF30];
	[tilespmem:s14+$0xFFFFFEA0] =	vst v1;
	v1 =	vadd.f32 v4, v58  }
0x8e: {  	v4 =	vld [tilespmem:s25+$0x30];
	[smem:$0x7F7] =	sst s23  }
0x8f: {  	v10 =	vadd.f32 v50, v51;
	[tilespmem:s14+$0xFFFFFFA0] =	vst v1  }
0x90: {  	s24 =	smulhi.u32 $0x51EB851F, s19;
	v5 =	vadd.f32 v5, v8;
	v62 =	vld [tilespmem:s25+$0xFFFFFEB0];
	[dreg:$0x1a] =	wrdreg s19  }
0x91: {  	[tilespmem:s14+$0x130] =	vst v10  }
0x92: {  	s12 =	sor.u32 $0x70, s12;
	s19 =	sshrl.u32 s24, $0x6;
	[tilespmem:s14+$0xA0] =	vst v5  }
0x93: {  	v8 =	vld [tilespmem:s12+$0x0];
	s23 =	smul.u32 $0xFFFF3800, s19;
	s22 =	sld [smem:$0x7FD]  }
0x94: {  	s2 =	smul.u32 $0xFFFFCE00, s2;
	s8 =	sor.u32 $0x70, s8;
	v6 =	vadd.f32 v6, v7;
	v1 =	vld [tilespmem:s25+$0xFFFFFFB0]  }
0x95: {  	s17 =	smul.u32 $0xFFFFCE00, s17;
	v5 =	vadd.f32 v59, v3;
	v3 =	vld [tilespmem:s8+$0x0];
	[smem:$0x7F8] =	sst s23  }
0x96: {  	s1 =	smov.u32 s29;
	s29 =	smov.u32 s20;
	v63 =	vadd.f32 v60, v4;
	[tilespmem:s14+$0x1A0] =	vst v6;
	s18 =	smulhi.u32 $0x51EB851F, s22  }
0x97: {  	p0 =	por @!p1 $0x1, $0x1;
	s6 =	sor.u32 $0x70, s6;
	s10 =	smul.u32 $0xFFFFCE00, s10;
	v6 =	vadd.f32 v2, v61;
	v2 =	vld [tilespmem:s25+$0xB0];
	[tilespmem:s14+$0xFFFFFE30] =	vst v5  }
0x98: {  	p0 =	por @p2 $0x0, $0x0;
	s19 =	smul.u32 $0xFFFFCE00, s19;
	v5 =	vld [tilespmem:s6+$0x0];
	[tilespmem:s14+$0x30] =	vst v63;
	s24 =	sshrl.u32 s18, $0x6  }
0x99: {  	s4 =	sor.u32 $0x70, s4;
	s8 =	simm.s32 $0x0;
	v4 =	vld [tilespmem:s25+$0x1B0];
	[tilespmem:s14+$0xFFFFFF30] =	vst v6;
	v7 =	vadd.f32 v8, v62;
	s6 =	smul.u32 $0xFFFF3800, s24  }
0x9a: {  	v6 =	vld [tilespmem:s4+$0x0];
	s4 =	sadd.s32 $0x200, s11;
	[dreg:$0x18] =	wrdreg s20;
	s23 =	smul.u32 $0xFFFFCE00, s24  }
.LBB2_3:
0x9b: {  	v8 =	vld.idx.msk [tilespmem:v0+s4+$0xFFFFFFC0 ss:$0x1], $0xffff;
	s8 =	sadd.s32 $0x8, s8;
	[tilespmem:s14+$0xFFFFFEB0] =	vst v7;
	v1 =	vadd.f32 v3, v1;
	s25 =	sadd.s32 $0x400, s25  }
0x9c: {  	v3 =	vld [tilespmem:s25+$0x100];
	p2 =	slt.u32 s8, $0x78  }
0x9d: {  	v7 =	vld.idx.msk [tilespmem:v0+s4+$0xFFFFFE40 ss:$0x1], $0xffff;
	[tilespmem:s14+$0xFFFFFFB0] =	vst v1;
	v1 =	vadd.f32 v5, v2  }
0x9e: {  	v2 =	vld.idx.msk [tilespmem:v0+s4+$0xFFFFFEC0 ss:$0x1], $0xffff  }
0x9f: {  	v5 =	vld.idx.msk [tilespmem:v0+s4+$0xFFFFFF40 ss:$0x1], $0xffff;
	[tilespmem:s14+$0xB0] =	vst v1;
	v1 =	vadd.f32 v6, v4  }
0xa0: {  	v4 =	vld [tilespmem:s25+$0xFFFFFF00]  }
0xa1: {  	v6 =	vld [tilespmem:s25+$0x0];
	v3 =	vadd.f32 v8, v3;
	[tilespmem:s14+$0x1B0] =	vst v1  }
0xa2: {  	s14 =	sadd.s32 $0x400, s14;
	v1 =	vld [tilespmem:s25+$0xFFFFFE00]  }
0xa3: {  	v8 =	vld.idx.msk [tilespmem:v0+s4+$0xFFFFFE80 ss:$0x1], $0xffff;
	[tilespmem:s14+$0x100] =	vst v3  }
0xa4: {  	v3 =	vld.idx.msk [tilespmem:v0+s4+$0xFFFFFFD0 ss:$0x1], $0xffff  }
0xa5: {  	v2 =	vadd.f32 v2, v4;
	v4 =	vld [tilespmem:s25+$0x110]  }
0xa6: {  	v9 =	vld.idx.msk [tilespmem:v0+s4+$0xFFFFFF00 ss:$0x1], $0xffff;
	v5 =	vadd.f32 v5, v6  }
0xa7: {  	v1 =	vadd.f32 v7, v1;
	[tilespmem:s14+$0xFFFFFF00] =	vst v2;
	v2 =	vld.idx.msk [tilespmem:v0+s4+$0xFFFFFF80 ss:$0x1], $0xffff  }
0xa8: {  	[tilespmem:s14+$0x0] =	vst v5;
	v5 =	vld.idx.msk [tilespmem:v0+s4+$0x0 ss:$0x1], $0xffff  }
0xa9: {  	[tilespmem:s14+$0xFFFFFE00] =	vst v1;
	v1 =	vld [tilespmem:s25+$0xFFFFFE80]  }
0xaa: {  	v6 =	vld [tilespmem:s25+$0xFFFFFF80];
	v3 =	vadd.f32 v3, v4  }
0xab: {  	v4 =	vld [tilespmem:s25+$0x80]  }
0xac: {  	[tilespmem:s14+$0x110] =	vst v3;
	v3 =	vld [tilespmem:s25+$0x180]  }
0xad: {  	v7 =	vld.idx.msk [tilespmem:v0+s4+$0xFFFFFFE0 ss:$0x1], $0xffff  }
0xae: {  	v1 =	vadd.f32 v8, v1;
	v8 =	vld [tilespmem:s25+$0x120]  }
0xaf: {  	v10 =	vld.idx.msk [tilespmem:v0+s4+$0xFFFFFE50 ss:$0x1], $0xffff;
	v6 =	vadd.f32 v9, v6  }
0xb0: {  	[tilespmem:s14+$0xFFFFFE80] =	vst v1;
	v1 =	vld.idx.msk [tilespmem:v0+s4+$0xFFFFFED0 ss:$0x1], $0xffff;
	v2 =	vadd.f32 v2, v4  }
0xb1: {  	[tilespmem:s14+$0xFFFFFF80] =	vst v6;
	v4 =	vld.idx.msk [tilespmem:v0+s4+$0xFFFFFF50 ss:$0x1], $0xffff;
	v3 =	vadd.f32 v5, v3  }
0xb2: {  	v5 =	vld [tilespmem:s25+$0xFFFFFE10];
	[tilespmem:s14+$0x80] =	vst v2  }
0xb3: {  	v2 =	vld [tilespmem:s25+$0xFFFFFF10];
	v6 =	vadd.f32 v7, v8;
	[tilespmem:s14+$0x180] =	vst v3  }
0xb4: {  	s29 =	sadd.s32 $0x200, s29;
	v3 =	vld [tilespmem:s25+$0x10]  }
0xb5: {  	s12 =	sadd.s32 s29, s30;
	v7 =	vld [tilespmem:s25+$0xFFFFFE90];
	[tilespmem:s14+$0x120] =	vst v6  }
0xb6: {  	s18 =	sadd.s32 $0xFFFFFE80, s12;
	v6 =	vld.idx.msk [tilespmem:v0+s4+$0xFFFFFFF0 ss:$0x1], $0xffff  }
0xb7: {  	s20 =	sor.u32 $0x50, s18;
	v5 =	vadd.f32 v10, v5;
	v8 =	vld [tilespmem:s25+$0x130]  }
0xb8: {  	v9 =	vld [tilespmem:s20+$0x0];
	v1 =	vadd.f32 v1, v2;
	s20 =	sadd.s32 $0xFFFFFF00, s12  }
0xb9: {  	[tilespmem:s14+$0xFFFFFE10] =	vst v5;
	v2 =	vld [tilespmem:s25+$0xFFFFFF90];
	s22 =	sor.u32 $0x50, s20;
	v3 =	vadd.f32 v4, v3  }
0xba: {  	[tilespmem:s14+$0xFFFFFF10] =	vst v1;
	v1 =	vld [tilespmem:s22+$0x0];
	s22 =	sadd.s32 $0xFFFFFF80, s12  }
0xbb: {  	[tilespmem:s14+$0x10] =	vst v3;
	v3 =	vld [tilespmem:s25+$0x90];
	s24 =	sor.u32 $0x50, s22  }
0xbc: {  	v4 =	vld [tilespmem:s24+$0x0];
	v5 =	vadd.f32 v6, v8  }
0xbd: {  	s24 =	sor.u32 $0x50, s12;
	v6 =	vadd.f32 v9, v7;
	v7 =	vld [tilespmem:s25+$0x190]  }
0xbe: {  	[tilespmem:s14+$0x130] =	vst v5;
	v5 =	vld [tilespmem:s24+$0x0]  }
0xbf: {  	v8 =	vld.idx.msk [tilespmem:v0+s4+$0xFFFFFE60 ss:$0x1], $0xffff;
	[tilespmem:s14+$0xFFFFFE90] =	vst v6;
	v1 =	vadd.f32 v1, v2  }
0xc0: {  	v2 =	vld.idx.msk [tilespmem:v0+s4+$0xFFFFFEE0 ss:$0x1], $0xffff  }
0xc1: {  	[tilespmem:s14+$0xFFFFFF90] =	vst v1;
	v1 =	vld.idx.msk [tilespmem:v0+s4+$0xFFFFFF60 ss:$0x1], $0xffff;
	v3 =	vadd.f32 v4, v3  }
0xc2: {  	v4 =	vld [tilespmem:s25+$0xFFFFFE20]  }
0xc3: {  	v6 =	vld [tilespmem:s25+$0xFFFFFF20];
	[tilespmem:s14+$0x90] =	vst v3;
	v3 =	vadd.f32 v5, v7  }
0xc4: {  	v5 =	vld [tilespmem:s25+$0x20]  }
0xc5: {  	s24 =	sor.u32 $0x60, s18;
	v7 =	vld [tilespmem:s25+$0xFFFFFEA0];
	[tilespmem:s14+$0x190] =	vst v3  }
0xc6: {  	v3 =	vld [tilespmem:s24+$0x0]  }
0xc7: {  	s24 =	sor.u32 $0x60, s20;
	v4 =	vadd.f32 v8, v4;
	v8 =	vld [tilespmem:s25+$0xFFFFFFA0]  }
0xc8: {  	v2 =	vadd.f32 v2, v6;
	v6 =	vld [tilespmem:s24+$0x0]  }
0xc9: {  	s24 =	sor.u32 $0x60, s22;
	[tilespmem:s14+$0xFFFFFE20] =	vst v4;
	v1 =	vadd.f32 v1, v5;
	v4 =	vld [tilespmem:s25+$0xA0]  }
0xca: {  	[tilespmem:s14+$0xFFFFFF20] =	vst v2;
	v2 =	vld [tilespmem:s24+$0x0]  }
0xcb: {  	s24 =	sor.u32 $0x60, s12;
	v3 =	vadd.f32 v3, v7;
	[tilespmem:s14+$0x20] =	vst v1;
	v1 =	vld [tilespmem:s25+$0x1A0]  }
0xcc: {  	v5 =	vld [tilespmem:s24+$0x0]  }
0xcd: {  	v7 =	vld.idx.msk [tilespmem:v0+s4+$0xFFFFFE70 ss:$0x1], $0xffff;
	[tilespmem:s14+$0xFFFFFEA0] =	vst v3;
	v3 =	vadd.f32 v6, v8  }
0xce: {  	v6 =	vld.idx.msk [tilespmem:v0+s4+$0xFFFFFEF0 ss:$0x1], $0xffff  }
0xcf: {  	[tilespmem:s14+$0xFFFFFFA0] =	vst v3;
	v8 =	vld.idx.msk [tilespmem:v0+s4+$0xFFFFFF70 ss:$0x1], $0xffff;
	v2 =	vadd.f32 v2, v4  }
0xd0: {  	v3 =	vld [tilespmem:s25+$0xFFFFFE30]  }
0xd1: {  	v4 =	vld [tilespmem:s25+$0xFFFFFF30];
	[tilespmem:s14+$0xA0] =	vst v2;
	v1 =	vadd.f32 v5, v1  }
0xd2: {  	v2 =	vld [tilespmem:s25+$0x30]  }
0xd3: {  	s18 =	sor.u32 $0x70, s18;
	v9 =	vld [tilespmem:s25+$0xFFFFFEB0];
	[tilespmem:s14+$0x1A0] =	vst v1  }
0xd4: {  	v10 =	vld [tilespmem:s18+$0x0]  }
0xd5: {  	s18 =	sor.u32 $0x70, s20;
	v5 =	vadd.f32 v7, v3;
	v1 =	vld [tilespmem:s25+$0xFFFFFFB0]  }
.Ltmp0:
0xd6: {  	v4 =	vadd.f32 v6, v4;
	v3 =	vld [tilespmem:s18+$0x0];
	(pc) =	sbr.rel @p2 .LBB2_3-.Ltmp0, $4  }
0xd7: {  	s18 =	sor.u32 $0x70, s22;
	[tilespmem:s14+$0xFFFFFE30] =	vst v5;
	v6 =	vadd.f32 v8, v2;
	v2 =	vld [tilespmem:s25+$0xB0]  }
0xd8: {  	[tilespmem:s14+$0xFFFFFF30] =	vst v4;
	v5 =	vld [tilespmem:s18+$0x0]  }
0xd9: {  	s12 =	sor.u32 $0x70, s12;
	v7 =	vadd.f32 v10, v9;
	[tilespmem:s14+$0x30] =	vst v6;
	v4 =	vld [tilespmem:s25+$0x1B0]  }
0xda: {  	s4 =	sadd.s32 $0x200, s4;
	v6 =	vld [tilespmem:s12+$0x0]  }
0xdb: {  	v0 =	vadd.f32 v3, v1  }
0xdc: {  	[tilespmem:s14+$0xFFFFFEB0] =	vst v7  }
0xdd: {  	[tilespmem:s14+$0xFFFFFFB0] =	vst v0  }
0xde: {  	v1 =	vadd.f32 v5, v2;
	s4 =	rddreg [dreg:$0x6]  }
0xdf: {  	v0 =	vadd.f32 v6, v4;
	s4 =	sadd.s32 s4, s5  }
0xe0: {  	s8 =	simm.s32 $0x0;
	[tilespmem:s14+$0xB0] =	vst v1;
	s4 =	sshll.u32 s4, $0xB  }
0xe1: {  	s12 =	simm.s32 $0x16800;
	s25 =	simm.s32 $0xA;
	[tilespmem:s14+$0x1B0] =	vst v0;
	s4 =	sadd.s32 s1, s4  }
0xe2: {  	[hbm4b:s4+s8] =	stream.linear.scatter [tilespmem:s12], [sflag:$0xD], $0x4000, $0x38;
	[tilespmem:$0x1E800] =	vst v63  }
0xe3: {  	_ =	swait.ge [sflag:s25], $0x4000  }
0xe4: {  	s6 =	sshra.s32 s6, $0x2;
	[sflag:s25] =	ssyncset.done $0x0;
	s8 =	rddreg [dreg:$0xf]  }
0xe5: {  	s4 =	simm.s32 @!p1 $0xE;
	[sflag:s25] =	ssyncadd.s32 $0xFFFFC000;
	s8 =	sadd.s32 @!p0 s5, s8  }
0xe6: {  	v0 =	vmov s6;
	s6 =	simm.s32 $0x5;
	_ =	swait.ge @!p1 [sflag:s4], $0x4000;
	s8 =	sshll.u32 @!p0 s8, $0x4  }
0xe7: {  	s12 =	simm.s32 @!p0 $0x6480;
	[sflag:s4] =	ssyncset.done @!p1 $0x0;
	s8 =	sand.u32 @!p0 $0x1FFFFF90, s8  }
0xe8: {  	[sflag:s4] =	ssyncadd.s32 @!p1 $0xFFFFC000;
	s4 =	sadd.s32 @!p0 s28, s8;
	s8 =	simm.s32 @!p0 $0x0  }
0xe9: {  	[tilespmem:s12], [sflag:$0x2] =	stream.linear.gather @!p0 [hbm4b:s4+s8], $0x80, $0x38;
	[tilespmem:$0x1E800] =	vst v63  }
0xea: {  	_ =	swait.ge [sflag:s6], $0x80  }
0xeb: {  	s14 =	simm.s32 $0x80;
	[sflag:s6] =	ssyncset.done $0x0  }
0xec: {  	s8 =	simm.s32 $0x6600;
	s12 =	simm.s32 $0x6800;
	[sflag:s6] =	ssyncadd.s32 $0xFFFFFF80  }
0xed: {  	[tilespmem:s12], [sflag:$0x9] =	stream.indirect.gather [hbm4b:s21+s14], $0x80, s8, s14, $0xb8;
	[tilespmem:$0x1E800] =	vst v63  }
0xee: {  	s25 =	simm.s32 $0xAA00;
	v1 =	vld.idx.msk [tilespmem:v0+s13+$0xFFFFFFC0 ss:$0x1], $0xffff  }
0xef: {  	v2 =	vld [tilespmem:s25+$0x100]  }
0xf0: {  	v3 =	vld.idx.msk [tilespmem:v0+s13+$0xFFFFFE40 ss:$0x1], $0xffff  }
0xf1: {  	v4 =	vld.idx.msk [tilespmem:v0+s13+$0xFFFFFEC0 ss:$0x1], $0xffff  }
0xf2: {  	v5 =	vld.idx.msk [tilespmem:v0+s13+$0xFFFFFF40 ss:$0x1], $0xffff  }
0xf3: {  	v6 =	vld [tilespmem:s25+$0xFFFFFF00]  }
0xf4: {  	v7 =	vld [tilespmem:s25+$0x0]  }
0xf5: {  	v8 =	vld.idx.msk [tilespmem:v0+s13+$0xFFFFFE80 ss:$0x1], $0xffff  }
0xf6: {  	v10 =	vld.idx.msk [tilespmem:v0+s13+$0xFFFFFF00 ss:$0x1], $0xffff  }
0xf7: {  	v13 =	vld [tilespmem:s25+$0xFFFFFE80];
	v1 =	vadd.f32 v1, v2  }
0xf8: {  	s14 =	simm.s32 $0x1AA00;
	v2 =	vld [tilespmem:s25+$0xFFFFFE00]  }
0xf9: {  	v11 =	vld.idx.msk [tilespmem:v0+s13+$0xFFFFFF80 ss:$0x1], $0xffff;
	[tilespmem:s14+$0x100] =	vst v1  }
0xfa: {  	v1 =	vld.idx.msk [tilespmem:v0+s13+$0xFFFFFFD0 ss:$0x1], $0xffff  }
0xfb: {  	v9 =	vld [tilespmem:s25+$0x110]  }
0xfc: {  	v12 =	vld.idx.msk [tilespmem:v0+s13+$0x0 ss:$0x1], $0xffff;
	v5 =	vadd.f32 v5, v7;
	v7 =	vadd.f32 v8, v13  }
0xfd: {  	v14 =	vld [tilespmem:s25+$0xFFFFFF80];
	v2 =	vadd.f32 v3, v2;
	v3 =	vadd.f32 v4, v6  }
0xfe: {  	v48 =	vld [tilespmem:s25+$0x80];
	[tilespmem:s14+$0xFFFFFE80] =	vst v7  }
0xff: {  	v7 =	vld [tilespmem:s25+$0xFFFFFE90];
	[tilespmem:s14+$0xFFFFFF00] =	vst v3  }
0x100: {  	[tilespmem:s14+$0x0] =	vst v5;
	v1 =	vadd.f32 v1, v9;
	v5 =	vld.idx.msk [tilespmem:v0+s13+$0xFFFFFED0 ss:$0x1], $0xffff  }
0x101: {  	v49 =	vld [tilespmem:s25+$0xFFFFFF10]  }
0x102: {  	[tilespmem:s14+$0x110] =	vst v1;
	v1 =	vld [tilespmem:s25+$0x180]  }
0x103: {  	v4 =	vld.idx.msk [tilespmem:v0+s13+$0xFFFFFFE0 ss:$0x1], $0xffff  }
0x104: {  	[tilespmem:s14+$0xFFFFFE00] =	vst v2;
	v2 =	vld [tilespmem:s25+$0x120]  }
0x105: {  	v3 =	vld.idx.msk [tilespmem:v0+s13+$0xFFFFFE50 ss:$0x1], $0xffff;
	v9 =	vadd.f32 v11, v48  }
0x106: {  	v8 =	vld [tilespmem:s25+$0xFFFFFE10]  }
0x107: {  	v6 =	vld.idx.msk [tilespmem:v0+s13+$0xFFFFFF50 ss:$0x1], $0xffff;
	s29 =	rddreg [dreg:$0x19];
	[tilespmem:s14+$0x80] =	vst v9;
	v5 =	vadd.f32 v5, v49  }
0x108: {  	v54 =	vld [tilespmem:s25+$0x90];
	v1 =	vadd.f32 v12, v1  }
0x109: {  	[tilespmem:s14+$0xFFFFFF10] =	vst v5;
	v2 =	vadd.f32 v4, v2;
	v4 =	vld [tilespmem:s25+$0x10]  }
0x10a: {  	v55 =	vld [tilespmem:s25+$0xFFFFFF20];
	[tilespmem:s14+$0x180] =	vst v1  }
0x10b: {  	s4 =	sadd.s32 s29, s23;
	v1 =	vadd.f32 v3, v8;
	[tilespmem:s14+$0x120] =	vst v2;
	v8 =	vld [tilespmem:s25+$0x190]  }
0x10c: {  	s8 =	sadd.s32 $0xFFFFFE80, s4;
	v2 =	vadd.f32 v10, v14;
	v50 =	vld.idx.msk [tilespmem:v0+s13+$0xFFFFFFF0 ss:$0x1], $0xffff  }
0x10d: {  	s18 =	sor.u32 $0x50, s8;
	v51 =	vld [tilespmem:s25+$0x130];
	[tilespmem:s14+$0xFFFFFE10] =	vst v1  }
0x10e: {  	[tilespmem:s14+$0xFFFFFF80] =	vst v2;
	v2 =	vld [tilespmem:s18+$0x0]  }
0x10f: {  	s12 =	sadd.s32 $0xFFFFFF00, s4;
	v5 =	vld.idx.msk [tilespmem:v0+s13+$0xFFFFFE60 ss:$0x1], $0xffff  }
0x110: {  	s6 =	sadd.s32 $0xFFFFFF80, s4;
	s20 =	sor.u32 $0x50, s12;
	v52 =	vld [tilespmem:s25+$0xFFFFFF90]  }
0x111: {  	s18 =	sor.u32 $0x50, s6;
	v53 =	vld [tilespmem:s20+$0x0];
	v1 =	vadd.f32 v6, v4  }
0x112: {  	v3 =	vld [tilespmem:s18+$0x0]  }
0x113: {  	s22 =	sor.u32 $0x50, s4;
	[tilespmem:s14+$0x10] =	vst v1;
	v1 =	vld.idx.msk [tilespmem:v0+s13+$0xFFFFFEE0 ss:$0x1], $0xffff  }
0x114: {  	v4 =	vld [tilespmem:s22+$0x0]  }
0x115: {  	v6 =	vld.idx.msk [tilespmem:v0+s13+$0xFFFFFF60 ss:$0x1], $0xffff;
	v2 =	vadd.f32 v2, v7  }
0x116: {  	v56 =	vld [tilespmem:s25+$0x20]  }
0x117: {  	v7 =	vld [tilespmem:s25+$0xFFFFFE20];
	[tilespmem:s14+$0xFFFFFE90] =	vst v2;
	v2 =	vadd.f32 v53, v52  }
0x118: {  	s24 =	sor.u32 $0x60, s8;
	v57 =	vld [tilespmem:s25+$0xFFFFFEA0];
	v1 =	vadd.f32 v1, v55  }
0x119: {  	[tilespmem:s14+$0xFFFFFF90] =	vst v2;
	v2 =	vadd.f32 v3, v54;
	v3 =	vld [tilespmem:s24+$0x0]  }
0x11a: {  	s30 =	smov.u32 s28;
	s28 =	sor.u32 $0x60, s12;
	v58 =	vld [tilespmem:s25+$0xFFFFFFA0];
	[tilespmem:s14+$0xFFFFFF20] =	vst v1  }
0x11b: {  	[tilespmem:s14+$0x90] =	vst v2;
	v2 =	vadd.f32 v4, v8;
	v4 =	vld [tilespmem:s28+$0x0]  }
0x11c: {  	v61 =	vld [tilespmem:s25+$0xFFFFFF30]  }
0x11d: {  	s20 =	sor.u32 $0x60, s6;
	v8 =	vld [tilespmem:s25+$0xA0]  }
0x11e: {  	[tilespmem:s14+$0x190] =	vst v2;
	v2 =	vadd.f32 v5, v7;
	v5 =	vld [tilespmem:s20+$0x0]  }
0x11f: {  	s22 =	sor.u32 $0x60, s4;
	v7 =	vld [tilespmem:s25+$0x1A0]  }
0x120: {  	v1 =	vadd.f32 v3, v57;
	[tilespmem:s14+$0xFFFFFE20] =	vst v2;
	v2 =	vadd.f32 v6, v56;
	v6 =	vld [tilespmem:s22+$0x0]  }
0x121: {  	v59 =	vld.idx.msk [tilespmem:v0+s13+$0xFFFFFE70 ss:$0x1], $0xffff  }
0x122: {  	v3 =	vld [tilespmem:s25+$0xFFFFFE30];
	[tilespmem:s14+$0xFFFFFEA0] =	vst v1  }
0x123: {  	[tilespmem:s14+$0x20] =	vst v2;
	v2 =	vld.idx.msk [tilespmem:v0+s13+$0xFFFFFEF0 ss:$0x1], $0xffff  }
0x124: {  	v10 =	vadd.f32 v50, v51;
	v62 =	vld [tilespmem:s25+$0xFFFFFEB0]  }
0x125: {  	v1 =	vadd.f32 v4, v58;
	v60 =	vld.idx.msk [tilespmem:v0+s13+$0xFFFFFF70 ss:$0x1], $0xffff  }
0x126: {  	s8 =	sor.u32 $0x70, s8;
	[tilespmem:s14+$0x130] =	vst v10;
	v4 =	vld [tilespmem:s25+$0x30];
	v5 =	vadd.f32 v5, v8  }
0x127: {  	[tilespmem:s14+$0xFFFFFFA0] =	vst v1;
	v8 =	vld [tilespmem:s8+$0x0];
	v6 =	vadd.f32 v6, v7  }
0x128: {  	s24 =	sor.u32 $0x70, s12;
	v1 =	vld [tilespmem:s25+$0xFFFFFFB0];
	[tilespmem:s14+$0xA0] =	vst v5;
	v5 =	vadd.f32 v59, v3  }
0x129: {  	v3 =	vld [tilespmem:s24+$0x0];
	[tilespmem:s14+$0x1A0] =	vst v6  }
0x12a: {  	s6 =	sor.u32 $0x70, s6;
	s28 =	sor.u32 $0x3, s5;
	v6 =	vadd.f32 v2, v61;
	v2 =	vld [tilespmem:s25+$0xB0];
	[tilespmem:s14+$0xFFFFFE30] =	vst v5  }
0x12b: {  	v63 =	vadd.f32 v60, v4;
	v5 =	vld [tilespmem:s6+$0x0];
	[smem:$0x7EE] =	sst s28  }
0x12c: {  	s4 =	sor.u32 $0x70, s4;
	v7 =	vadd.f32 v8, v62;
	[tilespmem:s14+$0xFFFFFF30] =	vst v6;
	v4 =	vld [tilespmem:s25+$0x1B0]  }
0x12d: {  	s8 =	simm.s32 $0x0;
	s6 =	sor.u32 $0x1, s5;
	[tilespmem:s14+$0x30] =	vst v63;
	v6 =	vld [tilespmem:s4+$0x0];
	s4 =	sadd.s32 $0x200, s13  }
.LBB2_5:
0x12e: {  	v8 =	vld.idx.msk [tilespmem:v0+s4+$0xFFFFFFC0 ss:$0x1], $0xffff;
	s8 =	sadd.s32 $0x8, s8;
	[tilespmem:s14+$0xFFFFFEB0] =	vst v7;
	v1 =	vadd.f32 v3, v1;
	s25 =	sadd.s32 $0x400, s25  }
0x12f: {  	v3 =	vld [tilespmem:s25+$0x100];
	p1 =	slt.u32 s8, $0x78  }
0x130: {  	v7 =	vld.idx.msk [tilespmem:v0+s4+$0xFFFFFE40 ss:$0x1], $0xffff;
	[tilespmem:s14+$0xFFFFFFB0] =	vst v1;
	v1 =	vadd.f32 v5, v2  }
0x131: {  	v2 =	vld.idx.msk [tilespmem:v0+s4+$0xFFFFFEC0 ss:$0x1], $0xffff  }
0x132: {  	v5 =	vld.idx.msk [tilespmem:v0+s4+$0xFFFFFF40 ss:$0x1], $0xffff;
	[tilespmem:s14+$0xB0] =	vst v1;
	v1 =	vadd.f32 v6, v4  }
0x133: {  	v4 =	vld [tilespmem:s25+$0xFFFFFF00]  }
0x134: {  	v6 =	vld [tilespmem:s25+$0x0];
	v3 =	vadd.f32 v8, v3;
	[tilespmem:s14+$0x1B0] =	vst v1  }
0x135: {  	s14 =	sadd.s32 $0x400, s14;
	v1 =	vld [tilespmem:s25+$0xFFFFFE00]  }
0x136: {  	v8 =	vld.idx.msk [tilespmem:v0+s4+$0xFFFFFE80 ss:$0x1], $0xffff;
	[tilespmem:s14+$0x100] =	vst v3  }
0x137: {  	v3 =	vld.idx.msk [tilespmem:v0+s4+$0xFFFFFFD0 ss:$0x1], $0xffff  }
0x138: {  	v2 =	vadd.f32 v2, v4;
	v4 =	vld [tilespmem:s25+$0x110]  }
0x139: {  	v9 =	vld.idx.msk [tilespmem:v0+s4+$0xFFFFFF00 ss:$0x1], $0xffff;
	v5 =	vadd.f32 v5, v6  }
0x13a: {  	v1 =	vadd.f32 v7, v1;
	[tilespmem:s14+$0xFFFFFF00] =	vst v2;
	v2 =	vld.idx.msk [tilespmem:v0+s4+$0xFFFFFF80 ss:$0x1], $0xffff  }
0x13b: {  	[tilespmem:s14+$0x0] =	vst v5;
	v5 =	vld.idx.msk [tilespmem:v0+s4+$0x0 ss:$0x1], $0xffff  }
0x13c: {  	[tilespmem:s14+$0xFFFFFE00] =	vst v1;
	v1 =	vld [tilespmem:s25+$0xFFFFFE80]  }
0x13d: {  	v6 =	vld [tilespmem:s25+$0xFFFFFF80];
	v3 =	vadd.f32 v3, v4  }
0x13e: {  	v4 =	vld [tilespmem:s25+$0x80]  }
0x13f: {  	[tilespmem:s14+$0x110] =	vst v3;
	v3 =	vld [tilespmem:s25+$0x180]  }
0x140: {  	v7 =	vld.idx.msk [tilespmem:v0+s4+$0xFFFFFFE0 ss:$0x1], $0xffff  }
0x141: {  	v1 =	vadd.f32 v8, v1;
	v8 =	vld [tilespmem:s25+$0x120]  }
0x142: {  	v10 =	vld.idx.msk [tilespmem:v0+s4+$0xFFFFFE50 ss:$0x1], $0xffff;
	v6 =	vadd.f32 v9, v6  }
0x143: {  	[tilespmem:s14+$0xFFFFFE80] =	vst v1;
	v1 =	vld.idx.msk [tilespmem:v0+s4+$0xFFFFFED0 ss:$0x1], $0xffff;
	v2 =	vadd.f32 v2, v4  }
0x144: {  	[tilespmem:s14+$0xFFFFFF80] =	vst v6;
	v4 =	vld.idx.msk [tilespmem:v0+s4+$0xFFFFFF50 ss:$0x1], $0xffff;
	v3 =	vadd.f32 v5, v3  }
0x145: {  	v5 =	vld [tilespmem:s25+$0xFFFFFE10];
	[tilespmem:s14+$0x80] =	vst v2  }
0x146: {  	v2 =	vld [tilespmem:s25+$0xFFFFFF10];
	v6 =	vadd.f32 v7, v8;
	[tilespmem:s14+$0x180] =	vst v3  }
0x147: {  	s29 =	sadd.s32 $0x200, s29;
	v3 =	vld [tilespmem:s25+$0x10]  }
0x148: {  	s12 =	sadd.s32 s29, s23;
	v7 =	vld [tilespmem:s25+$0xFFFFFE90];
	[tilespmem:s14+$0x120] =	vst v6  }
0x149: {  	s18 =	sadd.s32 $0xFFFFFE80, s12;
	v6 =	vld.idx.msk [tilespmem:v0+s4+$0xFFFFFFF0 ss:$0x1], $0xffff  }
0x14a: {  	s20 =	sor.u32 $0x50, s18;
	v5 =	vadd.f32 v10, v5;
	v8 =	vld [tilespmem:s25+$0x130]  }
0x14b: {  	v9 =	vld [tilespmem:s20+$0x0];
	v1 =	vadd.f32 v1, v2;
	s20 =	sadd.s32 $0xFFFFFF00, s12  }
0x14c: {  	[tilespmem:s14+$0xFFFFFE10] =	vst v5;
	v2 =	vld [tilespmem:s25+$0xFFFFFF90];
	s22 =	sor.u32 $0x50, s20;
	v3 =	vadd.f32 v4, v3  }
0x14d: {  	[tilespmem:s14+$0xFFFFFF10] =	vst v1;
	v1 =	vld [tilespmem:s22+$0x0];
	s22 =	sadd.s32 $0xFFFFFF80, s12  }
0x14e: {  	[tilespmem:s14+$0x10] =	vst v3;
	v3 =	vld [tilespmem:s25+$0x90];
	s24 =	sor.u32 $0x50, s22  }
0x14f: {  	v4 =	vld [tilespmem:s24+$0x0];
	v5 =	vadd.f32 v6, v8  }
0x150: {  	s24 =	sor.u32 $0x50, s12;
	v6 =	vadd.f32 v9, v7;
	v7 =	vld [tilespmem:s25+$0x190]  }
0x151: {  	[tilespmem:s14+$0x130] =	vst v5;
	v5 =	vld [tilespmem:s24+$0x0]  }
0x152: {  	v8 =	vld.idx.msk [tilespmem:v0+s4+$0xFFFFFE60 ss:$0x1], $0xffff;
	[tilespmem:s14+$0xFFFFFE90] =	vst v6;
	v1 =	vadd.f32 v1, v2  }
0x153: {  	v2 =	vld.idx.msk [tilespmem:v0+s4+$0xFFFFFEE0 ss:$0x1], $0xffff  }
0x154: {  	[tilespmem:s14+$0xFFFFFF90] =	vst v1;
	v1 =	vld.idx.msk [tilespmem:v0+s4+$0xFFFFFF60 ss:$0x1], $0xffff;
	v3 =	vadd.f32 v4, v3  }
0x155: {  	v4 =	vld [tilespmem:s25+$0xFFFFFE20]  }
0x156: {  	v6 =	vld [tilespmem:s25+$0xFFFFFF20];
	[tilespmem:s14+$0x90] =	vst v3;
	v3 =	vadd.f32 v5, v7  }
0x157: {  	v5 =	vld [tilespmem:s25+$0x20]  }
0x158: {  	s24 =	sor.u32 $0x60, s18;
	v7 =	vld [tilespmem:s25+$0xFFFFFEA0];
	[tilespmem:s14+$0x190] =	vst v3  }
0x159: {  	v3 =	vld [tilespmem:s24+$0x0]  }
0x15a: {  	s24 =	sor.u32 $0x60, s20;
	v4 =	vadd.f32 v8, v4;
	v8 =	vld [tilespmem:s25+$0xFFFFFFA0]  }
0x15b: {  	v2 =	vadd.f32 v2, v6;
	v6 =	vld [tilespmem:s24+$0x0]  }
0x15c: {  	s24 =	sor.u32 $0x60, s22;
	[tilespmem:s14+$0xFFFFFE20] =	vst v4;
	v1 =	vadd.f32 v1, v5;
	v4 =	vld [tilespmem:s25+$0xA0]  }
0x15d: {  	[tilespmem:s14+$0xFFFFFF20] =	vst v2;
	v2 =	vld [tilespmem:s24+$0x0]  }
0x15e: {  	s24 =	sor.u32 $0x60, s12;
	v3 =	vadd.f32 v3, v7;
	[tilespmem:s14+$0x20] =	vst v1;
	v1 =	vld [tilespmem:s25+$0x1A0]  }
0x15f: {  	v5 =	vld [tilespmem:s24+$0x0]  }
0x160: {  	v7 =	vld.idx.msk [tilespmem:v0+s4+$0xFFFFFE70 ss:$0x1], $0xffff;
	[tilespmem:s14+$0xFFFFFEA0] =	vst v3;
	v3 =	vadd.f32 v6, v8  }
0x161: {  	v6 =	vld.idx.msk [tilespmem:v0+s4+$0xFFFFFEF0 ss:$0x1], $0xffff  }
0x162: {  	[tilespmem:s14+$0xFFFFFFA0] =	vst v3;
	v8 =	vld.idx.msk [tilespmem:v0+s4+$0xFFFFFF70 ss:$0x1], $0xffff;
	v2 =	vadd.f32 v2, v4  }
0x163: {  	v3 =	vld [tilespmem:s25+$0xFFFFFE30]  }
0x164: {  	v4 =	vld [tilespmem:s25+$0xFFFFFF30];
	[tilespmem:s14+$0xA0] =	vst v2;
	v1 =	vadd.f32 v5, v1  }
0x165: {  	v2 =	vld [tilespmem:s25+$0x30]  }
0x166: {  	s18 =	sor.u32 $0x70, s18;
	v9 =	vld [tilespmem:s25+$0xFFFFFEB0];
	[tilespmem:s14+$0x1A0] =	vst v1  }
0x167: {  	v10 =	vld [tilespmem:s18+$0x0]  }
0x168: {  	s18 =	sor.u32 $0x70, s20;
	v5 =	vadd.f32 v7, v3;
	v1 =	vld [tilespmem:s25+$0xFFFFFFB0]  }
.Ltmp1:
0x169: {  	v4 =	vadd.f32 v6, v4;
	v3 =	vld [tilespmem:s18+$0x0];
	(pc) =	sbr.rel @p1 .LBB2_5-.Ltmp1, $4  }
0x16a: {  	s18 =	sor.u32 $0x70, s22;
	[tilespmem:s14+$0xFFFFFE30] =	vst v5;
	v6 =	vadd.f32 v8, v2;
	v2 =	vld [tilespmem:s25+$0xB0]  }
0x16b: {  	[tilespmem:s14+$0xFFFFFF30] =	vst v4;
	v5 =	vld [tilespmem:s18+$0x0]  }
0x16c: {  	s12 =	sor.u32 $0x70, s12;
	v7 =	vadd.f32 v10, v9;
	[tilespmem:s14+$0x30] =	vst v6;
	v4 =	vld [tilespmem:s25+$0x1B0]  }
0x16d: {  	s4 =	sadd.s32 $0x200, s4;
	v6 =	vld [tilespmem:s12+$0x0]  }
0x16e: {  	_ = 	snop  }
0x16f: {  	[tilespmem:s14+$0xFFFFFEB0] =	vst v7  }
0x170: {  	v0 =	vadd.f32 v3, v1;
	s4 =	rddreg [dreg:$0x6]  }
0x171: {  	v1 =	vadd.f32 v5, v2;
	s4 =	sadd.s32 s4, s6  }
0x172: {  	[tilespmem:s14+$0xFFFFFFB0] =	vst v0;
	s4 =	sshll.u32 s4, $0xB;
	v0 =	vadd.f32 v6, v4  }
0x173: {  	s28 =	simm.s32 $0x0;
	[tilespmem:s14+$0xB0] =	vst v1;
	s4 =	sand.u32 $0x1FFFC800, s4  }
0x174: {  	s20 =	simm.s32 $0x1A800;
	s22 =	simm.s32 $0xB;
	s4 =	sadd.s32 s1, s4;
	[tilespmem:s14+$0x1B0] =	vst v0  }
0x175: {  	[hbm4b:s4+s28] =	stream.linear.scatter [tilespmem:s20], [sflag:$0xE], $0x4000, $0x38;
	[tilespmem:$0x1E800] =	vst v63  }
0x176: {  	s29 =	smov.u32 s1;
	_ =	swait.ge [sflag:s22], $0x4000  }
0x177: {  	s23 =	simm.s32 $0xD;
	[sflag:s22] =	ssyncset.done $0x0;
	s1 =	rddreg [dreg:$0x10]  }
0x178: {  	s8 =	simm.s32 @!p0 $0x6500;
	[sflag:s22] =	ssyncadd.s32 $0xFFFFC000;
	s4 =	sadd.s32 @!p0 s5, s1  }
0x179: {  	s25 =	simm.s32 $0x6;
	_ =	swait.ge [sflag:s23], $0x4000;
	s4 =	sshll.u32 @!p0 s4, $0x4  }
0x17a: {  	s6 =	simm.s32 @!p0 $0x0;
	[sflag:s23] =	ssyncset.done $0x0;
	s4 =	sand.u32 @!p0 $0x1FFFFFA0, s4  }
0x17b: {  	s24 =	sld [smem:$0x7F8];
	[sflag:s23] =	ssyncadd.s32 $0xFFFFC000;
	s4 =	sadd.s32 @!p0 s30, s4  }
0x17c: {  	[tilespmem:s8], [sflag:$0x3] =	stream.linear.gather @!p0 [hbm4b:s4+s6], $0x80, $0x38;
	[tilespmem:$0x1E800] =	vst v63  }
0x17d: {  	_ =	swait.ge [sflag:s25], $0x80  }
0x17e: {  	s4 =	simm.s32 $0x6680;
	s6 =	simm.s32 $0xA800;
	[sflag:s25] =	ssyncset.done $0x0  }
0x17f: {  	s8 =	simm.s32 $0x80;
	s12 =	sshra.s32 s24, $0x2;
	[sflag:s25] =	ssyncadd.s32 $0xFFFFFF80  }
0x180: {  	[tilespmem:s6], [sflag:$0xA] =	stream.indirect.gather [hbm4b:s21+s8], $0x80, s4, s8, $0xb8;
	[tilespmem:$0x1E800] =	vst v63  }
0x181: {  	v0 =	vmov s12;
	s25 =	smov.u32 s21;
	s21 =	simm.s32 $0xEA00  }
0x182: {  	v2 =	vld [tilespmem:s21+$0x100]  }
0x183: {  	v6 =	vld [tilespmem:s21+$0xFFFFFF00]  }
0x184: {  	v7 =	vld [tilespmem:s21+$0x0]  }
0x185: {  	v13 =	vld [tilespmem:s21+$0xFFFFFE80]  }
0x186: {  	v1 =	vld.idx.msk [tilespmem:v0+s15+$0xFFFFFFC0 ss:$0x1], $0xffff  }
0x187: {  	v14 =	vld [tilespmem:s21+$0xFFFFFF80]  }
0x188: {  	v3 =	vld.idx.msk [tilespmem:v0+s15+$0xFFFFFE40 ss:$0x1], $0xffff  }
0x189: {  	v4 =	vld.idx.msk [tilespmem:v0+s15+$0xFFFFFEC0 ss:$0x1], $0xffff  }
0x18a: {  	v5 =	vld.idx.msk [tilespmem:v0+s15+$0xFFFFFF40 ss:$0x1], $0xffff  }
0x18b: {  	v8 =	vld.idx.msk [tilespmem:v0+s15+$0xFFFFFE80 ss:$0x1], $0xffff;
	v1 =	vadd.f32 v1, v2  }
0x18c: {  	s14 =	simm.s32 $0x16A00;
	v2 =	vld [tilespmem:s21+$0xFFFFFE00]  }
0x18d: {  	v48 =	vld [tilespmem:s21+$0x80];
	[tilespmem:s14+$0x100] =	vst v1  }
0x18e: {  	v1 =	vld.idx.msk [tilespmem:v0+s15+$0xFFFFFFD0 ss:$0x1], $0xffff  }
0x18f: {  	v9 =	vld [tilespmem:s21+$0x110]  }
0x190: {  	v10 =	vld.idx.msk [tilespmem:v0+s15+$0xFFFFFF00 ss:$0x1], $0xffff;
	v5 =	vadd.f32 v5, v7;
	v7 =	vadd.f32 v8, v13  }
0x191: {  	v11 =	vld.idx.msk [tilespmem:v0+s15+$0xFFFFFF80 ss:$0x1], $0xffff;
	v2 =	vadd.f32 v3, v2;
	v3 =	vadd.f32 v4, v6  }
0x192: {  	v12 =	vld.idx.msk [tilespmem:v0+s15+$0x0 ss:$0x1], $0xffff;
	[tilespmem:s14+$0xFFFFFE80] =	vst v7  }
0x193: {  	v7 =	vld [tilespmem:s21+$0xFFFFFE90];
	[tilespmem:s14+$0xFFFFFF00] =	vst v3  }
0x194: {  	[tilespmem:s14+$0x0] =	vst v5;
	v1 =	vadd.f32 v1, v9;
	v5 =	vld.idx.msk [tilespmem:v0+s15+$0xFFFFFED0 ss:$0x1], $0xffff  }
0x195: {  	v49 =	vld [tilespmem:s21+$0xFFFFFF10]  }
0x196: {  	[tilespmem:s14+$0x110] =	vst v1;
	v1 =	vld [tilespmem:s21+$0x180]  }
0x197: {  	v4 =	vld.idx.msk [tilespmem:v0+s15+$0xFFFFFFE0 ss:$0x1], $0xffff  }
0x198: {  	[tilespmem:s14+$0xFFFFFE00] =	vst v2;
	v2 =	vld [tilespmem:s21+$0x120]  }
0x199: {  	v3 =	vld.idx.msk [tilespmem:v0+s15+$0xFFFFFE50 ss:$0x1], $0xffff;
	v9 =	vadd.f32 v11, v48  }
0x19a: {  	v8 =	vld [tilespmem:s21+$0xFFFFFE10]  }
0x19b: {  	v6 =	vld.idx.msk [tilespmem:v0+s15+$0xFFFFFF50 ss:$0x1], $0xffff;
	s23 =	rddreg [dreg:$0x1b];
	[tilespmem:s14+$0x80] =	vst v9;
	v5 =	vadd.f32 v5, v49  }
0x19c: {  	v54 =	vld [tilespmem:s21+$0x90];
	v1 =	vadd.f32 v12, v1  }
0x19d: {  	[tilespmem:s14+$0xFFFFFF10] =	vst v5;
	v2 =	vadd.f32 v4, v2;
	v4 =	vld [tilespmem:s21+$0x10]  }
0x19e: {  	v55 =	vld [tilespmem:s21+$0xFFFFFF20];
	[tilespmem:s14+$0x180] =	vst v1  }
0x19f: {  	s4 =	sadd.s32 s23, s19;
	v1 =	vadd.f32 v3, v8;
	[tilespmem:s14+$0x120] =	vst v2;
	v8 =	vld [tilespmem:s21+$0x190]  }
0x1a0: {  	s8 =	sadd.s32 $0xFFFFFE80, s4;
	v2 =	vadd.f32 v10, v14;
	v50 =	vld.idx.msk [tilespmem:v0+s15+$0xFFFFFFF0 ss:$0x1], $0xffff  }
0x1a1: {  	s12 =	sor.u32 $0x50, s8;
	v51 =	vld [tilespmem:s21+$0x130];
	[tilespmem:s14+$0xFFFFFE10] =	vst v1  }
0x1a2: {  	[tilespmem:s14+$0xFFFFFF80] =	vst v2;
	v2 =	vld [tilespmem:s12+$0x0]  }
0x1a3: {  	v5 =	vld.idx.msk [tilespmem:v0+s15+$0xFFFFFE60 ss:$0x1], $0xffff  }
0x1a4: {  	s20 =	sor.u32 $0x50, s4;
	s12 =	sadd.s32 $0xFFFFFF00, s4;
	v52 =	vld [tilespmem:s21+$0xFFFFFF90]  }
0x1a5: {  	s18 =	sor.u32 $0x50, s12;
	v1 =	vadd.f32 v6, v4;
	v4 =	vld [tilespmem:s20+$0x0]  }
0x1a6: {  	s6 =	sadd.s32 $0xFFFFFF80, s4;
	v53 =	vld [tilespmem:s18+$0x0]  }
0x1a7: {  	s18 =	sor.u32 $0x50, s6;
	[tilespmem:s14+$0x10] =	vst v1;
	v1 =	vld.idx.msk [tilespmem:v0+s15+$0xFFFFFEE0 ss:$0x1], $0xffff  }
0x1a8: {  	v3 =	vld [tilespmem:s18+$0x0]  }
0x1a9: {  	v6 =	vld.idx.msk [tilespmem:v0+s15+$0xFFFFFF60 ss:$0x1], $0xffff;
	v2 =	vadd.f32 v2, v7  }
0x1aa: {  	v56 =	vld [tilespmem:s21+$0x20]  }
0x1ab: {  	v7 =	vld [tilespmem:s21+$0xFFFFFE20];
	[tilespmem:s14+$0xFFFFFE90] =	vst v2;
	v2 =	vadd.f32 v53, v52  }
0x1ac: {  	s22 =	sor.u32 $0x60, s8;
	v57 =	vld [tilespmem:s21+$0xFFFFFEA0];
	v1 =	vadd.f32 v1, v55  }
0x1ad: {  	[tilespmem:s14+$0xFFFFFF90] =	vst v2;
	v2 =	vadd.f32 v3, v54;
	v3 =	vld [tilespmem:s22+$0x0]  }
0x1ae: {  	s24 =	sor.u32 $0x60, s12;
	v58 =	vld [tilespmem:s21+$0xFFFFFFA0];
	[tilespmem:s14+$0xFFFFFF20] =	vst v1  }
0x1af: {  	[tilespmem:s14+$0x90] =	vst v2;
	v2 =	vadd.f32 v4, v8;
	v4 =	vld [tilespmem:s24+$0x0]  }
0x1b0: {  	v61 =	vld [tilespmem:s21+$0xFFFFFF30]  }
0x1b1: {  	s1 =	sor.u32 $0x60, s6;
	v8 =	vld [tilespmem:s21+$0xA0]  }
0x1b2: {  	[tilespmem:s14+$0x190] =	vst v2;
	v2 =	vadd.f32 v5, v7;
	v5 =	vld [tilespmem:s1+$0x0]  }
0x1b3: {  	s20 =	sor.u32 $0x60, s4;
	v7 =	vld [tilespmem:s21+$0x1A0]  }
0x1b4: {  	v1 =	vadd.f32 v3, v57;
	[tilespmem:s14+$0xFFFFFE20] =	vst v2;
	v2 =	vadd.f32 v6, v56;
	v6 =	vld [tilespmem:s20+$0x0]  }
0x1b5: {  	v59 =	vld.idx.msk [tilespmem:v0+s15+$0xFFFFFE70 ss:$0x1], $0xffff  }
0x1b6: {  	v3 =	vld [tilespmem:s21+$0xFFFFFE30];
	[tilespmem:s14+$0xFFFFFEA0] =	vst v1  }
0x1b7: {  	[tilespmem:s14+$0x20] =	vst v2;
	v2 =	vld.idx.msk [tilespmem:v0+s15+$0xFFFFFEF0 ss:$0x1], $0xffff  }
0x1b8: {  	v10 =	vadd.f32 v50, v51;
	v62 =	vld [tilespmem:s21+$0xFFFFFEB0]  }
0x1b9: {  	v1 =	vadd.f32 v4, v58;
	v60 =	vld.idx.msk [tilespmem:v0+s15+$0xFFFFFF70 ss:$0x1], $0xffff  }
0x1ba: {  	s8 =	sor.u32 $0x70, s8;
	[tilespmem:s14+$0x130] =	vst v10;
	v4 =	vld [tilespmem:s21+$0x30];
	v5 =	vadd.f32 v5, v8  }
0x1bb: {  	[tilespmem:s14+$0xFFFFFFA0] =	vst v1;
	v8 =	vld [tilespmem:s8+$0x0];
	v6 =	vadd.f32 v6, v7  }
0x1bc: {  	s22 =	sor.u32 $0x70, s12;
	v1 =	vld [tilespmem:s21+$0xFFFFFFB0];
	[tilespmem:s14+$0xA0] =	vst v5;
	v5 =	vadd.f32 v59, v3  }
0x1bd: {  	v3 =	vld [tilespmem:s22+$0x0];
	[tilespmem:s14+$0x1A0] =	vst v6  }
0x1be: {  	s6 =	sor.u32 $0x70, s6;
	s24 =	sor.u32 $0x4, s5;
	v6 =	vadd.f32 v2, v61;
	v2 =	vld [tilespmem:s21+$0xB0];
	[tilespmem:s14+$0xFFFFFE30] =	vst v5  }
0x1bf: {  	v63 =	vadd.f32 v60, v4;
	v5 =	vld [tilespmem:s6+$0x0];
	[smem:$0x7ED] =	sst s24  }
0x1c0: {  	s4 =	sor.u32 $0x70, s4;
	v7 =	vadd.f32 v8, v62;
	[tilespmem:s14+$0xFFFFFF30] =	vst v6;
	v4 =	vld [tilespmem:s21+$0x1B0]  }
0x1c1: {  	s8 =	simm.s32 $0x0;
	s6 =	sor.u32 $0x2, s5;
	[tilespmem:s14+$0x30] =	vst v63;
	v6 =	vld [tilespmem:s4+$0x0];
	s4 =	sadd.s32 $0x200, s15  }
.LBB2_7:
0x1c2: {  	v8 =	vld.idx.msk [tilespmem:v0+s4+$0xFFFFFFC0 ss:$0x1], $0xffff;
	s8 =	sadd.s32 $0x8, s8;
	[tilespmem:s14+$0xFFFFFEB0] =	vst v7;
	v1 =	vadd.f32 v3, v1;
	s21 =	sadd.s32 $0x400, s21  }
0x1c3: {  	v3 =	vld [tilespmem:s21+$0x100];
	p1 =	slt.u32 s8, $0x78  }
0x1c4: {  	v7 =	vld.idx.msk [tilespmem:v0+s4+$0xFFFFFE40 ss:$0x1], $0xffff;
	[tilespmem:s14+$0xFFFFFFB0] =	vst v1;
	v1 =	vadd.f32 v5, v2  }
0x1c5: {  	v2 =	vld.idx.msk [tilespmem:v0+s4+$0xFFFFFEC0 ss:$0x1], $0xffff  }
0x1c6: {  	v5 =	vld.idx.msk [tilespmem:v0+s4+$0xFFFFFF40 ss:$0x1], $0xffff;
	[tilespmem:s14+$0xB0] =	vst v1;
	v1 =	vadd.f32 v6, v4  }
0x1c7: {  	v4 =	vld [tilespmem:s21+$0xFFFFFF00]  }
0x1c8: {  	v6 =	vld [tilespmem:s21+$0x0];
	v3 =	vadd.f32 v8, v3;
	[tilespmem:s14+$0x1B0] =	vst v1  }
0x1c9: {  	s14 =	sadd.s32 $0x400, s14;
	v1 =	vld [tilespmem:s21+$0xFFFFFE00]  }
0x1ca: {  	v8 =	vld.idx.msk [tilespmem:v0+s4+$0xFFFFFE80 ss:$0x1], $0xffff;
	[tilespmem:s14+$0x100] =	vst v3  }
0x1cb: {  	v3 =	vld.idx.msk [tilespmem:v0+s4+$0xFFFFFFD0 ss:$0x1], $0xffff  }
0x1cc: {  	v2 =	vadd.f32 v2, v4;
	v4 =	vld [tilespmem:s21+$0x110]  }
0x1cd: {  	v9 =	vld.idx.msk [tilespmem:v0+s4+$0xFFFFFF00 ss:$0x1], $0xffff;
	v5 =	vadd.f32 v5, v6  }
0x1ce: {  	v1 =	vadd.f32 v7, v1;
	[tilespmem:s14+$0xFFFFFF00] =	vst v2;
	v2 =	vld.idx.msk [tilespmem:v0+s4+$0xFFFFFF80 ss:$0x1], $0xffff  }
0x1cf: {  	[tilespmem:s14+$0x0] =	vst v5;
	v5 =	vld.idx.msk [tilespmem:v0+s4+$0x0 ss:$0x1], $0xffff  }
0x1d0: {  	[tilespmem:s14+$0xFFFFFE00] =	vst v1;
	v1 =	vld [tilespmem:s21+$0xFFFFFE80]  }
0x1d1: {  	v6 =	vld [tilespmem:s21+$0xFFFFFF80];
	v3 =	vadd.f32 v3, v4  }
0x1d2: {  	v4 =	vld [tilespmem:s21+$0x80]  }
0x1d3: {  	[tilespmem:s14+$0x110] =	vst v3;
	v3 =	vld [tilespmem:s21+$0x180]  }
0x1d4: {  	v7 =	vld.idx.msk [tilespmem:v0+s4+$0xFFFFFFE0 ss:$0x1], $0xffff  }
0x1d5: {  	v1 =	vadd.f32 v8, v1;
	v8 =	vld [tilespmem:s21+$0x120]  }
0x1d6: {  	v10 =	vld.idx.msk [tilespmem:v0+s4+$0xFFFFFE50 ss:$0x1], $0xffff;
	v6 =	vadd.f32 v9, v6  }
0x1d7: {  	[tilespmem:s14+$0xFFFFFE80] =	vst v1;
	v1 =	vld.idx.msk [tilespmem:v0+s4+$0xFFFFFED0 ss:$0x1], $0xffff;
	v2 =	vadd.f32 v2, v4  }
0x1d8: {  	[tilespmem:s14+$0xFFFFFF80] =	vst v6;
	v4 =	vld.idx.msk [tilespmem:v0+s4+$0xFFFFFF50 ss:$0x1], $0xffff;
	v3 =	vadd.f32 v5, v3  }
0x1d9: {  	v5 =	vld [tilespmem:s21+$0xFFFFFE10];
	[tilespmem:s14+$0x80] =	vst v2  }
0x1da: {  	v2 =	vld [tilespmem:s21+$0xFFFFFF10];
	v6 =	vadd.f32 v7, v8;
	[tilespmem:s14+$0x180] =	vst v3  }
0x1db: {  	s23 =	sadd.s32 $0x200, s23;
	v3 =	vld [tilespmem:s21+$0x10]  }
0x1dc: {  	s12 =	sadd.s32 s23, s19;
	v7 =	vld [tilespmem:s21+$0xFFFFFE90];
	[tilespmem:s14+$0x120] =	vst v6  }
0x1dd: {  	s18 =	sadd.s32 $0xFFFFFE80, s12;
	v6 =	vld.idx.msk [tilespmem:v0+s4+$0xFFFFFFF0 ss:$0x1], $0xffff  }
0x1de: {  	s20 =	sor.u32 $0x50, s18;
	v5 =	vadd.f32 v10, v5;
	v8 =	vld [tilespmem:s21+$0x130]  }
0x1df: {  	v9 =	vld [tilespmem:s20+$0x0];
	v1 =	vadd.f32 v1, v2;
	s20 =	sadd.s32 $0xFFFFFF00, s12  }
0x1e0: {  	[tilespmem:s14+$0xFFFFFE10] =	vst v5;
	v2 =	vld [tilespmem:s21+$0xFFFFFF90];
	s22 =	sor.u32 $0x50, s20;
	v3 =	vadd.f32 v4, v3  }
0x1e1: {  	[tilespmem:s14+$0xFFFFFF10] =	vst v1;
	v1 =	vld [tilespmem:s22+$0x0];
	s22 =	sadd.s32 $0xFFFFFF80, s12  }
0x1e2: {  	[tilespmem:s14+$0x10] =	vst v3;
	v3 =	vld [tilespmem:s21+$0x90];
	s24 =	sor.u32 $0x50, s22  }
0x1e3: {  	v4 =	vld [tilespmem:s24+$0x0];
	v5 =	vadd.f32 v6, v8  }
0x1e4: {  	s24 =	sor.u32 $0x50, s12;
	v6 =	vadd.f32 v9, v7;
	v7 =	vld [tilespmem:s21+$0x190]  }
0x1e5: {  	[tilespmem:s14+$0x130] =	vst v5;
	v5 =	vld [tilespmem:s24+$0x0]  }
0x1e6: {  	v8 =	vld.idx.msk [tilespmem:v0+s4+$0xFFFFFE60 ss:$0x1], $0xffff;
	[tilespmem:s14+$0xFFFFFE90] =	vst v6;
	v1 =	vadd.f32 v1, v2  }
0x1e7: {  	v2 =	vld.idx.msk [tilespmem:v0+s4+$0xFFFFFEE0 ss:$0x1], $0xffff  }
0x1e8: {  	[tilespmem:s14+$0xFFFFFF90] =	vst v1;
	v1 =	vld.idx.msk [tilespmem:v0+s4+$0xFFFFFF60 ss:$0x1], $0xffff;
	v3 =	vadd.f32 v4, v3  }
0x1e9: {  	v4 =	vld [tilespmem:s21+$0xFFFFFE20]  }
0x1ea: {  	v6 =	vld [tilespmem:s21+$0xFFFFFF20];
	[tilespmem:s14+$0x90] =	vst v3;
	v3 =	vadd.f32 v5, v7  }
0x1eb: {  	v5 =	vld [tilespmem:s21+$0x20]  }
0x1ec: {  	s24 =	sor.u32 $0x60, s18;
	v7 =	vld [tilespmem:s21+$0xFFFFFEA0];
	[tilespmem:s14+$0x190] =	vst v3  }
0x1ed: {  	v3 =	vld [tilespmem:s24+$0x0]  }
0x1ee: {  	s24 =	sor.u32 $0x60, s20;
	v4 =	vadd.f32 v8, v4;
	v8 =	vld [tilespmem:s21+$0xFFFFFFA0]  }
0x1ef: {  	v2 =	vadd.f32 v2, v6;
	v6 =	vld [tilespmem:s24+$0x0]  }
0x1f0: {  	s24 =	sor.u32 $0x60, s22;
	[tilespmem:s14+$0xFFFFFE20] =	vst v4;
	v1 =	vadd.f32 v1, v5;
	v4 =	vld [tilespmem:s21+$0xA0]  }
0x1f1: {  	[tilespmem:s14+$0xFFFFFF20] =	vst v2;
	v2 =	vld [tilespmem:s24+$0x0]  }
0x1f2: {  	s24 =	sor.u32 $0x60, s12;
	v3 =	vadd.f32 v3, v7;
	[tilespmem:s14+$0x20] =	vst v1;
	v1 =	vld [tilespmem:s21+$0x1A0]  }
0x1f3: {  	v5 =	vld [tilespmem:s24+$0x0]  }
0x1f4: {  	v7 =	vld.idx.msk [tilespmem:v0+s4+$0xFFFFFE70 ss:$0x1], $0xffff;
	[tilespmem:s14+$0xFFFFFEA0] =	vst v3;
	v3 =	vadd.f32 v6, v8  }
0x1f5: {  	v6 =	vld.idx.msk [tilespmem:v0+s4+$0xFFFFFEF0 ss:$0x1], $0xffff  }
0x1f6: {  	[tilespmem:s14+$0xFFFFFFA0] =	vst v3;
	v8 =	vld.idx.msk [tilespmem:v0+s4+$0xFFFFFF70 ss:$0x1], $0xffff;
	v2 =	vadd.f32 v2, v4  }
0x1f7: {  	v3 =	vld [tilespmem:s21+$0xFFFFFE30]  }
0x1f8: {  	v4 =	vld [tilespmem:s21+$0xFFFFFF30];
	[tilespmem:s14+$0xA0] =	vst v2;
	v1 =	vadd.f32 v5, v1  }
0x1f9: {  	v2 =	vld [tilespmem:s21+$0x30]  }
0x1fa: {  	s18 =	sor.u32 $0x70, s18;
	v9 =	vld [tilespmem:s21+$0xFFFFFEB0];
	[tilespmem:s14+$0x1A0] =	vst v1  }
0x1fb: {  	v10 =	vld [tilespmem:s18+$0x0]  }
0x1fc: {  	s18 =	sor.u32 $0x70, s20;
	v5 =	vadd.f32 v7, v3;
	v1 =	vld [tilespmem:s21+$0xFFFFFFB0]  }
.Ltmp2:
0x1fd: {  	v4 =	vadd.f32 v6, v4;
	v3 =	vld [tilespmem:s18+$0x0];
	(pc) =	sbr.rel @p1 .LBB2_7-.Ltmp2, $4  }
0x1fe: {  	s18 =	sor.u32 $0x70, s22;
	[tilespmem:s14+$0xFFFFFE30] =	vst v5;
	v6 =	vadd.f32 v8, v2;
	v2 =	vld [tilespmem:s21+$0xB0]  }
0x1ff: {  	[tilespmem:s14+$0xFFFFFF30] =	vst v4;
	v5 =	vld [tilespmem:s18+$0x0]  }
0x200: {  	s12 =	sor.u32 $0x70, s12;
	v7 =	vadd.f32 v10, v9;
	[tilespmem:s14+$0x30] =	vst v6;
	v4 =	vld [tilespmem:s21+$0x1B0]  }
0x201: {  	s4 =	sadd.s32 $0x200, s4;
	v6 =	vld [tilespmem:s12+$0x0]  }
0x202: {  	_ = 	snop  }
0x203: {  	[tilespmem:s14+$0xFFFFFEB0] =	vst v7  }
0x204: {  	v0 =	vadd.f32 v3, v1;
	s24 =	rddreg [dreg:$0x6]  }
0x205: {  	v1 =	vadd.f32 v5, v2;
	s4 =	sadd.s32 s24, s6  }
0x206: {  	[tilespmem:s14+$0xFFFFFFB0] =	vst v0;
	s4 =	sshll.u32 s4, $0xB;
	v0 =	vadd.f32 v6, v4  }
0x207: {  	[tilespmem:s14+$0xB0] =	vst v1;
	s4 =	sand.u32 $0x1FFFD000, s4  }
0x208: {  	s1 =	simm.s32 $0x16800;
	s21 =	simm.s32 $0xC;
	s4 =	sadd.s32 s29, s4;
	[tilespmem:s14+$0x1B0] =	vst v0  }
0x209: {  	[hbm4b:s4+s28] =	stream.linear.scatter [tilespmem:s1], [sflag:$0xD], $0x4000, $0x38;
	[tilespmem:$0x1E800] =	vst v63  }
0x20a: {  	_ =	swait.ge [sflag:s21], $0x4000  }
0x20b: {  	[sflag:s21] =	ssyncset.done $0x0;
	s1 =	rddreg [dreg:$0x11]  }
0x20c: {  	s22 =	simm.s32 $0xE;
	[sflag:s21] =	ssyncadd.s32 $0xFFFFC000;
	s4 =	sadd.s32 @!p0 s5, s1  }
0x20d: {  	s8 =	simm.s32 @!p0 $0x6580;
	_ =	swait.ge [sflag:s22], $0x4000;
	s4 =	sshll.u32 @!p0 s4, $0x4  }
0x20e: {  	s6 =	simm.s32 @!p0 $0x0;
	[sflag:s22] =	ssyncset.done $0x0;
	s4 =	sand.u32 @!p0 $0x1FFFFFB0, s4  }
0x20f: {  	s23 =	sld [smem:$0x7F7];
	[sflag:s22] =	ssyncadd.s32 $0xFFFFC000;
	s4 =	sadd.s32 @!p0 s30, s4  }
0x210: {  	[tilespmem:s8], [sflag:$0x4] =	stream.linear.gather @!p0 [hbm4b:s4+s6], $0x80, $0x38;
	[tilespmem:$0x1E800] =	vst v63  }
0x211: {  	s8 =	simm.s32 $0x7  }
0x212: {  	s18 =	simm.s32 $0x80;
	_ =	swait.ge [sflag:s8], $0x80  }
0x213: {  	s14 =	simm.s32 $0xE800;
	s12 =	sshra.s32 s23, $0x2;
	[sflag:s8] =	ssyncset.done $0x0  }
0x214: {  	s21 =	simm.s32 $0x12A00;
	v0 =	vmov s12;
	s12 =	simm.s32 $0x6700;
	[sflag:s8] =	ssyncadd.s32 $0xFFFFFF80  }
0x215: {  	[tilespmem:s14], [sflag:$0xB] =	stream.indirect.gather [hbm4b:s25+s18], $0x80, s12, s18, $0xb8;
	[tilespmem:$0x1E800] =	vst v63  }
0x216: {  	v2 =	vld [tilespmem:s21+$0x100]  }
0x217: {  	v6 =	vld [tilespmem:s21+$0xFFFFFF00]  }
0x218: {  	v7 =	vld [tilespmem:s21+$0x0]  }
0x219: {  	v13 =	vld [tilespmem:s21+$0xFFFFFE80]  }
0x21a: {  	v1 =	vld.idx.msk [tilespmem:v0+s9+$0xFFFFFFC0 ss:$0x1], $0xffff  }
0x21b: {  	v14 =	vld [tilespmem:s21+$0xFFFFFF80]  }
0x21c: {  	v3 =	vld.idx.msk [tilespmem:v0+s9+$0xFFFFFE40 ss:$0x1], $0xffff  }
0x21d: {  	v4 =	vld.idx.msk [tilespmem:v0+s9+$0xFFFFFEC0 ss:$0x1], $0xffff  }
0x21e: {  	v5 =	vld.idx.msk [tilespmem:v0+s9+$0xFFFFFF40 ss:$0x1], $0xffff  }
0x21f: {  	v8 =	vld.idx.msk [tilespmem:v0+s9+$0xFFFFFE80 ss:$0x1], $0xffff;
	v1 =	vadd.f32 v1, v2  }
0x220: {  	s14 =	simm.s32 $0x1AA00;
	v2 =	vld [tilespmem:s21+$0xFFFFFE00]  }
0x221: {  	v48 =	vld [tilespmem:s21+$0x80];
	[tilespmem:s14+$0x100] =	vst v1  }
0x222: {  	v1 =	vld.idx.msk [tilespmem:v0+s9+$0xFFFFFFD0 ss:$0x1], $0xffff  }
0x223: {  	v9 =	vld [tilespmem:s21+$0x110]  }
0x224: {  	v10 =	vld.idx.msk [tilespmem:v0+s9+$0xFFFFFF00 ss:$0x1], $0xffff;
	v5 =	vadd.f32 v5, v7;
	v7 =	vadd.f32 v8, v13  }
0x225: {  	v11 =	vld.idx.msk [tilespmem:v0+s9+$0xFFFFFF80 ss:$0x1], $0xffff;
	v2 =	vadd.f32 v3, v2;
	v3 =	vadd.f32 v4, v6  }
0x226: {  	v12 =	vld.idx.msk [tilespmem:v0+s9+$0x0 ss:$0x1], $0xffff;
	[tilespmem:s14+$0xFFFFFE80] =	vst v7  }
0x227: {  	v7 =	vld [tilespmem:s21+$0xFFFFFE90];
	[tilespmem:s14+$0xFFFFFF00] =	vst v3  }
0x228: {  	[tilespmem:s14+$0x0] =	vst v5;
	v1 =	vadd.f32 v1, v9;
	v5 =	vld.idx.msk [tilespmem:v0+s9+$0xFFFFFED0 ss:$0x1], $0xffff  }
0x229: {  	v49 =	vld [tilespmem:s21+$0xFFFFFF10]  }
0x22a: {  	[tilespmem:s14+$0x110] =	vst v1;
	v1 =	vld [tilespmem:s21+$0x180]  }
0x22b: {  	v4 =	vld.idx.msk [tilespmem:v0+s9+$0xFFFFFFE0 ss:$0x1], $0xffff  }
0x22c: {  	[tilespmem:s14+$0xFFFFFE00] =	vst v2;
	v2 =	vld [tilespmem:s21+$0x120]  }
0x22d: {  	v3 =	vld.idx.msk [tilespmem:v0+s9+$0xFFFFFE50 ss:$0x1], $0xffff;
	v9 =	vadd.f32 v11, v48  }
0x22e: {  	v8 =	vld [tilespmem:s21+$0xFFFFFE10]  }
0x22f: {  	v6 =	vld.idx.msk [tilespmem:v0+s9+$0xFFFFFF50 ss:$0x1], $0xffff;
	s1 =	rddreg [dreg:$0x1d];
	[tilespmem:s14+$0x80] =	vst v9;
	v5 =	vadd.f32 v5, v49  }
0x230: {  	s4 =	sadd.s32 s1, s17;
	v54 =	vld [tilespmem:s21+$0x90]  }
0x231: {  	s6 =	sadd.s32 $0xFFFFFF80, s4;
	v1 =	vadd.f32 v12, v1;
	[tilespmem:s14+$0xFFFFFF10] =	vst v5;
	v2 =	vadd.f32 v4, v2;
	v4 =	vld [tilespmem:s21+$0x10]  }
0x232: {  	s18 =	sor.u32 $0x50, s6;
	v55 =	vld [tilespmem:s21+$0xFFFFFF20]  }
0x233: {  	[tilespmem:s14+$0x180] =	vst v1;
	v1 =	vadd.f32 v3, v8;
	v3 =	vld [tilespmem:s18+$0x0]  }
0x234: {  	[tilespmem:s14+$0x120] =	vst v2;
	v8 =	vld [tilespmem:s21+$0x190]  }
0x235: {  	s8 =	sadd.s32 $0xFFFFFE80, s4;
	v2 =	vadd.f32 v10, v14;
	v50 =	vld.idx.msk [tilespmem:v0+s9+$0xFFFFFFF0 ss:$0x1], $0xffff  }
0x236: {  	s19 =	sor.u32 $0x50, s8;
	v51 =	vld [tilespmem:s21+$0x130];
	[tilespmem:s14+$0xFFFFFE10] =	vst v1  }
0x237: {  	[tilespmem:s14+$0xFFFFFF80] =	vst v2;
	v2 =	vld [tilespmem:s19+$0x0]  }
0x238: {  	s12 =	sadd.s32 $0xFFFFFF00, s4;
	v5 =	vld.idx.msk [tilespmem:v0+s9+$0xFFFFFE60 ss:$0x1], $0xffff  }
0x239: {  	s20 =	sor.u32 $0x50, s12;
	v52 =	vld [tilespmem:s21+$0xFFFFFF90];
	v1 =	vadd.f32 v6, v4  }
0x23a: {  	v53 =	vld [tilespmem:s20+$0x0]  }
0x23b: {  	s22 =	sor.u32 $0x50, s4;
	[tilespmem:s14+$0x10] =	vst v1;
	v1 =	vld.idx.msk [tilespmem:v0+s9+$0xFFFFFEE0 ss:$0x1], $0xffff  }
0x23c: {  	v4 =	vld [tilespmem:s22+$0x0]  }
0x23d: {  	v6 =	vld.idx.msk [tilespmem:v0+s9+$0xFFFFFF60 ss:$0x1], $0xffff;
	v2 =	vadd.f32 v2, v7  }
0x23e: {  	v56 =	vld [tilespmem:s21+$0x20]  }
0x23f: {  	v7 =	vld [tilespmem:s21+$0xFFFFFE20];
	[tilespmem:s14+$0xFFFFFE90] =	vst v2;
	v2 =	vadd.f32 v53, v52  }
0x240: {  	s23 =	sor.u32 $0x60, s8;
	v57 =	vld [tilespmem:s21+$0xFFFFFEA0];
	v1 =	vadd.f32 v1, v55  }
0x241: {  	[tilespmem:s14+$0xFFFFFF90] =	vst v2;
	v2 =	vadd.f32 v3, v54;
	v3 =	vld [tilespmem:s23+$0x0]  }
0x242: {  	s19 =	sor.u32 $0x60, s12;
	v58 =	vld [tilespmem:s21+$0xFFFFFFA0];
	[tilespmem:s14+$0xFFFFFF20] =	vst v1  }
0x243: {  	[tilespmem:s14+$0x90] =	vst v2;
	v2 =	vadd.f32 v4, v8;
	v4 =	vld [tilespmem:s19+$0x0]  }
0x244: {  	v61 =	vld [tilespmem:s21+$0xFFFFFF30]  }
0x245: {  	s20 =	sor.u32 $0x60, s6;
	v8 =	vld [tilespmem:s21+$0xA0]  }
0x246: {  	[tilespmem:s14+$0x190] =	vst v2;
	v2 =	vadd.f32 v5, v7;
	v5 =	vld [tilespmem:s20+$0x0]  }
0x247: {  	s22 =	sor.u32 $0x60, s4;
	v7 =	vld [tilespmem:s21+$0x1A0]  }
0x248: {  	v1 =	vadd.f32 v3, v57;
	[tilespmem:s14+$0xFFFFFE20] =	vst v2;
	v2 =	vadd.f32 v6, v56;
	v6 =	vld [tilespmem:s22+$0x0]  }
0x249: {  	v59 =	vld.idx.msk [tilespmem:v0+s9+$0xFFFFFE70 ss:$0x1], $0xffff  }
0x24a: {  	v3 =	vld [tilespmem:s21+$0xFFFFFE30];
	[tilespmem:s14+$0xFFFFFEA0] =	vst v1  }
0x24b: {  	[tilespmem:s14+$0x20] =	vst v2;
	v2 =	vld.idx.msk [tilespmem:v0+s9+$0xFFFFFEF0 ss:$0x1], $0xffff  }
0x24c: {  	v62 =	vld [tilespmem:s21+$0xFFFFFEB0]  }
0x24d: {  	v1 =	vadd.f32 v4, v58;
	v60 =	vld.idx.msk [tilespmem:v0+s9+$0xFFFFFF70 ss:$0x1], $0xffff  }
0x24e: {  	s8 =	sor.u32 $0x70, s8;
	v10 =	vadd.f32 v50, v51;
	v4 =	vld [tilespmem:s21+$0x30]  }
0x24f: {  	[tilespmem:s14+$0xFFFFFFA0] =	vst v1;
	v5 =	vadd.f32 v5, v8;
	v8 =	vld [tilespmem:s8+$0x0]  }
0x250: {  	[tilespmem:s14+$0x130] =	vst v10;
	s23 =	sor.u32 $0x70, s12;
	v1 =	vld [tilespmem:s21+$0xFFFFFFB0];
	v6 =	vadd.f32 v6, v7  }
0x251: {  	[tilespmem:s14+$0xA0] =	vst v5;
	v5 =	vadd.f32 v59, v3;
	v3 =	vld [tilespmem:s23+$0x0]  }
0x252: {  	s6 =	sor.u32 $0x70, s6;
	[tilespmem:s14+$0x1A0] =	vst v6;
	v6 =	vadd.f32 v2, v61;
	v2 =	vld [tilespmem:s21+$0xB0]  }
0x253: {  	[tilespmem:s14+$0xFFFFFE30] =	vst v5;
	v63 =	vadd.f32 v60, v4;
	v5 =	vld [tilespmem:s6+$0x0]  }
0x254: {  	s4 =	sor.u32 $0x70, s4;
	s19 =	sor.u32 $0x5, s5;
	v4 =	vld [tilespmem:s21+$0x1B0];
	v7 =	vadd.f32 v8, v62;
	[tilespmem:s14+$0xFFFFFF30] =	vst v6  }
0x255: {  	s8 =	smov.u32 s1;
	s6 =	simm.s32 $0x0;
	v6 =	vld [tilespmem:s4+$0x0];
	s4 =	sadd.s32 $0x200, s9;
	[tilespmem:s14+$0x30] =	vst v63  }
.LBB2_9:
0x256: {  	v8 =	vld.idx.msk [tilespmem:v0+s4+$0xFFFFFFC0 ss:$0x1], $0xffff;
	s6 =	sadd.s32 $0x8, s6;
	[tilespmem:s14+$0xFFFFFEB0] =	vst v7;
	v1 =	vadd.f32 v3, v1;
	s21 =	sadd.s32 $0x400, s21  }
0x257: {  	v3 =	vld [tilespmem:s21+$0x100];
	p1 =	slt.u32 s6, $0x78  }
0x258: {  	v7 =	vld.idx.msk [tilespmem:v0+s4+$0xFFFFFE40 ss:$0x1], $0xffff;
	[tilespmem:s14+$0xFFFFFFB0] =	vst v1;
	v1 =	vadd.f32 v5, v2  }
0x259: {  	v2 =	vld.idx.msk [tilespmem:v0+s4+$0xFFFFFEC0 ss:$0x1], $0xffff  }
0x25a: {  	v5 =	vld.idx.msk [tilespmem:v0+s4+$0xFFFFFF40 ss:$0x1], $0xffff;
	[tilespmem:s14+$0xB0] =	vst v1;
	v1 =	vadd.f32 v6, v4  }
0x25b: {  	v4 =	vld [tilespmem:s21+$0xFFFFFF00]  }
0x25c: {  	v6 =	vld [tilespmem:s21+$0x0];
	v3 =	vadd.f32 v8, v3;
	[tilespmem:s14+$0x1B0] =	vst v1  }
0x25d: {  	s14 =	sadd.s32 $0x400, s14;
	v1 =	vld [tilespmem:s21+$0xFFFFFE00]  }
0x25e: {  	v8 =	vld.idx.msk [tilespmem:v0+s4+$0xFFFFFE80 ss:$0x1], $0xffff;
	[tilespmem:s14+$0x100] =	vst v3  }
0x25f: {  	v3 =	vld.idx.msk [tilespmem:v0+s4+$0xFFFFFFD0 ss:$0x1], $0xffff  }
0x260: {  	v2 =	vadd.f32 v2, v4;
	v4 =	vld [tilespmem:s21+$0x110]  }
0x261: {  	v9 =	vld.idx.msk [tilespmem:v0+s4+$0xFFFFFF00 ss:$0x1], $0xffff;
	v5 =	vadd.f32 v5, v6  }
0x262: {  	v1 =	vadd.f32 v7, v1;
	[tilespmem:s14+$0xFFFFFF00] =	vst v2;
	v2 =	vld.idx.msk [tilespmem:v0+s4+$0xFFFFFF80 ss:$0x1], $0xffff  }
0x263: {  	[tilespmem:s14+$0x0] =	vst v5;
	v5 =	vld.idx.msk [tilespmem:v0+s4+$0x0 ss:$0x1], $0xffff  }
0x264: {  	[tilespmem:s14+$0xFFFFFE00] =	vst v1;
	v1 =	vld [tilespmem:s21+$0xFFFFFE80]  }
0x265: {  	v6 =	vld [tilespmem:s21+$0xFFFFFF80];
	v3 =	vadd.f32 v3, v4  }
0x266: {  	v4 =	vld [tilespmem:s21+$0x80]  }
0x267: {  	[tilespmem:s14+$0x110] =	vst v3;
	v3 =	vld [tilespmem:s21+$0x180]  }
0x268: {  	v7 =	vld.idx.msk [tilespmem:v0+s4+$0xFFFFFFE0 ss:$0x1], $0xffff  }
0x269: {  	v1 =	vadd.f32 v8, v1;
	v8 =	vld [tilespmem:s21+$0x120]  }
0x26a: {  	v10 =	vld.idx.msk [tilespmem:v0+s4+$0xFFFFFE50 ss:$0x1], $0xffff;
	v6 =	vadd.f32 v9, v6  }
0x26b: {  	[tilespmem:s14+$0xFFFFFE80] =	vst v1;
	v1 =	vld.idx.msk [tilespmem:v0+s4+$0xFFFFFED0 ss:$0x1], $0xffff;
	v2 =	vadd.f32 v2, v4  }
0x26c: {  	[tilespmem:s14+$0xFFFFFF80] =	vst v6;
	v4 =	vld.idx.msk [tilespmem:v0+s4+$0xFFFFFF50 ss:$0x1], $0xffff;
	v3 =	vadd.f32 v5, v3  }
0x26d: {  	v5 =	vld [tilespmem:s21+$0xFFFFFE10];
	[tilespmem:s14+$0x80] =	vst v2  }
0x26e: {  	v2 =	vld [tilespmem:s21+$0xFFFFFF10];
	v6 =	vadd.f32 v7, v8;
	[tilespmem:s14+$0x180] =	vst v3  }
0x26f: {  	s8 =	sadd.s32 $0x200, s8;
	v3 =	vld [tilespmem:s21+$0x10]  }
0x270: {  	s12 =	sadd.s32 s8, s17;
	v7 =	vld [tilespmem:s21+$0xFFFFFE90];
	[tilespmem:s14+$0x120] =	vst v6  }
0x271: {  	s18 =	sadd.s32 $0xFFFFFE80, s12;
	v6 =	vld.idx.msk [tilespmem:v0+s4+$0xFFFFFFF0 ss:$0x1], $0xffff  }
0x272: {  	s20 =	sor.u32 $0x50, s18;
	v5 =	vadd.f32 v10, v5;
	v8 =	vld [tilespmem:s21+$0x130]  }
0x273: {  	v9 =	vld [tilespmem:s20+$0x0];
	v1 =	vadd.f32 v1, v2;
	s20 =	sadd.s32 $0xFFFFFF00, s12  }
0x274: {  	[tilespmem:s14+$0xFFFFFE10] =	vst v5;
	v2 =	vld [tilespmem:s21+$0xFFFFFF90];
	s22 =	sor.u32 $0x50, s20;
	v3 =	vadd.f32 v4, v3  }
0x275: {  	[tilespmem:s14+$0xFFFFFF10] =	vst v1;
	v1 =	vld [tilespmem:s22+$0x0];
	s22 =	sadd.s32 $0xFFFFFF80, s12  }
0x276: {  	[tilespmem:s14+$0x10] =	vst v3;
	v3 =	vld [tilespmem:s21+$0x90];
	s23 =	sor.u32 $0x50, s22  }
0x277: {  	v4 =	vld [tilespmem:s23+$0x0];
	v5 =	vadd.f32 v6, v8  }
0x278: {  	s23 =	sor.u32 $0x50, s12;
	v6 =	vadd.f32 v9, v7;
	v7 =	vld [tilespmem:s21+$0x190]  }
0x279: {  	[tilespmem:s14+$0x130] =	vst v5;
	v5 =	vld [tilespmem:s23+$0x0]  }
0x27a: {  	v8 =	vld.idx.msk [tilespmem:v0+s4+$0xFFFFFE60 ss:$0x1], $0xffff;
	[tilespmem:s14+$0xFFFFFE90] =	vst v6;
	v1 =	vadd.f32 v1, v2  }
0x27b: {  	v2 =	vld.idx.msk [tilespmem:v0+s4+$0xFFFFFEE0 ss:$0x1], $0xffff  }
0x27c: {  	[tilespmem:s14+$0xFFFFFF90] =	vst v1;
	v1 =	vld.idx.msk [tilespmem:v0+s4+$0xFFFFFF60 ss:$0x1], $0xffff;
	v3 =	vadd.f32 v4, v3  }
0x27d: {  	v4 =	vld [tilespmem:s21+$0xFFFFFE20]  }
0x27e: {  	v6 =	vld [tilespmem:s21+$0xFFFFFF20];
	[tilespmem:s14+$0x90] =	vst v3;
	v3 =	vadd.f32 v5, v7  }
0x27f: {  	v5 =	vld [tilespmem:s21+$0x20]  }
0x280: {  	s23 =	sor.u32 $0x60, s18;
	v7 =	vld [tilespmem:s21+$0xFFFFFEA0];
	[tilespmem:s14+$0x190] =	vst v3  }
0x281: {  	v3 =	vld [tilespmem:s23+$0x0]  }
0x282: {  	s23 =	sor.u32 $0x60, s20;
	v4 =	vadd.f32 v8, v4;
	v8 =	vld [tilespmem:s21+$0xFFFFFFA0]  }
0x283: {  	v2 =	vadd.f32 v2, v6;
	v6 =	vld [tilespmem:s23+$0x0]  }
0x284: {  	s23 =	sor.u32 $0x60, s22;
	[tilespmem:s14+$0xFFFFFE20] =	vst v4;
	v1 =	vadd.f32 v1, v5;
	v4 =	vld [tilespmem:s21+$0xA0]  }
0x285: {  	[tilespmem:s14+$0xFFFFFF20] =	vst v2;
	v2 =	vld [tilespmem:s23+$0x0]  }
0x286: {  	s23 =	sor.u32 $0x60, s12;
	v3 =	vadd.f32 v3, v7;
	[tilespmem:s14+$0x20] =	vst v1;
	v1 =	vld [tilespmem:s21+$0x1A0]  }
0x287: {  	v5 =	vld [tilespmem:s23+$0x0]  }
0x288: {  	v7 =	vld.idx.msk [tilespmem:v0+s4+$0xFFFFFE70 ss:$0x1], $0xffff;
	[tilespmem:s14+$0xFFFFFEA0] =	vst v3;
	v3 =	vadd.f32 v6, v8  }
0x289: {  	v6 =	vld.idx.msk [tilespmem:v0+s4+$0xFFFFFEF0 ss:$0x1], $0xffff  }
0x28a: {  	[tilespmem:s14+$0xFFFFFFA0] =	vst v3;
	v8 =	vld.idx.msk [tilespmem:v0+s4+$0xFFFFFF70 ss:$0x1], $0xffff;
	v2 =	vadd.f32 v2, v4  }
0x28b: {  	v3 =	vld [tilespmem:s21+$0xFFFFFE30]  }
0x28c: {  	v4 =	vld [tilespmem:s21+$0xFFFFFF30];
	[tilespmem:s14+$0xA0] =	vst v2;
	v1 =	vadd.f32 v5, v1  }
0x28d: {  	v2 =	vld [tilespmem:s21+$0x30]  }
0x28e: {  	s18 =	sor.u32 $0x70, s18;
	v9 =	vld [tilespmem:s21+$0xFFFFFEB0];
	[tilespmem:s14+$0x1A0] =	vst v1  }
0x28f: {  	v10 =	vld [tilespmem:s18+$0x0]  }
0x290: {  	s18 =	sor.u32 $0x70, s20;
	v5 =	vadd.f32 v7, v3;
	v1 =	vld [tilespmem:s21+$0xFFFFFFB0]  }
.Ltmp3:
0x291: {  	v4 =	vadd.f32 v6, v4;
	v3 =	vld [tilespmem:s18+$0x0];
	(pc) =	sbr.rel @p1 .LBB2_9-.Ltmp3, $4  }
0x292: {  	s18 =	sor.u32 $0x70, s22;
	[tilespmem:s14+$0xFFFFFE30] =	vst v5;
	v6 =	vadd.f32 v8, v2;
	v2 =	vld [tilespmem:s21+$0xB0]  }
0x293: {  	[tilespmem:s14+$0xFFFFFF30] =	vst v4;
	v5 =	vld [tilespmem:s18+$0x0]  }
0x294: {  	s12 =	sor.u32 $0x70, s12;
	v7 =	vadd.f32 v10, v9;
	[tilespmem:s14+$0x30] =	vst v6;
	v4 =	vld [tilespmem:s21+$0x1B0]  }
0x295: {  	s4 =	sadd.s32 $0x200, s4;
	v6 =	vld [tilespmem:s12+$0x0]  }
0x296: {  	[tilespmem:s14+$0xFFFFFEB0] =	vst v7  }
0x297: {  	s1 =	sld [smem:$0x7EE];
	_ =	sdelay $0x1  }
0x298: {  	v0 =	vadd.f32 v3, v1  }
0x299: {  	v1 =	vadd.f32 v5, v2;
	s4 =	sadd.s32 s24, s1  }
0x29a: {  	[tilespmem:s14+$0xFFFFFFB0] =	vst v0;
	v0 =	vadd.f32 v6, v4;
	s4 =	sshll.u32 s4, $0xB  }
0x29b: {  	[tilespmem:s14+$0xB0] =	vst v1;
	s4 =	sand.u32 $0x1FFFD800, s4  }
0x29c: {  	s20 =	simm.s32 $0x1A800;
	s21 =	simm.s32 $0x9;
	[tilespmem:s14+$0x1B0] =	vst v0;
	s4 =	sadd.s32 s29, s4  }
0x29d: {  	[hbm4b:s4+s28] =	stream.linear.scatter [tilespmem:s20], [sflag:$0xE], $0x4000, $0x38;
	[tilespmem:$0x1E800] =	vst v63  }
0x29e: {  	_ =	swait.ge [sflag:s21], $0x4000  }
0x29f: {  	[sflag:s21] =	ssyncset.done $0x0;
	s1 =	rddreg [dreg:$0x12]  }
0x2a0: {  	s22 =	simm.s32 $0xD;
	[sflag:s21] =	ssyncadd.s32 $0xFFFFC000;
	s4 =	sadd.s32 @!p0 s5, s1  }
0x2a1: {  	s6 =	simm.s32 @!p0 $0x0;
	_ =	swait.ge [sflag:s22], $0x4000;
	s4 =	sshll.u32 @!p0 s4, $0x4  }
0x2a2: {  	s8 =	simm.s32 @!p0 $0x6600;
	[sflag:s22] =	ssyncset.done $0x0;
	s4 =	sand.u32 @!p0 $0x1FFFFFC0, s4  }
0x2a3: {  	s23 =	sld [smem:$0x7F6];
	[sflag:s22] =	ssyncadd.s32 $0xFFFFC000;
	s4 =	sadd.s32 @!p0 s30, s4  }
0x2a4: {  	[tilespmem:s8], [sflag:$0x5] =	stream.linear.gather @!p0 [hbm4b:s4+s6], $0x80, $0x38;
	[tilespmem:$0x1E800] =	vst v63  }
0x2a5: {  	s8 =	simm.s32 $0x8  }
0x2a6: {  	s17 =	simm.s32 $0x12800;
	_ =	swait.ge [sflag:s8], $0x80  }
0x2a7: {  	s14 =	simm.s32 $0x80;
	s12 =	sshra.s32 s23, $0x2;
	[sflag:s8] =	ssyncset.done $0x0  }
0x2a8: {  	s21 =	simm.s32 $0x6A00;
	v0 =	vmov s12;
	s12 =	simm.s32 $0x6780;
	[sflag:s8] =	ssyncadd.s32 $0xFFFFFF80  }
0x2a9: {  	[tilespmem:s17], [sflag:$0xC] =	stream.indirect.gather [hbm4b:s25+s14], $0x80, s12, s14, $0xb8;
	[tilespmem:$0x1E800] =	vst v63  }
0x2aa: {  	v2 =	vld [tilespmem:s21+$0x100]  }
0x2ab: {  	v6 =	vld [tilespmem:s21+$0xFFFFFF00]  }
0x2ac: {  	v7 =	vld [tilespmem:s21+$0x0]  }
0x2ad: {  	v13 =	vld [tilespmem:s21+$0xFFFFFE80]  }
0x2ae: {  	v1 =	vld.idx.msk [tilespmem:v0+s7+$0xFFFFFFC0 ss:$0x1], $0xffff  }
0x2af: {  	v14 =	vld [tilespmem:s21+$0xFFFFFF80]  }
0x2b0: {  	v3 =	vld.idx.msk [tilespmem:v0+s7+$0xFFFFFE40 ss:$0x1], $0xffff  }
0x2b1: {  	v4 =	vld.idx.msk [tilespmem:v0+s7+$0xFFFFFEC0 ss:$0x1], $0xffff  }
0x2b2: {  	v5 =	vld.idx.msk [tilespmem:v0+s7+$0xFFFFFF40 ss:$0x1], $0xffff  }
0x2b3: {  	v8 =	vld.idx.msk [tilespmem:v0+s7+$0xFFFFFE80 ss:$0x1], $0xffff;
	v1 =	vadd.f32 v1, v2  }
0x2b4: {  	s14 =	simm.s32 $0x16A00;
	v2 =	vld [tilespmem:s21+$0xFFFFFE00]  }
0x2b5: {  	v48 =	vld [tilespmem:s21+$0x80];
	[tilespmem:s14+$0x100] =	vst v1  }
0x2b6: {  	v1 =	vld.idx.msk [tilespmem:v0+s7+$0xFFFFFFD0 ss:$0x1], $0xffff  }
0x2b7: {  	v9 =	vld [tilespmem:s21+$0x110]  }
0x2b8: {  	v10 =	vld.idx.msk [tilespmem:v0+s7+$0xFFFFFF00 ss:$0x1], $0xffff;
	v5 =	vadd.f32 v5, v7;
	v7 =	vadd.f32 v8, v13  }
0x2b9: {  	v11 =	vld.idx.msk [tilespmem:v0+s7+$0xFFFFFF80 ss:$0x1], $0xffff;
	v2 =	vadd.f32 v3, v2;
	v3 =	vadd.f32 v4, v6  }
0x2ba: {  	v12 =	vld.idx.msk [tilespmem:v0+s7+$0x0 ss:$0x1], $0xffff;
	[tilespmem:s14+$0xFFFFFE80] =	vst v7  }
0x2bb: {  	v7 =	vld [tilespmem:s21+$0xFFFFFE90];
	[tilespmem:s14+$0xFFFFFF00] =	vst v3  }
0x2bc: {  	[tilespmem:s14+$0x0] =	vst v5;
	v1 =	vadd.f32 v1, v9;
	v5 =	vld.idx.msk [tilespmem:v0+s7+$0xFFFFFED0 ss:$0x1], $0xffff  }
0x2bd: {  	v49 =	vld [tilespmem:s21+$0xFFFFFF10]  }
0x2be: {  	[tilespmem:s14+$0x110] =	vst v1;
	v1 =	vld [tilespmem:s21+$0x180]  }
0x2bf: {  	v4 =	vld.idx.msk [tilespmem:v0+s7+$0xFFFFFFE0 ss:$0x1], $0xffff  }
0x2c0: {  	[tilespmem:s14+$0xFFFFFE00] =	vst v2;
	v2 =	vld [tilespmem:s21+$0x120]  }
0x2c1: {  	v3 =	vld.idx.msk [tilespmem:v0+s7+$0xFFFFFE50 ss:$0x1], $0xffff;
	v9 =	vadd.f32 v11, v48  }
0x2c2: {  	v8 =	vld [tilespmem:s21+$0xFFFFFE10]  }
0x2c3: {  	v6 =	vld.idx.msk [tilespmem:v0+s7+$0xFFFFFF50 ss:$0x1], $0xffff;
	s1 =	rddreg [dreg:$0x1f];
	[tilespmem:s14+$0x80] =	vst v9;
	v5 =	vadd.f32 v5, v49  }
0x2c4: {  	s4 =	sadd.s32 s1, s10;
	v54 =	vld [tilespmem:s21+$0x90]  }
0x2c5: {  	s6 =	sadd.s32 $0xFFFFFF80, s4;
	v1 =	vadd.f32 v12, v1;
	[tilespmem:s14+$0xFFFFFF10] =	vst v5;
	v2 =	vadd.f32 v4, v2;
	v4 =	vld [tilespmem:s21+$0x10]  }
0x2c6: {  	s17 =	sor.u32 $0x50, s6;
	v55 =	vld [tilespmem:s21+$0xFFFFFF20]  }
0x2c7: {  	[tilespmem:s14+$0x180] =	vst v1;
	v1 =	vadd.f32 v3, v8;
	v3 =	vld [tilespmem:s17+$0x0]  }
0x2c8: {  	[tilespmem:s14+$0x120] =	vst v2;
	v8 =	vld [tilespmem:s21+$0x190]  }
0x2c9: {  	s8 =	sadd.s32 $0xFFFFFE80, s4;
	v2 =	vadd.f32 v10, v14;
	v50 =	vld.idx.msk [tilespmem:v0+s7+$0xFFFFFFF0 ss:$0x1], $0xffff  }
0x2ca: {  	s18 =	sor.u32 $0x50, s8;
	v51 =	vld [tilespmem:s21+$0x130];
	[tilespmem:s14+$0xFFFFFE10] =	vst v1  }
0x2cb: {  	[tilespmem:s14+$0xFFFFFF80] =	vst v2;
	v2 =	vld [tilespmem:s18+$0x0]  }
0x2cc: {  	s12 =	sadd.s32 $0xFFFFFF00, s4;
	v5 =	vld.idx.msk [tilespmem:v0+s7+$0xFFFFFE60 ss:$0x1], $0xffff  }
0x2cd: {  	s20 =	sor.u32 $0x50, s12;
	v52 =	vld [tilespmem:s21+$0xFFFFFF90];
	v1 =	vadd.f32 v6, v4  }
0x2ce: {  	v53 =	vld [tilespmem:s20+$0x0]  }
0x2cf: {  	s22 =	sor.u32 $0x50, s4;
	[tilespmem:s14+$0x10] =	vst v1;
	v1 =	vld.idx.msk [tilespmem:v0+s7+$0xFFFFFEE0 ss:$0x1], $0xffff  }
0x2d0: {  	v4 =	vld [tilespmem:s22+$0x0]  }
0x2d1: {  	v6 =	vld.idx.msk [tilespmem:v0+s7+$0xFFFFFF60 ss:$0x1], $0xffff;
	v2 =	vadd.f32 v2, v7  }
0x2d2: {  	v56 =	vld [tilespmem:s21+$0x20]  }
0x2d3: {  	v7 =	vld [tilespmem:s21+$0xFFFFFE20];
	[tilespmem:s14+$0xFFFFFE90] =	vst v2;
	v2 =	vadd.f32 v53, v52  }
0x2d4: {  	s23 =	sor.u32 $0x60, s8;
	v57 =	vld [tilespmem:s21+$0xFFFFFEA0];
	v1 =	vadd.f32 v1, v55  }
0x2d5: {  	[tilespmem:s14+$0xFFFFFF90] =	vst v2;
	v2 =	vadd.f32 v3, v54;
	v3 =	vld [tilespmem:s23+$0x0]  }
0x2d6: {  	s18 =	sor.u32 $0x60, s12;
	v58 =	vld [tilespmem:s21+$0xFFFFFFA0];
	[tilespmem:s14+$0xFFFFFF20] =	vst v1  }
0x2d7: {  	[tilespmem:s14+$0x90] =	vst v2;
	v2 =	vadd.f32 v4, v8;
	v4 =	vld [tilespmem:s18+$0x0]  }
0x2d8: {  	v61 =	vld [tilespmem:s21+$0xFFFFFF30]  }
0x2d9: {  	s20 =	sor.u32 $0x60, s6;
	v8 =	vld [tilespmem:s21+$0xA0]  }
0x2da: {  	[tilespmem:s14+$0x190] =	vst v2;
	v2 =	vadd.f32 v5, v7;
	v5 =	vld [tilespmem:s20+$0x0]  }
0x2db: {  	s22 =	sor.u32 $0x60, s4;
	v7 =	vld [tilespmem:s21+$0x1A0]  }
0x2dc: {  	v1 =	vadd.f32 v3, v57;
	[tilespmem:s14+$0xFFFFFE20] =	vst v2;
	v2 =	vadd.f32 v6, v56;
	v6 =	vld [tilespmem:s22+$0x0]  }
0x2dd: {  	v59 =	vld.idx.msk [tilespmem:v0+s7+$0xFFFFFE70 ss:$0x1], $0xffff  }
0x2de: {  	v3 =	vld [tilespmem:s21+$0xFFFFFE30];
	[tilespmem:s14+$0xFFFFFEA0] =	vst v1  }
0x2df: {  	[tilespmem:s14+$0x20] =	vst v2;
	v2 =	vld.idx.msk [tilespmem:v0+s7+$0xFFFFFEF0 ss:$0x1], $0xffff  }
0x2e0: {  	v62 =	vld [tilespmem:s21+$0xFFFFFEB0]  }
0x2e1: {  	v1 =	vadd.f32 v4, v58;
	v60 =	vld.idx.msk [tilespmem:v0+s7+$0xFFFFFF70 ss:$0x1], $0xffff  }
0x2e2: {  	s8 =	sor.u32 $0x70, s8;
	v10 =	vadd.f32 v50, v51;
	v4 =	vld [tilespmem:s21+$0x30]  }
0x2e3: {  	[tilespmem:s14+$0xFFFFFFA0] =	vst v1;
	v5 =	vadd.f32 v5, v8;
	v8 =	vld [tilespmem:s8+$0x0]  }
0x2e4: {  	[tilespmem:s14+$0x130] =	vst v10;
	s23 =	sor.u32 $0x70, s12;
	v1 =	vld [tilespmem:s21+$0xFFFFFFB0];
	v6 =	vadd.f32 v6, v7  }
0x2e5: {  	[tilespmem:s14+$0xA0] =	vst v5;
	v5 =	vadd.f32 v59, v3;
	v3 =	vld [tilespmem:s23+$0x0]  }
0x2e6: {  	s6 =	sor.u32 $0x70, s6;
	[tilespmem:s14+$0x1A0] =	vst v6;
	v6 =	vadd.f32 v2, v61;
	v2 =	vld [tilespmem:s21+$0xB0]  }
0x2e7: {  	[tilespmem:s14+$0xFFFFFE30] =	vst v5;
	v63 =	vadd.f32 v60, v4;
	v5 =	vld [tilespmem:s6+$0x0]  }
0x2e8: {  	s17 =	sor.u32 $0x6, s5;
	s4 =	sor.u32 $0x70, s4;
	v4 =	vld [tilespmem:s21+$0x1B0];
	v7 =	vadd.f32 v8, v62;
	[tilespmem:s14+$0xFFFFFF30] =	vst v6  }
0x2e9: {  	s8 =	smov.u32 s1;
	s6 =	simm.s32 $0x0;
	v6 =	vld [tilespmem:s4+$0x0];
	s4 =	sadd.s32 $0x200, s7;
	[tilespmem:s14+$0x30] =	vst v63  }
.LBB2_11:
0x2ea: {  	v8 =	vld.idx.msk [tilespmem:v0+s4+$0xFFFFFFC0 ss:$0x1], $0xffff;
	s6 =	sadd.s32 $0x8, s6;
	[tilespmem:s14+$0xFFFFFEB0] =	vst v7;
	v1 =	vadd.f32 v3, v1;
	s21 =	sadd.s32 $0x400, s21  }
0x2eb: {  	v3 =	vld [tilespmem:s21+$0x100];
	p1 =	slt.u32 s6, $0x78  }
0x2ec: {  	v7 =	vld.idx.msk [tilespmem:v0+s4+$0xFFFFFE40 ss:$0x1], $0xffff;
	[tilespmem:s14+$0xFFFFFFB0] =	vst v1;
	v1 =	vadd.f32 v5, v2  }
0x2ed: {  	v2 =	vld.idx.msk [tilespmem:v0+s4+$0xFFFFFEC0 ss:$0x1], $0xffff  }
0x2ee: {  	v5 =	vld.idx.msk [tilespmem:v0+s4+$0xFFFFFF40 ss:$0x1], $0xffff;
	[tilespmem:s14+$0xB0] =	vst v1;
	v1 =	vadd.f32 v6, v4  }
0x2ef: {  	v4 =	vld [tilespmem:s21+$0xFFFFFF00]  }
0x2f0: {  	v6 =	vld [tilespmem:s21+$0x0];
	v3 =	vadd.f32 v8, v3;
	[tilespmem:s14+$0x1B0] =	vst v1  }
0x2f1: {  	s14 =	sadd.s32 $0x400, s14;
	v1 =	vld [tilespmem:s21+$0xFFFFFE00]  }
0x2f2: {  	v8 =	vld.idx.msk [tilespmem:v0+s4+$0xFFFFFE80 ss:$0x1], $0xffff;
	[tilespmem:s14+$0x100] =	vst v3  }
0x2f3: {  	v3 =	vld.idx.msk [tilespmem:v0+s4+$0xFFFFFFD0 ss:$0x1], $0xffff  }
0x2f4: {  	v2 =	vadd.f32 v2, v4;
	v4 =	vld [tilespmem:s21+$0x110]  }
0x2f5: {  	v9 =	vld.idx.msk [tilespmem:v0+s4+$0xFFFFFF00 ss:$0x1], $0xffff;
	v5 =	vadd.f32 v5, v6  }
0x2f6: {  	v1 =	vadd.f32 v7, v1;
	[tilespmem:s14+$0xFFFFFF00] =	vst v2;
	v2 =	vld.idx.msk [tilespmem:v0+s4+$0xFFFFFF80 ss:$0x1], $0xffff  }
0x2f7: {  	[tilespmem:s14+$0x0] =	vst v5;
	v5 =	vld.idx.msk [tilespmem:v0+s4+$0x0 ss:$0x1], $0xffff  }
0x2f8: {  	[tilespmem:s14+$0xFFFFFE00] =	vst v1;
	v1 =	vld [tilespmem:s21+$0xFFFFFE80]  }
0x2f9: {  	v6 =	vld [tilespmem:s21+$0xFFFFFF80];
	v3 =	vadd.f32 v3, v4  }
0x2fa: {  	v4 =	vld [tilespmem:s21+$0x80]  }
0x2fb: {  	[tilespmem:s14+$0x110] =	vst v3;
	v3 =	vld [tilespmem:s21+$0x180]  }
0x2fc: {  	v7 =	vld.idx.msk [tilespmem:v0+s4+$0xFFFFFFE0 ss:$0x1], $0xffff  }
0x2fd: {  	v1 =	vadd.f32 v8, v1;
	v8 =	vld [tilespmem:s21+$0x120]  }
0x2fe: {  	v10 =	vld.idx.msk [tilespmem:v0+s4+$0xFFFFFE50 ss:$0x1], $0xffff;
	v6 =	vadd.f32 v9, v6  }
0x2ff: {  	[tilespmem:s14+$0xFFFFFE80] =	vst v1;
	v1 =	vld.idx.msk [tilespmem:v0+s4+$0xFFFFFED0 ss:$0x1], $0xffff;
	v2 =	vadd.f32 v2, v4  }
0x300: {  	[tilespmem:s14+$0xFFFFFF80] =	vst v6;
	v4 =	vld.idx.msk [tilespmem:v0+s4+$0xFFFFFF50 ss:$0x1], $0xffff;
	v3 =	vadd.f32 v5, v3  }
0x301: {  	v5 =	vld [tilespmem:s21+$0xFFFFFE10];
	[tilespmem:s14+$0x80] =	vst v2  }
0x302: {  	v2 =	vld [tilespmem:s21+$0xFFFFFF10];
	v6 =	vadd.f32 v7, v8;
	[tilespmem:s14+$0x180] =	vst v3  }
0x303: {  	s8 =	sadd.s32 $0x200, s8;
	v3 =	vld [tilespmem:s21+$0x10]  }
0x304: {  	s12 =	sadd.s32 s8, s10;
	v7 =	vld [tilespmem:s21+$0xFFFFFE90];
	[tilespmem:s14+$0x120] =	vst v6  }
0x305: {  	s18 =	sadd.s32 $0xFFFFFE80, s12;
	v6 =	vld.idx.msk [tilespmem:v0+s4+$0xFFFFFFF0 ss:$0x1], $0xffff  }
0x306: {  	s20 =	sor.u32 $0x50, s18;
	v5 =	vadd.f32 v10, v5;
	v8 =	vld [tilespmem:s21+$0x130]  }
0x307: {  	v9 =	vld [tilespmem:s20+$0x0];
	v1 =	vadd.f32 v1, v2;
	s20 =	sadd.s32 $0xFFFFFF00, s12  }
0x308: {  	[tilespmem:s14+$0xFFFFFE10] =	vst v5;
	v2 =	vld [tilespmem:s21+$0xFFFFFF90];
	s22 =	sor.u32 $0x50, s20;
	v3 =	vadd.f32 v4, v3  }
0x309: {  	[tilespmem:s14+$0xFFFFFF10] =	vst v1;
	v1 =	vld [tilespmem:s22+$0x0];
	s22 =	sadd.s32 $0xFFFFFF80, s12  }
0x30a: {  	[tilespmem:s14+$0x10] =	vst v3;
	v3 =	vld [tilespmem:s21+$0x90];
	s23 =	sor.u32 $0x50, s22  }
0x30b: {  	v4 =	vld [tilespmem:s23+$0x0];
	v5 =	vadd.f32 v6, v8  }
0x30c: {  	s23 =	sor.u32 $0x50, s12;
	v6 =	vadd.f32 v9, v7;
	v7 =	vld [tilespmem:s21+$0x190]  }
0x30d: {  	[tilespmem:s14+$0x130] =	vst v5;
	v5 =	vld [tilespmem:s23+$0x0]  }
0x30e: {  	v8 =	vld.idx.msk [tilespmem:v0+s4+$0xFFFFFE60 ss:$0x1], $0xffff;
	[tilespmem:s14+$0xFFFFFE90] =	vst v6;
	v1 =	vadd.f32 v1, v2  }
0x30f: {  	v2 =	vld.idx.msk [tilespmem:v0+s4+$0xFFFFFEE0 ss:$0x1], $0xffff  }
0x310: {  	[tilespmem:s14+$0xFFFFFF90] =	vst v1;
	v1 =	vld.idx.msk [tilespmem:v0+s4+$0xFFFFFF60 ss:$0x1], $0xffff;
	v3 =	vadd.f32 v4, v3  }
0x311: {  	v4 =	vld [tilespmem:s21+$0xFFFFFE20]  }
0x312: {  	v6 =	vld [tilespmem:s21+$0xFFFFFF20];
	[tilespmem:s14+$0x90] =	vst v3;
	v3 =	vadd.f32 v5, v7  }
0x313: {  	v5 =	vld [tilespmem:s21+$0x20]  }
0x314: {  	s23 =	sor.u32 $0x60, s18;
	v7 =	vld [tilespmem:s21+$0xFFFFFEA0];
	[tilespmem:s14+$0x190] =	vst v3  }
0x315: {  	v3 =	vld [tilespmem:s23+$0x0]  }
0x316: {  	s23 =	sor.u32 $0x60, s20;
	v4 =	vadd.f32 v8, v4;
	v8 =	vld [tilespmem:s21+$0xFFFFFFA0]  }
0x317: {  	v2 =	vadd.f32 v2, v6;
	v6 =	vld [tilespmem:s23+$0x0]  }
0x318: {  	s23 =	sor.u32 $0x60, s22;
	[tilespmem:s14+$0xFFFFFE20] =	vst v4;
	v1 =	vadd.f32 v1, v5;
	v4 =	vld [tilespmem:s21+$0xA0]  }
0x319: {  	[tilespmem:s14+$0xFFFFFF20] =	vst v2;
	v2 =	vld [tilespmem:s23+$0x0]  }
0x31a: {  	s23 =	sor.u32 $0x60, s12;
	v3 =	vadd.f32 v3, v7;
	[tilespmem:s14+$0x20] =	vst v1;
	v1 =	vld [tilespmem:s21+$0x1A0]  }
0x31b: {  	v5 =	vld [tilespmem:s23+$0x0]  }
0x31c: {  	v7 =	vld.idx.msk [tilespmem:v0+s4+$0xFFFFFE70 ss:$0x1], $0xffff;
	[tilespmem:s14+$0xFFFFFEA0] =	vst v3;
	v3 =	vadd.f32 v6, v8  }
0x31d: {  	v6 =	vld.idx.msk [tilespmem:v0+s4+$0xFFFFFEF0 ss:$0x1], $0xffff  }
0x31e: {  	[tilespmem:s14+$0xFFFFFFA0] =	vst v3;
	v8 =	vld.idx.msk [tilespmem:v0+s4+$0xFFFFFF70 ss:$0x1], $0xffff;
	v2 =	vadd.f32 v2, v4  }
0x31f: {  	v3 =	vld [tilespmem:s21+$0xFFFFFE30]  }
0x320: {  	v4 =	vld [tilespmem:s21+$0xFFFFFF30];
	[tilespmem:s14+$0xA0] =	vst v2;
	v1 =	vadd.f32 v5, v1  }
0x321: {  	v2 =	vld [tilespmem:s21+$0x30]  }
0x322: {  	s18 =	sor.u32 $0x70, s18;
	v9 =	vld [tilespmem:s21+$0xFFFFFEB0];
	[tilespmem:s14+$0x1A0] =	vst v1  }
0x323: {  	v10 =	vld [tilespmem:s18+$0x0]  }
0x324: {  	s18 =	sor.u32 $0x70, s20;
	v5 =	vadd.f32 v7, v3;
	v1 =	vld [tilespmem:s21+$0xFFFFFFB0]  }
.Ltmp4:
0x325: {  	v4 =	vadd.f32 v6, v4;
	v3 =	vld [tilespmem:s18+$0x0];
	(pc) =	sbr.rel @p1 .LBB2_11-.Ltmp4, $4  }
0x326: {  	s18 =	sor.u32 $0x70, s22;
	[tilespmem:s14+$0xFFFFFE30] =	vst v5;
	v6 =	vadd.f32 v8, v2;
	v2 =	vld [tilespmem:s21+$0xB0]  }
0x327: {  	[tilespmem:s14+$0xFFFFFF30] =	vst v4;
	v5 =	vld [tilespmem:s18+$0x0]  }
0x328: {  	s12 =	sor.u32 $0x70, s12;
	v7 =	vadd.f32 v10, v9;
	[tilespmem:s14+$0x30] =	vst v6;
	v4 =	vld [tilespmem:s21+$0x1B0]  }
0x329: {  	s4 =	sadd.s32 $0x200, s4;
	v6 =	vld [tilespmem:s12+$0x0]  }
0x32a: {  	[tilespmem:s14+$0xFFFFFEB0] =	vst v7  }
0x32b: {  	s1 =	sld [smem:$0x7ED];
	_ =	sdelay $0x1  }
0x32c: {  	v0 =	vadd.f32 v3, v1  }
0x32d: {  	v1 =	vadd.f32 v5, v2;
	s4 =	sadd.s32 s24, s1  }
0x32e: {  	[tilespmem:s14+$0xFFFFFFB0] =	vst v0;
	v0 =	vadd.f32 v6, v4;
	s4 =	sshll.u32 s4, $0xB  }
0x32f: {  	[tilespmem:s14+$0xB0] =	vst v1;
	s4 =	sand.u32 $0x1FFFE000, s4  }
0x330: {  	s8 =	simm.s32 $0x16800;
	s10 =	simm.s32 $0xA;
	[tilespmem:s14+$0x1B0] =	vst v0;
	s4 =	sadd.s32 s29, s4  }
0x331: {  	[hbm4b:s4+s28] =	stream.linear.scatter [tilespmem:s8], [sflag:$0xD], $0x4000, $0x38;
	[tilespmem:$0x1E800] =	vst v63  }
0x332: {  	_ =	swait.ge [sflag:s10], $0x4000  }
0x333: {  	[sflag:s10] =	ssyncset.done $0x0  }
0x334: {  	s6 =	simm.s32 $0xE;
	[sflag:s10] =	ssyncadd.s32 $0xFFFFC000  }
0x335: {  	_ =	swait.ge [sflag:s6], $0x4000  }
0x336: {  	s1 =	rddreg [dreg:$0x13]  }
0x337: {  	s12 =	sld [smem:$0x7F5];
	s4 =	sadd.s32 @!p0 s5, s1  }
0x338: {  	[sflag:s6] =	ssyncset.done $0x0;
	s4 =	sshll.u32 @!p0 s4, $0x4  }
0x339: {  	s8 =	simm.s32 @!p0 $0x6680;
	[sflag:s6] =	ssyncadd.s32 $0xFFFFC000;
	s4 =	sand.u32 @!p0 $0x1FFFFFD0, s4  }
0x33a: {  	s6 =	simm.s32 @!p0 $0x0;
	s14 =	sshra.s32 s12, $0x2;
	s4 =	sadd.s32 @!p0 s30, s4  }
0x33b: {  	[tilespmem:s8], [sflag:$0x6] =	stream.linear.gather @!p0 [hbm4b:s4+s6], $0x80, $0x38;
	[tilespmem:$0x1E800] =	vst v63  }
0x33c: {  	v0 =	vmov s14;
	s4 =	simm.s32 @!p0 $0x1  }
0x33d: {  	_ =	swait.ge @!p0 [sflag:s4], $0x80  }
0x33e: {  	s6 =	simm.s32 @!p0 $0x6400;
	[sflag:s4] =	ssyncset.done @!p0 $0x0  }
0x33f: {  	s8 =	simm.s32 @!p0 $0x6800;
	[sflag:s4] =	ssyncadd.s32 @!p0 $0xFFFFFF80;
	s4 =	simm.s32 @!p0 $0x80  }
0x340: {  	[tilespmem:s8], [sflag:$0x9] =	stream.indirect.gather @!p0 [hbm4b:s25+s4], $0x80, s6, s4, $0xb8;
	[tilespmem:$0x1E800] =	vst v63  }
0x341: {  	s21 =	simm.s32 $0xAA00;
	v1 =	vld.idx.msk [tilespmem:v0+s0+$0xFFFFFFC0 ss:$0x1], $0xffff  }
0x342: {  	v2 =	vld [tilespmem:s21+$0x100]  }
0x343: {  	v3 =	vld.idx.msk [tilespmem:v0+s0+$0xFFFFFE40 ss:$0x1], $0xffff  }
0x344: {  	v4 =	vld.idx.msk [tilespmem:v0+s0+$0xFFFFFEC0 ss:$0x1], $0xffff  }
0x345: {  	v5 =	vld.idx.msk [tilespmem:v0+s0+$0xFFFFFF40 ss:$0x1], $0xffff  }
0x346: {  	v6 =	vld [tilespmem:s21+$0xFFFFFF00]  }
0x347: {  	v7 =	vld [tilespmem:s21+$0x0]  }
0x348: {  	v8 =	vld.idx.msk [tilespmem:v0+s0+$0xFFFFFE80 ss:$0x1], $0xffff  }
0x349: {  	v10 =	vld.idx.msk [tilespmem:v0+s0+$0xFFFFFF00 ss:$0x1], $0xffff  }
0x34a: {  	v13 =	vld [tilespmem:s21+$0xFFFFFE80];
	v1 =	vadd.f32 v1, v2  }
0x34b: {  	s14 =	simm.s32 $0x1AA00;
	v2 =	vld [tilespmem:s21+$0xFFFFFE00]  }
0x34c: {  	v11 =	vld.idx.msk [tilespmem:v0+s0+$0xFFFFFF80 ss:$0x1], $0xffff;
	[tilespmem:s14+$0x100] =	vst v1  }
0x34d: {  	v1 =	vld.idx.msk [tilespmem:v0+s0+$0xFFFFFFD0 ss:$0x1], $0xffff  }
0x34e: {  	v9 =	vld [tilespmem:s21+$0x110]  }
0x34f: {  	v12 =	vld.idx.msk [tilespmem:v0+s0+$0x0 ss:$0x1], $0xffff;
	v5 =	vadd.f32 v5, v7;
	v7 =	vadd.f32 v8, v13  }
0x350: {  	v14 =	vld [tilespmem:s21+$0xFFFFFF80];
	v2 =	vadd.f32 v3, v2;
	v3 =	vadd.f32 v4, v6  }
0x351: {  	v48 =	vld [tilespmem:s21+$0x80];
	[tilespmem:s14+$0xFFFFFE80] =	vst v7  }
0x352: {  	v7 =	vld [tilespmem:s21+$0xFFFFFE90];
	[tilespmem:s14+$0xFFFFFF00] =	vst v3  }
0x353: {  	[tilespmem:s14+$0x0] =	vst v5;
	v1 =	vadd.f32 v1, v9;
	v5 =	vld.idx.msk [tilespmem:v0+s0+$0xFFFFFED0 ss:$0x1], $0xffff  }
0x354: {  	v49 =	vld [tilespmem:s21+$0xFFFFFF10]  }
0x355: {  	[tilespmem:s14+$0x110] =	vst v1;
	v1 =	vld [tilespmem:s21+$0x180]  }
0x356: {  	v4 =	vld.idx.msk [tilespmem:v0+s0+$0xFFFFFFE0 ss:$0x1], $0xffff  }
0x357: {  	[tilespmem:s14+$0xFFFFFE00] =	vst v2;
	v2 =	vld [tilespmem:s21+$0x120]  }
0x358: {  	v3 =	vld.idx.msk [tilespmem:v0+s0+$0xFFFFFE50 ss:$0x1], $0xffff;
	v9 =	vadd.f32 v11, v48;
	s1 =	sld [smem:$0x7FC]  }
0x359: {  	v8 =	vld [tilespmem:s21+$0xFFFFFE10]  }
0x35a: {  	v6 =	vld.idx.msk [tilespmem:v0+s0+$0xFFFFFF50 ss:$0x1], $0xffff;
	[tilespmem:s14+$0x80] =	vst v9;
	v5 =	vadd.f32 v5, v49  }
0x35b: {  	v54 =	vld [tilespmem:s21+$0x90];
	s4 =	sadd.s32 s1, s31  }
0x35c: {  	v1 =	vadd.f32 v12, v1;
	s6 =	sadd.s32 $0xFFFFFF80, s4;
	[tilespmem:s14+$0xFFFFFF10] =	vst v5;
	v2 =	vadd.f32 v4, v2;
	v4 =	vld [tilespmem:s21+$0x10]  }
0x35d: {  	s12 =	sor.u32 $0x50, s6;
	v55 =	vld [tilespmem:s21+$0xFFFFFF20]  }
0x35e: {  	[tilespmem:s14+$0x180] =	vst v1;
	v1 =	vadd.f32 v3, v8;
	v3 =	vld [tilespmem:s12+$0x0]  }
0x35f: {  	[tilespmem:s14+$0x120] =	vst v2;
	v8 =	vld [tilespmem:s21+$0x190]  }
0x360: {  	s8 =	sadd.s32 $0xFFFFFE80, s4;
	v2 =	vadd.f32 v10, v14;
	v50 =	vld.idx.msk [tilespmem:v0+s0+$0xFFFFFFF0 ss:$0x1], $0xffff  }
0x361: {  	s18 =	sor.u32 $0x50, s8;
	v51 =	vld [tilespmem:s21+$0x130];
	[tilespmem:s14+$0xFFFFFE10] =	vst v1  }
0x362: {  	[tilespmem:s14+$0xFFFFFF80] =	vst v2;
	v2 =	vld [tilespmem:s18+$0x0]  }
0x363: {  	s10 =	sadd.s32 $0xFFFFFF00, s4;
	v5 =	vld.idx.msk [tilespmem:v0+s0+$0xFFFFFE60 ss:$0x1], $0xffff  }
0x364: {  	s20 =	sor.u32 $0x50, s10;
	v52 =	vld [tilespmem:s21+$0xFFFFFF90];
	v1 =	vadd.f32 v6, v4  }
0x365: {  	v53 =	vld [tilespmem:s20+$0x0]  }
0x366: {  	s22 =	sor.u32 $0x50, s4;
	[tilespmem:s14+$0x10] =	vst v1;
	v1 =	vld.idx.msk [tilespmem:v0+s0+$0xFFFFFEE0 ss:$0x1], $0xffff  }
0x367: {  	v4 =	vld [tilespmem:s22+$0x0]  }
0x368: {  	v6 =	vld.idx.msk [tilespmem:v0+s0+$0xFFFFFF60 ss:$0x1], $0xffff;
	v2 =	vadd.f32 v2, v7  }
0x369: {  	v56 =	vld [tilespmem:s21+$0x20]  }
0x36a: {  	v7 =	vld [tilespmem:s21+$0xFFFFFE20];
	[tilespmem:s14+$0xFFFFFE90] =	vst v2;
	v2 =	vadd.f32 v53, v52  }
0x36b: {  	s23 =	sor.u32 $0x60, s8;
	v57 =	vld [tilespmem:s21+$0xFFFFFEA0];
	v1 =	vadd.f32 v1, v55  }
0x36c: {  	[tilespmem:s14+$0xFFFFFF90] =	vst v2;
	v2 =	vadd.f32 v3, v54;
	v3 =	vld [tilespmem:s23+$0x0]  }
0x36d: {  	s18 =	sor.u32 $0x60, s10;
	v58 =	vld [tilespmem:s21+$0xFFFFFFA0];
	[tilespmem:s14+$0xFFFFFF20] =	vst v1  }
0x36e: {  	[tilespmem:s14+$0x90] =	vst v2;
	v2 =	vadd.f32 v4, v8;
	v4 =	vld [tilespmem:s18+$0x0]  }
0x36f: {  	v61 =	vld [tilespmem:s21+$0xFFFFFF30]  }
0x370: {  	s20 =	sor.u32 $0x60, s6;
	v8 =	vld [tilespmem:s21+$0xA0]  }
0x371: {  	[tilespmem:s14+$0x190] =	vst v2;
	v2 =	vadd.f32 v5, v7;
	v5 =	vld [tilespmem:s20+$0x0]  }
0x372: {  	s22 =	sor.u32 $0x60, s4;
	v7 =	vld [tilespmem:s21+$0x1A0]  }
0x373: {  	v1 =	vadd.f32 v3, v57;
	[tilespmem:s14+$0xFFFFFE20] =	vst v2;
	v2 =	vadd.f32 v6, v56;
	v6 =	vld [tilespmem:s22+$0x0]  }
0x374: {  	v59 =	vld.idx.msk [tilespmem:v0+s0+$0xFFFFFE70 ss:$0x1], $0xffff  }
0x375: {  	v3 =	vld [tilespmem:s21+$0xFFFFFE30];
	[tilespmem:s14+$0xFFFFFEA0] =	vst v1  }
0x376: {  	[tilespmem:s14+$0x20] =	vst v2;
	v2 =	vld.idx.msk [tilespmem:v0+s0+$0xFFFFFEF0 ss:$0x1], $0xffff  }
0x377: {  	v62 =	vld [tilespmem:s21+$0xFFFFFEB0]  }
0x378: {  	v1 =	vadd.f32 v4, v58;
	v60 =	vld.idx.msk [tilespmem:v0+s0+$0xFFFFFF70 ss:$0x1], $0xffff  }
0x379: {  	s8 =	sor.u32 $0x70, s8;
	v10 =	vadd.f32 v50, v51;
	v4 =	vld [tilespmem:s21+$0x30]  }
0x37a: {  	[tilespmem:s14+$0xFFFFFFA0] =	vst v1;
	v5 =	vadd.f32 v5, v8;
	v8 =	vld [tilespmem:s8+$0x0]  }
0x37b: {  	[tilespmem:s14+$0x130] =	vst v10;
	s23 =	sor.u32 $0x70, s10;
	v1 =	vld [tilespmem:s21+$0xFFFFFFB0];
	v6 =	vadd.f32 v6, v7  }
0x37c: {  	[tilespmem:s14+$0xA0] =	vst v5;
	v5 =	vadd.f32 v59, v3;
	v3 =	vld [tilespmem:s23+$0x0]  }
0x37d: {  	s6 =	sor.u32 $0x70, s6;
	[tilespmem:s14+$0x1A0] =	vst v6;
	v6 =	vadd.f32 v2, v61;
	v2 =	vld [tilespmem:s21+$0xB0]  }
0x37e: {  	[tilespmem:s14+$0xFFFFFE30] =	vst v5;
	v63 =	vadd.f32 v60, v4;
	v5 =	vld [tilespmem:s6+$0x0]  }
0x37f: {  	s4 =	sor.u32 $0x70, s4;
	s10 =	sor.u32 $0x7, s5;
	v4 =	vld [tilespmem:s21+$0x1B0];
	v7 =	vadd.f32 v8, v62;
	[tilespmem:s14+$0xFFFFFF30] =	vst v6  }
0x380: {  	s8 =	smov.u32 s1;
	s6 =	simm.s32 $0x0;
	v6 =	vld [tilespmem:s4+$0x0];
	s4 =	sadd.s32 $0x200, s0;
	[tilespmem:s14+$0x30] =	vst v63  }
.LBB2_13:
0x381: {  	v8 =	vld.idx.msk [tilespmem:v0+s4+$0xFFFFFFC0 ss:$0x1], $0xffff;
	s6 =	sadd.s32 $0x8, s6;
	[tilespmem:s14+$0xFFFFFEB0] =	vst v7;
	v1 =	vadd.f32 v3, v1;
	s21 =	sadd.s32 $0x400, s21  }
0x382: {  	v3 =	vld [tilespmem:s21+$0x100];
	p1 =	slt.u32 s6, $0x78  }
0x383: {  	v7 =	vld.idx.msk [tilespmem:v0+s4+$0xFFFFFE40 ss:$0x1], $0xffff;
	[tilespmem:s14+$0xFFFFFFB0] =	vst v1;
	v1 =	vadd.f32 v5, v2  }
0x384: {  	v2 =	vld.idx.msk [tilespmem:v0+s4+$0xFFFFFEC0 ss:$0x1], $0xffff  }
0x385: {  	v5 =	vld.idx.msk [tilespmem:v0+s4+$0xFFFFFF40 ss:$0x1], $0xffff;
	[tilespmem:s14+$0xB0] =	vst v1;
	v1 =	vadd.f32 v6, v4  }
0x386: {  	v4 =	vld [tilespmem:s21+$0xFFFFFF00]  }
0x387: {  	v6 =	vld [tilespmem:s21+$0x0];
	v3 =	vadd.f32 v8, v3;
	[tilespmem:s14+$0x1B0] =	vst v1  }
0x388: {  	s14 =	sadd.s32 $0x400, s14;
	v1 =	vld [tilespmem:s21+$0xFFFFFE00]  }
0x389: {  	v8 =	vld.idx.msk [tilespmem:v0+s4+$0xFFFFFE80 ss:$0x1], $0xffff;
	[tilespmem:s14+$0x100] =	vst v3  }
0x38a: {  	v3 =	vld.idx.msk [tilespmem:v0+s4+$0xFFFFFFD0 ss:$0x1], $0xffff  }
0x38b: {  	v2 =	vadd.f32 v2, v4;
	v4 =	vld [tilespmem:s21+$0x110]  }
0x38c: {  	v9 =	vld.idx.msk [tilespmem:v0+s4+$0xFFFFFF00 ss:$0x1], $0xffff;
	v5 =	vadd.f32 v5, v6  }
0x38d: {  	v1 =	vadd.f32 v7, v1;
	[tilespmem:s14+$0xFFFFFF00] =	vst v2;
	v2 =	vld.idx.msk [tilespmem:v0+s4+$0xFFFFFF80 ss:$0x1], $0xffff  }
0x38e: {  	[tilespmem:s14+$0x0] =	vst v5;
	v5 =	vld.idx.msk [tilespmem:v0+s4+$0x0 ss:$0x1], $0xffff  }
0x38f: {  	[tilespmem:s14+$0xFFFFFE00] =	vst v1;
	v1 =	vld [tilespmem:s21+$0xFFFFFE80]  }
0x390: {  	v6 =	vld [tilespmem:s21+$0xFFFFFF80];
	v3 =	vadd.f32 v3, v4  }
0x391: {  	v4 =	vld [tilespmem:s21+$0x80]  }
0x392: {  	[tilespmem:s14+$0x110] =	vst v3;
	v3 =	vld [tilespmem:s21+$0x180]  }
0x393: {  	v7 =	vld.idx.msk [tilespmem:v0+s4+$0xFFFFFFE0 ss:$0x1], $0xffff  }
0x394: {  	v1 =	vadd.f32 v8, v1;
	v8 =	vld [tilespmem:s21+$0x120]  }
0x395: {  	v10 =	vld.idx.msk [tilespmem:v0+s4+$0xFFFFFE50 ss:$0x1], $0xffff;
	v6 =	vadd.f32 v9, v6  }
0x396: {  	[tilespmem:s14+$0xFFFFFE80] =	vst v1;
	v1 =	vld.idx.msk [tilespmem:v0+s4+$0xFFFFFED0 ss:$0x1], $0xffff;
	v2 =	vadd.f32 v2, v4  }
0x397: {  	[tilespmem:s14+$0xFFFFFF80] =	vst v6;
	v4 =	vld.idx.msk [tilespmem:v0+s4+$0xFFFFFF50 ss:$0x1], $0xffff;
	v3 =	vadd.f32 v5, v3  }
0x398: {  	v5 =	vld [tilespmem:s21+$0xFFFFFE10];
	[tilespmem:s14+$0x80] =	vst v2  }
0x399: {  	v2 =	vld [tilespmem:s21+$0xFFFFFF10];
	v6 =	vadd.f32 v7, v8;
	[tilespmem:s14+$0x180] =	vst v3  }
0x39a: {  	s8 =	sadd.s32 $0x200, s8;
	v3 =	vld [tilespmem:s21+$0x10]  }
0x39b: {  	s12 =	sadd.s32 s8, s31;
	v7 =	vld [tilespmem:s21+$0xFFFFFE90];
	[tilespmem:s14+$0x120] =	vst v6  }
0x39c: {  	s18 =	sadd.s32 $0xFFFFFE80, s12;
	v6 =	vld.idx.msk [tilespmem:v0+s4+$0xFFFFFFF0 ss:$0x1], $0xffff  }
0x39d: {  	s20 =	sor.u32 $0x50, s18;
	v5 =	vadd.f32 v10, v5;
	v8 =	vld [tilespmem:s21+$0x130]  }
0x39e: {  	v9 =	vld [tilespmem:s20+$0x0];
	v1 =	vadd.f32 v1, v2;
	s20 =	sadd.s32 $0xFFFFFF00, s12  }
0x39f: {  	[tilespmem:s14+$0xFFFFFE10] =	vst v5;
	v2 =	vld [tilespmem:s21+$0xFFFFFF90];
	s22 =	sor.u32 $0x50, s20;
	v3 =	vadd.f32 v4, v3  }
0x3a0: {  	[tilespmem:s14+$0xFFFFFF10] =	vst v1;
	v1 =	vld [tilespmem:s22+$0x0];
	s22 =	sadd.s32 $0xFFFFFF80, s12  }
0x3a1: {  	[tilespmem:s14+$0x10] =	vst v3;
	v3 =	vld [tilespmem:s21+$0x90];
	s23 =	sor.u32 $0x50, s22  }
0x3a2: {  	v4 =	vld [tilespmem:s23+$0x0];
	v5 =	vadd.f32 v6, v8  }
0x3a3: {  	s23 =	sor.u32 $0x50, s12;
	v6 =	vadd.f32 v9, v7;
	v7 =	vld [tilespmem:s21+$0x190]  }
0x3a4: {  	[tilespmem:s14+$0x130] =	vst v5;
	v5 =	vld [tilespmem:s23+$0x0]  }
0x3a5: {  	v8 =	vld.idx.msk [tilespmem:v0+s4+$0xFFFFFE60 ss:$0x1], $0xffff;
	[tilespmem:s14+$0xFFFFFE90] =	vst v6;
	v1 =	vadd.f32 v1, v2  }
0x3a6: {  	v2 =	vld.idx.msk [tilespmem:v0+s4+$0xFFFFFEE0 ss:$0x1], $0xffff  }
0x3a7: {  	[tilespmem:s14+$0xFFFFFF90] =	vst v1;
	v1 =	vld.idx.msk [tilespmem:v0+s4+$0xFFFFFF60 ss:$0x1], $0xffff;
	v3 =	vadd.f32 v4, v3  }
0x3a8: {  	v4 =	vld [tilespmem:s21+$0xFFFFFE20]  }
0x3a9: {  	v6 =	vld [tilespmem:s21+$0xFFFFFF20];
	[tilespmem:s14+$0x90] =	vst v3;
	v3 =	vadd.f32 v5, v7  }
0x3aa: {  	v5 =	vld [tilespmem:s21+$0x20]  }
0x3ab: {  	s23 =	sor.u32 $0x60, s18;
	v7 =	vld [tilespmem:s21+$0xFFFFFEA0];
	[tilespmem:s14+$0x190] =	vst v3  }
0x3ac: {  	v3 =	vld [tilespmem:s23+$0x0]  }
0x3ad: {  	s23 =	sor.u32 $0x60, s20;
	v4 =	vadd.f32 v8, v4;
	v8 =	vld [tilespmem:s21+$0xFFFFFFA0]  }
0x3ae: {  	v2 =	vadd.f32 v2, v6;
	v6 =	vld [tilespmem:s23+$0x0]  }
0x3af: {  	s23 =	sor.u32 $0x60, s22;
	[tilespmem:s14+$0xFFFFFE20] =	vst v4;
	v1 =	vadd.f32 v1, v5;
	v4 =	vld [tilespmem:s21+$0xA0]  }
0x3b0: {  	[tilespmem:s14+$0xFFFFFF20] =	vst v2;
	v2 =	vld [tilespmem:s23+$0x0]  }
0x3b1: {  	s23 =	sor.u32 $0x60, s12;
	v3 =	vadd.f32 v3, v7;
	[tilespmem:s14+$0x20] =	vst v1;
	v1 =	vld [tilespmem:s21+$0x1A0]  }
0x3b2: {  	v5 =	vld [tilespmem:s23+$0x0]  }
0x3b3: {  	v7 =	vld.idx.msk [tilespmem:v0+s4+$0xFFFFFE70 ss:$0x1], $0xffff;
	[tilespmem:s14+$0xFFFFFEA0] =	vst v3;
	v3 =	vadd.f32 v6, v8  }
0x3b4: {  	v6 =	vld.idx.msk [tilespmem:v0+s4+$0xFFFFFEF0 ss:$0x1], $0xffff  }
0x3b5: {  	[tilespmem:s14+$0xFFFFFFA0] =	vst v3;
	v8 =	vld.idx.msk [tilespmem:v0+s4+$0xFFFFFF70 ss:$0x1], $0xffff;
	v2 =	vadd.f32 v2, v4  }
0x3b6: {  	v3 =	vld [tilespmem:s21+$0xFFFFFE30]  }
0x3b7: {  	v4 =	vld [tilespmem:s21+$0xFFFFFF30];
	[tilespmem:s14+$0xA0] =	vst v2;
	v1 =	vadd.f32 v5, v1  }
0x3b8: {  	v2 =	vld [tilespmem:s21+$0x30]  }
0x3b9: {  	s18 =	sor.u32 $0x70, s18;
	v9 =	vld [tilespmem:s21+$0xFFFFFEB0];
	[tilespmem:s14+$0x1A0] =	vst v1  }
0x3ba: {  	v10 =	vld [tilespmem:s18+$0x0]  }
0x3bb: {  	s18 =	sor.u32 $0x70, s20;
	v5 =	vadd.f32 v7, v3;
	v1 =	vld [tilespmem:s21+$0xFFFFFFB0]  }
.Ltmp5:
0x3bc: {  	v4 =	vadd.f32 v6, v4;
	v3 =	vld [tilespmem:s18+$0x0];
	(pc) =	sbr.rel @p1 .LBB2_13-.Ltmp5, $4  }
0x3bd: {  	s18 =	sor.u32 $0x70, s22;
	[tilespmem:s14+$0xFFFFFE30] =	vst v5;
	v6 =	vadd.f32 v8, v2;
	v2 =	vld [tilespmem:s21+$0xB0]  }
0x3be: {  	[tilespmem:s14+$0xFFFFFF30] =	vst v4;
	v5 =	vld [tilespmem:s18+$0x0]  }
0x3bf: {  	s12 =	sor.u32 $0x70, s12;
	v7 =	vadd.f32 v10, v9;
	[tilespmem:s14+$0x30] =	vst v6;
	v4 =	vld [tilespmem:s21+$0x1B0]  }
0x3c0: {  	s4 =	sadd.s32 $0x200, s4;
	v6 =	vld [tilespmem:s12+$0x0]  }
0x3c1: {  	_ =	sdelay $0x1  }
0x3c2: {  	v0 =	vadd.f32 v3, v1  }
0x3c3: {  	[tilespmem:s14+$0xFFFFFEB0] =	vst v7;
	s4 =	sadd.s32 s24, s19;
	v1 =	vadd.f32 v5, v2  }
0x3c4: {  	s4 =	sshll.u32 s4, $0xB;
	[tilespmem:s14+$0xFFFFFFB0] =	vst v0;
	v0 =	vadd.f32 v6, v4  }
0x3c5: {  	s4 =	sand.u32 $0x1FFFE800, s4;
	[tilespmem:s14+$0xB0] =	vst v1  }
0x3c6: {  	s1 =	simm.s32 $0x1A800;
	s18 =	simm.s32 $0xB;
	s4 =	sadd.s32 s29, s4;
	[tilespmem:s14+$0x1B0] =	vst v0  }
0x3c7: {  	[hbm4b:s4+s28] =	stream.linear.scatter [tilespmem:s1], [sflag:$0xE], $0x4000, $0x38;
	[tilespmem:$0x1E800] =	vst v63  }
0x3c8: {  	_ =	swait.ge [sflag:s18], $0x4000  }
0x3c9: {  	[sflag:s18] =	ssyncset.done $0x0  }
0x3ca: {  	s6 =	simm.s32 $0xD;
	[sflag:s18] =	ssyncadd.s32 $0xFFFFC000  }
0x3cb: {  	_ =	swait.ge [sflag:s6], $0x4000  }
0x3cc: {  	s1 =	rddreg [dreg:$0x14]  }
0x3cd: {  	s19 =	sld [smem:$0x7F4];
	s4 =	sadd.s32 @!p0 s5, s1  }
0x3ce: {  	[sflag:s6] =	ssyncset.done $0x0;
	s4 =	sshll.u32 @!p0 s4, $0x4  }
0x3cf: {  	s8 =	simm.s32 @!p0 $0x6700;
	[sflag:s6] =	ssyncadd.s32 $0xFFFFC000;
	s4 =	sand.u32 @!p0 $0x1FFFFFE0, s4  }
0x3d0: {  	s6 =	simm.s32 @!p0 $0x0;
	s20 =	sshra.s32 s19, $0x2;
	s4 =	sadd.s32 @!p0 s30, s4  }
0x3d1: {  	[tilespmem:s8], [sflag:$0x7] =	stream.linear.gather @!p0 [hbm4b:s4+s6], $0x80, $0x38;
	[tilespmem:$0x1E800] =	vst v63  }
0x3d2: {  	v0 =	vmov s20;
	s4 =	simm.s32 @!p0 $0x2  }
0x3d3: {  	_ =	swait.ge @!p0 [sflag:s4], $0x80  }
0x3d4: {  	s6 =	simm.s32 @!p0 $0x6480;
	[sflag:s4] =	ssyncset.done @!p0 $0x0  }
0x3d5: {  	s8 =	simm.s32 @!p0 $0xA800;
	[sflag:s4] =	ssyncadd.s32 @!p0 $0xFFFFFF80;
	s4 =	simm.s32 @!p0 $0x80  }
0x3d6: {  	[tilespmem:s8], [sflag:$0xA] =	stream.indirect.gather @!p0 [hbm4b:s25+s4], $0x80, s6, s4, $0xb8;
	[tilespmem:$0x1E800] =	vst v63  }
0x3d7: {  	s19 =	simm.s32 $0xEA00;
	v1 =	vld.idx.msk [tilespmem:v0+s3+$0xFFFFFFC0 ss:$0x1], $0xffff  }
0x3d8: {  	v2 =	vld [tilespmem:s19+$0x100]  }
0x3d9: {  	v3 =	vld.idx.msk [tilespmem:v0+s3+$0xFFFFFE40 ss:$0x1], $0xffff  }
0x3da: {  	v4 =	vld.idx.msk [tilespmem:v0+s3+$0xFFFFFEC0 ss:$0x1], $0xffff  }
0x3db: {  	v5 =	vld.idx.msk [tilespmem:v0+s3+$0xFFFFFF40 ss:$0x1], $0xffff  }
0x3dc: {  	v6 =	vld [tilespmem:s19+$0xFFFFFF00]  }
0x3dd: {  	v7 =	vld [tilespmem:s19+$0x0]  }
0x3de: {  	v8 =	vld.idx.msk [tilespmem:v0+s3+$0xFFFFFE80 ss:$0x1], $0xffff  }
0x3df: {  	v10 =	vld.idx.msk [tilespmem:v0+s3+$0xFFFFFF00 ss:$0x1], $0xffff  }
0x3e0: {  	v13 =	vld [tilespmem:s19+$0xFFFFFE80];
	v1 =	vadd.f32 v1, v2  }
0x3e1: {  	s14 =	simm.s32 $0x16A00;
	v2 =	vld [tilespmem:s19+$0xFFFFFE00]  }
0x3e2: {  	v11 =	vld.idx.msk [tilespmem:v0+s3+$0xFFFFFF80 ss:$0x1], $0xffff;
	[tilespmem:s14+$0x100] =	vst v1  }
0x3e3: {  	v1 =	vld.idx.msk [tilespmem:v0+s3+$0xFFFFFFD0 ss:$0x1], $0xffff  }
0x3e4: {  	v9 =	vld [tilespmem:s19+$0x110]  }
0x3e5: {  	v12 =	vld.idx.msk [tilespmem:v0+s3+$0x0 ss:$0x1], $0xffff;
	v5 =	vadd.f32 v5, v7;
	v7 =	vadd.f32 v8, v13  }
0x3e6: {  	v14 =	vld [tilespmem:s19+$0xFFFFFF80];
	v2 =	vadd.f32 v3, v2;
	v3 =	vadd.f32 v4, v6  }
0x3e7: {  	v48 =	vld [tilespmem:s19+$0x80];
	[tilespmem:s14+$0xFFFFFE80] =	vst v7  }
0x3e8: {  	v7 =	vld [tilespmem:s19+$0xFFFFFE90];
	[tilespmem:s14+$0xFFFFFF00] =	vst v3  }
0x3e9: {  	[tilespmem:s14+$0x0] =	vst v5;
	v1 =	vadd.f32 v1, v9;
	v5 =	vld.idx.msk [tilespmem:v0+s3+$0xFFFFFED0 ss:$0x1], $0xffff  }
0x3ea: {  	v49 =	vld [tilespmem:s19+$0xFFFFFF10]  }
0x3eb: {  	[tilespmem:s14+$0x110] =	vst v1;
	v1 =	vld [tilespmem:s19+$0x180]  }
0x3ec: {  	v4 =	vld.idx.msk [tilespmem:v0+s3+$0xFFFFFFE0 ss:$0x1], $0xffff  }
0x3ed: {  	[tilespmem:s14+$0xFFFFFE00] =	vst v2;
	v2 =	vld [tilespmem:s19+$0x120]  }
0x3ee: {  	v3 =	vld.idx.msk [tilespmem:v0+s3+$0xFFFFFE50 ss:$0x1], $0xffff;
	v9 =	vadd.f32 v11, v48;
	s31 =	sld [smem:$0x7FA]  }
0x3ef: {  	v8 =	vld [tilespmem:s19+$0xFFFFFE10]  }
0x3f0: {  	v6 =	vld.idx.msk [tilespmem:v0+s3+$0xFFFFFF50 ss:$0x1], $0xffff;
	[tilespmem:s14+$0x80] =	vst v9;
	v5 =	vadd.f32 v5, v49  }
0x3f1: {  	v54 =	vld [tilespmem:s19+$0x90];
	s4 =	sadd.s32 s31, s26  }
0x3f2: {  	v1 =	vadd.f32 v12, v1;
	s6 =	sadd.s32 $0xFFFFFF80, s4;
	[tilespmem:s14+$0xFFFFFF10] =	vst v5;
	v2 =	vadd.f32 v4, v2;
	v4 =	vld [tilespmem:s19+$0x10]  }
0x3f3: {  	s18 =	sor.u32 $0x50, s6;
	v55 =	vld [tilespmem:s19+$0xFFFFFF20]  }
0x3f4: {  	[tilespmem:s14+$0x180] =	vst v1;
	v1 =	vadd.f32 v3, v8;
	v3 =	vld [tilespmem:s18+$0x0]  }
0x3f5: {  	[tilespmem:s14+$0x120] =	vst v2;
	v8 =	vld [tilespmem:s19+$0x190]  }
0x3f6: {  	s8 =	sadd.s32 $0xFFFFFE80, s4;
	v2 =	vadd.f32 v10, v14;
	v50 =	vld.idx.msk [tilespmem:v0+s3+$0xFFFFFFF0 ss:$0x1], $0xffff  }
0x3f7: {  	s21 =	sor.u32 $0x50, s8;
	v51 =	vld [tilespmem:s19+$0x130];
	[tilespmem:s14+$0xFFFFFE10] =	vst v1  }
0x3f8: {  	[tilespmem:s14+$0xFFFFFF80] =	vst v2;
	v2 =	vld [tilespmem:s21+$0x0]  }
0x3f9: {  	s12 =	sadd.s32 $0xFFFFFF00, s4;
	v5 =	vld.idx.msk [tilespmem:v0+s3+$0xFFFFFE60 ss:$0x1], $0xffff  }
0x3fa: {  	s22 =	sor.u32 $0x50, s12;
	v52 =	vld [tilespmem:s19+$0xFFFFFF90];
	v1 =	vadd.f32 v6, v4  }
0x3fb: {  	v53 =	vld [tilespmem:s22+$0x0]  }
0x3fc: {  	s23 =	sor.u32 $0x50, s4;
	[tilespmem:s14+$0x10] =	vst v1;
	v1 =	vld.idx.msk [tilespmem:v0+s3+$0xFFFFFEE0 ss:$0x1], $0xffff  }
0x3fd: {  	v4 =	vld [tilespmem:s23+$0x0]  }
0x3fe: {  	v6 =	vld.idx.msk [tilespmem:v0+s3+$0xFFFFFF60 ss:$0x1], $0xffff;
	v2 =	vadd.f32 v2, v7  }
0x3ff: {  	v56 =	vld [tilespmem:s19+$0x20]  }
0x400: {  	v7 =	vld [tilespmem:s19+$0xFFFFFE20];
	[tilespmem:s14+$0xFFFFFE90] =	vst v2;
	v2 =	vadd.f32 v53, v52  }
0x401: {  	s1 =	sor.u32 $0x60, s8;
	v57 =	vld [tilespmem:s19+$0xFFFFFEA0];
	v1 =	vadd.f32 v1, v55  }
0x402: {  	[tilespmem:s14+$0xFFFFFF90] =	vst v2;
	v2 =	vadd.f32 v3, v54;
	v3 =	vld [tilespmem:s1+$0x0]  }
0x403: {  	s20 =	sor.u32 $0x60, s12;
	v58 =	vld [tilespmem:s19+$0xFFFFFFA0];
	[tilespmem:s14+$0xFFFFFF20] =	vst v1  }
0x404: {  	[tilespmem:s14+$0x90] =	vst v2;
	v2 =	vadd.f32 v4, v8;
	v4 =	vld [tilespmem:s20+$0x0]  }
0x405: {  	v61 =	vld [tilespmem:s19+$0xFFFFFF30]  }
0x406: {  	s21 =	sor.u32 $0x60, s6;
	v8 =	vld [tilespmem:s19+$0xA0]  }
0x407: {  	[tilespmem:s14+$0x190] =	vst v2;
	v2 =	vadd.f32 v5, v7;
	v5 =	vld [tilespmem:s21+$0x0]  }
0x408: {  	s22 =	sor.u32 $0x60, s4;
	v7 =	vld [tilespmem:s19+$0x1A0]  }
0x409: {  	v1 =	vadd.f32 v3, v57;
	[tilespmem:s14+$0xFFFFFE20] =	vst v2;
	v2 =	vadd.f32 v6, v56;
	v6 =	vld [tilespmem:s22+$0x0]  }
0x40a: {  	v59 =	vld.idx.msk [tilespmem:v0+s3+$0xFFFFFE70 ss:$0x1], $0xffff  }
0x40b: {  	v3 =	vld [tilespmem:s19+$0xFFFFFE30];
	[tilespmem:s14+$0xFFFFFEA0] =	vst v1  }
0x40c: {  	[tilespmem:s14+$0x20] =	vst v2;
	v2 =	vld.idx.msk [tilespmem:v0+s3+$0xFFFFFEF0 ss:$0x1], $0xffff  }
0x40d: {  	v62 =	vld [tilespmem:s19+$0xFFFFFEB0]  }
0x40e: {  	v1 =	vadd.f32 v4, v58;
	v60 =	vld.idx.msk [tilespmem:v0+s3+$0xFFFFFF70 ss:$0x1], $0xffff  }
0x40f: {  	s8 =	sor.u32 $0x70, s8;
	v10 =	vadd.f32 v50, v51;
	v4 =	vld [tilespmem:s19+$0x30]  }
0x410: {  	[tilespmem:s14+$0xFFFFFFA0] =	vst v1;
	v5 =	vadd.f32 v5, v8;
	v8 =	vld [tilespmem:s8+$0x0]  }
0x411: {  	s23 =	sor.u32 $0x70, s12;
	[tilespmem:s14+$0x130] =	vst v10;
	v1 =	vld [tilespmem:s19+$0xFFFFFFB0];
	v6 =	vadd.f32 v6, v7  }
0x412: {  	[tilespmem:s14+$0xA0] =	vst v5;
	v5 =	vadd.f32 v59, v3;
	v3 =	vld [tilespmem:s23+$0x0]  }
0x413: {  	s6 =	sor.u32 $0x70, s6;
	[tilespmem:s14+$0x1A0] =	vst v6;
	v6 =	vadd.f32 v2, v61;
	v2 =	vld [tilespmem:s19+$0xB0]  }
0x414: {  	[tilespmem:s14+$0xFFFFFE30] =	vst v5;
	v63 =	vadd.f32 v60, v4;
	v5 =	vld [tilespmem:s6+$0x0]  }
0x415: {  	s4 =	sor.u32 $0x70, s4;
	v4 =	vld [tilespmem:s19+$0x1B0];
	v7 =	vadd.f32 v8, v62;
	[tilespmem:s14+$0xFFFFFF30] =	vst v6  }
0x416: {  	s8 =	smov.u32 s31;
	s6 =	simm.s32 $0x0;
	v6 =	vld [tilespmem:s4+$0x0];
	s4 =	sadd.s32 $0x200, s3;
	[tilespmem:s14+$0x30] =	vst v63  }
.LBB2_15:
0x417: {  	v8 =	vld.idx.msk [tilespmem:v0+s4+$0xFFFFFFC0 ss:$0x1], $0xffff;
	s6 =	sadd.s32 $0x8, s6;
	[tilespmem:s14+$0xFFFFFEB0] =	vst v7;
	v1 =	vadd.f32 v3, v1;
	s19 =	sadd.s32 $0x400, s19  }
0x418: {  	v3 =	vld [tilespmem:s19+$0x100];
	p1 =	slt.u32 s6, $0x78  }
0x419: {  	v7 =	vld.idx.msk [tilespmem:v0+s4+$0xFFFFFE40 ss:$0x1], $0xffff;
	[tilespmem:s14+$0xFFFFFFB0] =	vst v1;
	v1 =	vadd.f32 v5, v2  }
0x41a: {  	v2 =	vld.idx.msk [tilespmem:v0+s4+$0xFFFFFEC0 ss:$0x1], $0xffff  }
0x41b: {  	v5 =	vld.idx.msk [tilespmem:v0+s4+$0xFFFFFF40 ss:$0x1], $0xffff;
	[tilespmem:s14+$0xB0] =	vst v1;
	v1 =	vadd.f32 v6, v4  }
0x41c: {  	v4 =	vld [tilespmem:s19+$0xFFFFFF00]  }
0x41d: {  	v6 =	vld [tilespmem:s19+$0x0];
	v3 =	vadd.f32 v8, v3;
	[tilespmem:s14+$0x1B0] =	vst v1  }
0x41e: {  	s14 =	sadd.s32 $0x400, s14;
	v1 =	vld [tilespmem:s19+$0xFFFFFE00]  }
0x41f: {  	v8 =	vld.idx.msk [tilespmem:v0+s4+$0xFFFFFE80 ss:$0x1], $0xffff;
	[tilespmem:s14+$0x100] =	vst v3  }
0x420: {  	v3 =	vld.idx.msk [tilespmem:v0+s4+$0xFFFFFFD0 ss:$0x1], $0xffff  }
0x421: {  	v2 =	vadd.f32 v2, v4;
	v4 =	vld [tilespmem:s19+$0x110]  }
0x422: {  	v9 =	vld.idx.msk [tilespmem:v0+s4+$0xFFFFFF00 ss:$0x1], $0xffff;
	v5 =	vadd.f32 v5, v6  }
0x423: {  	v1 =	vadd.f32 v7, v1;
	[tilespmem:s14+$0xFFFFFF00] =	vst v2;
	v2 =	vld.idx.msk [tilespmem:v0+s4+$0xFFFFFF80 ss:$0x1], $0xffff  }
0x424: {  	[tilespmem:s14+$0x0] =	vst v5;
	v5 =	vld.idx.msk [tilespmem:v0+s4+$0x0 ss:$0x1], $0xffff  }
0x425: {  	[tilespmem:s14+$0xFFFFFE00] =	vst v1;
	v1 =	vld [tilespmem:s19+$0xFFFFFE80]  }
0x426: {  	v6 =	vld [tilespmem:s19+$0xFFFFFF80];
	v3 =	vadd.f32 v3, v4  }
0x427: {  	v4 =	vld [tilespmem:s19+$0x80]  }
0x428: {  	[tilespmem:s14+$0x110] =	vst v3;
	v3 =	vld [tilespmem:s19+$0x180]  }
0x429: {  	v7 =	vld.idx.msk [tilespmem:v0+s4+$0xFFFFFFE0 ss:$0x1], $0xffff  }
0x42a: {  	v1 =	vadd.f32 v8, v1;
	v8 =	vld [tilespmem:s19+$0x120]  }
0x42b: {  	v10 =	vld.idx.msk [tilespmem:v0+s4+$0xFFFFFE50 ss:$0x1], $0xffff;
	v6 =	vadd.f32 v9, v6  }
0x42c: {  	[tilespmem:s14+$0xFFFFFE80] =	vst v1;
	v1 =	vld.idx.msk [tilespmem:v0+s4+$0xFFFFFED0 ss:$0x1], $0xffff;
	v2 =	vadd.f32 v2, v4  }
0x42d: {  	[tilespmem:s14+$0xFFFFFF80] =	vst v6;
	v4 =	vld.idx.msk [tilespmem:v0+s4+$0xFFFFFF50 ss:$0x1], $0xffff;
	v3 =	vadd.f32 v5, v3  }
0x42e: {  	v5 =	vld [tilespmem:s19+$0xFFFFFE10];
	[tilespmem:s14+$0x80] =	vst v2  }
0x42f: {  	v2 =	vld [tilespmem:s19+$0xFFFFFF10];
	v6 =	vadd.f32 v7, v8;
	[tilespmem:s14+$0x180] =	vst v3  }
0x430: {  	s8 =	sadd.s32 $0x200, s8;
	v3 =	vld [tilespmem:s19+$0x10]  }
0x431: {  	s12 =	sadd.s32 s8, s26;
	v7 =	vld [tilespmem:s19+$0xFFFFFE90];
	[tilespmem:s14+$0x120] =	vst v6  }
0x432: {  	s18 =	sadd.s32 $0xFFFFFE80, s12;
	v6 =	vld.idx.msk [tilespmem:v0+s4+$0xFFFFFFF0 ss:$0x1], $0xffff  }
0x433: {  	s20 =	sor.u32 $0x50, s18;
	v5 =	vadd.f32 v10, v5;
	v8 =	vld [tilespmem:s19+$0x130]  }
0x434: {  	v9 =	vld [tilespmem:s20+$0x0];
	v1 =	vadd.f32 v1, v2;
	s20 =	sadd.s32 $0xFFFFFF00, s12  }
0x435: {  	[tilespmem:s14+$0xFFFFFE10] =	vst v5;
	v2 =	vld [tilespmem:s19+$0xFFFFFF90];
	s21 =	sor.u32 $0x50, s20;
	v3 =	vadd.f32 v4, v3  }
0x436: {  	[tilespmem:s14+$0xFFFFFF10] =	vst v1;
	v1 =	vld [tilespmem:s21+$0x0];
	s21 =	sadd.s32 $0xFFFFFF80, s12  }
0x437: {  	[tilespmem:s14+$0x10] =	vst v3;
	v3 =	vld [tilespmem:s19+$0x90];
	s22 =	sor.u32 $0x50, s21  }
0x438: {  	v4 =	vld [tilespmem:s22+$0x0];
	v5 =	vadd.f32 v6, v8  }
0x439: {  	s22 =	sor.u32 $0x50, s12;
	v6 =	vadd.f32 v9, v7;
	v7 =	vld [tilespmem:s19+$0x190]  }
0x43a: {  	[tilespmem:s14+$0x130] =	vst v5;
	v5 =	vld [tilespmem:s22+$0x0]  }
0x43b: {  	v8 =	vld.idx.msk [tilespmem:v0+s4+$0xFFFFFE60 ss:$0x1], $0xffff;
	[tilespmem:s14+$0xFFFFFE90] =	vst v6;
	v1 =	vadd.f32 v1, v2  }
0x43c: {  	v2 =	vld.idx.msk [tilespmem:v0+s4+$0xFFFFFEE0 ss:$0x1], $0xffff  }
0x43d: {  	[tilespmem:s14+$0xFFFFFF90] =	vst v1;
	v1 =	vld.idx.msk [tilespmem:v0+s4+$0xFFFFFF60 ss:$0x1], $0xffff;
	v3 =	vadd.f32 v4, v3  }
0x43e: {  	v4 =	vld [tilespmem:s19+$0xFFFFFE20]  }
0x43f: {  	v6 =	vld [tilespmem:s19+$0xFFFFFF20];
	[tilespmem:s14+$0x90] =	vst v3;
	v3 =	vadd.f32 v5, v7  }
0x440: {  	v5 =	vld [tilespmem:s19+$0x20]  }
0x441: {  	s22 =	sor.u32 $0x60, s18;
	v7 =	vld [tilespmem:s19+$0xFFFFFEA0];
	[tilespmem:s14+$0x190] =	vst v3  }
0x442: {  	v3 =	vld [tilespmem:s22+$0x0]  }
0x443: {  	s22 =	sor.u32 $0x60, s20;
	v4 =	vadd.f32 v8, v4;
	v8 =	vld [tilespmem:s19+$0xFFFFFFA0]  }
0x444: {  	v2 =	vadd.f32 v2, v6;
	v6 =	vld [tilespmem:s22+$0x0]  }
0x445: {  	s22 =	sor.u32 $0x60, s21;
	[tilespmem:s14+$0xFFFFFE20] =	vst v4;
	v1 =	vadd.f32 v1, v5;
	v4 =	vld [tilespmem:s19+$0xA0]  }
0x446: {  	[tilespmem:s14+$0xFFFFFF20] =	vst v2;
	v2 =	vld [tilespmem:s22+$0x0]  }
0x447: {  	s22 =	sor.u32 $0x60, s12;
	v3 =	vadd.f32 v3, v7;
	[tilespmem:s14+$0x20] =	vst v1;
	v1 =	vld [tilespmem:s19+$0x1A0]  }
0x448: {  	v5 =	vld [tilespmem:s22+$0x0]  }
0x449: {  	v7 =	vld.idx.msk [tilespmem:v0+s4+$0xFFFFFE70 ss:$0x1], $0xffff;
	[tilespmem:s14+$0xFFFFFEA0] =	vst v3;
	v3 =	vadd.f32 v6, v8  }
0x44a: {  	v6 =	vld.idx.msk [tilespmem:v0+s4+$0xFFFFFEF0 ss:$0x1], $0xffff  }
0x44b: {  	[tilespmem:s14+$0xFFFFFFA0] =	vst v3;
	v8 =	vld.idx.msk [tilespmem:v0+s4+$0xFFFFFF70 ss:$0x1], $0xffff;
	v2 =	vadd.f32 v2, v4  }
0x44c: {  	v3 =	vld [tilespmem:s19+$0xFFFFFE30]  }
0x44d: {  	v4 =	vld [tilespmem:s19+$0xFFFFFF30];
	[tilespmem:s14+$0xA0] =	vst v2;
	v1 =	vadd.f32 v5, v1  }
0x44e: {  	v2 =	vld [tilespmem:s19+$0x30]  }
0x44f: {  	s18 =	sor.u32 $0x70, s18;
	v9 =	vld [tilespmem:s19+$0xFFFFFEB0];
	[tilespmem:s14+$0x1A0] =	vst v1  }
0x450: {  	v10 =	vld [tilespmem:s18+$0x0]  }
0x451: {  	s18 =	sor.u32 $0x70, s20;
	v5 =	vadd.f32 v7, v3;
	v1 =	vld [tilespmem:s19+$0xFFFFFFB0]  }
.Ltmp6:
0x452: {  	v4 =	vadd.f32 v6, v4;
	v3 =	vld [tilespmem:s18+$0x0];
	(pc) =	sbr.rel @p1 .LBB2_15-.Ltmp6, $4  }
0x453: {  	s18 =	sor.u32 $0x70, s21;
	[tilespmem:s14+$0xFFFFFE30] =	vst v5;
	v6 =	vadd.f32 v8, v2;
	v2 =	vld [tilespmem:s19+$0xB0]  }
0x454: {  	[tilespmem:s14+$0xFFFFFF30] =	vst v4;
	v5 =	vld [tilespmem:s18+$0x0]  }
0x455: {  	s12 =	sor.u32 $0x70, s12;
	v7 =	vadd.f32 v10, v9;
	[tilespmem:s14+$0x30] =	vst v6;
	v4 =	vld [tilespmem:s19+$0x1B0]  }
0x456: {  	s4 =	sadd.s32 $0x200, s4;
	v6 =	vld [tilespmem:s12+$0x0]  }
0x457: {  	_ =	sdelay $0x1  }
0x458: {  	v0 =	vadd.f32 v3, v1  }
0x459: {  	[tilespmem:s14+$0xFFFFFEB0] =	vst v7;
	s4 =	sadd.s32 s24, s17;
	v1 =	vadd.f32 v5, v2  }
0x45a: {  	s4 =	sshll.u32 s4, $0xB;
	[tilespmem:s14+$0xFFFFFFB0] =	vst v0;
	v0 =	vadd.f32 v6, v4  }
0x45b: {  	s4 =	sand.u32 $0x1FFFF000, s4;
	[tilespmem:s14+$0xB0] =	vst v1  }
0x45c: {  	s1 =	simm.s32 $0x16800;
	s20 =	simm.s32 $0xC;
	s4 =	sadd.s32 s29, s4;
	[tilespmem:s14+$0x1B0] =	vst v0  }
0x45d: {  	[hbm4b:s4+s28] =	stream.linear.scatter [tilespmem:s1], [sflag:$0xD], $0x4000, $0x38;
	[tilespmem:$0x1E800] =	vst v63  }
0x45e: {  	_ =	swait.ge [sflag:s20], $0x4000  }
0x45f: {  	[sflag:s20] =	ssyncset.done $0x0  }
0x460: {  	s6 =	simm.s32 $0xE;
	[sflag:s20] =	ssyncadd.s32 $0xFFFFC000  }
0x461: {  	_ =	swait.ge [sflag:s6], $0x4000  }
0x462: {  	s1 =	rddreg [dreg:$0x15]  }
0x463: {  	s21 =	sld [smem:$0x7F1];
	s4 =	sadd.s32 @!p0 s5, s1  }
0x464: {  	[sflag:s6] =	ssyncset.done $0x0;
	s4 =	sshll.u32 @!p0 s4, $0x4  }
0x465: {  	[sflag:s6] =	ssyncadd.s32 $0xFFFFC000;
	s5 =	simm.s32 @!p0 $0x0;
	s4 =	sand.u32 @!p0 $0x1FFFFFF0, s4  }
0x466: {  	s6 =	simm.s32 @!p0 $0x6780;
	s22 =	sshra.s32 s21, $0x2;
	s4 =	sadd.s32 @!p0 s30, s4  }
0x467: {  	[tilespmem:s6], [sflag:$0x8] =	stream.linear.gather @!p0 [hbm4b:s4+s5], $0x80, $0x38;
	[tilespmem:$0x1E800] =	vst v63  }
0x468: {  	v0 =	vmov s22;
	s4 =	simm.s32 @!p0 $0x3  }
0x469: {  	_ =	swait.ge @!p0 [sflag:s4], $0x80  }
0x46a: {  	s5 =	simm.s32 @!p0 $0x6500;
	[sflag:s4] =	ssyncset.done @!p0 $0x0  }
0x46b: {  	s6 =	simm.s32 @!p0 $0xE800;
	[sflag:s4] =	ssyncadd.s32 @!p0 $0xFFFFFF80;
	s4 =	simm.s32 @!p0 $0x80  }
0x46c: {  	[tilespmem:s6], [sflag:$0xB] =	stream.indirect.gather @!p0 [hbm4b:s25+s4], $0x80, s5, s4, $0xb8;
	[tilespmem:$0x1E800] =	vst v63  }
0x46d: {  	s14 =	simm.s32 $0x12A00;
	v1 =	vld.idx.msk [tilespmem:v0+s16+$0xFFFFFFC0 ss:$0x1], $0xffff  }
0x46e: {  	v2 =	vld [tilespmem:s14+$0x100]  }
0x46f: {  	v3 =	vld.idx.msk [tilespmem:v0+s16+$0xFFFFFE40 ss:$0x1], $0xffff  }
0x470: {  	v4 =	vld.idx.msk [tilespmem:v0+s16+$0xFFFFFEC0 ss:$0x1], $0xffff  }
0x471: {  	v5 =	vld.idx.msk [tilespmem:v0+s16+$0xFFFFFF40 ss:$0x1], $0xffff  }
0x472: {  	v6 =	vld [tilespmem:s14+$0xFFFFFF00]  }
0x473: {  	v7 =	vld [tilespmem:s14+$0x0]  }
0x474: {  	v8 =	vld.idx.msk [tilespmem:v0+s16+$0xFFFFFE80 ss:$0x1], $0xffff  }
0x475: {  	v10 =	vld.idx.msk [tilespmem:v0+s16+$0xFFFFFF00 ss:$0x1], $0xffff  }
0x476: {  	v13 =	vld [tilespmem:s14+$0xFFFFFE80];
	v1 =	vadd.f32 v1, v2  }
0x477: {  	s5 =	simm.s32 $0x1AA00;
	v2 =	vld [tilespmem:s14+$0xFFFFFE00]  }
0x478: {  	v11 =	vld.idx.msk [tilespmem:v0+s16+$0xFFFFFF80 ss:$0x1], $0xffff;
	[tilespmem:s5+$0x100] =	vst v1  }
0x479: {  	v1 =	vld.idx.msk [tilespmem:v0+s16+$0xFFFFFFD0 ss:$0x1], $0xffff  }
0x47a: {  	v9 =	vld [tilespmem:s14+$0x110]  }
0x47b: {  	v12 =	vld.idx.msk [tilespmem:v0+s16+$0x0 ss:$0x1], $0xffff;
	v5 =	vadd.f32 v5, v7;
	v7 =	vadd.f32 v8, v13  }
0x47c: {  	v14 =	vld [tilespmem:s14+$0xFFFFFF80];
	v2 =	vadd.f32 v3, v2;
	v3 =	vadd.f32 v4, v6  }
0x47d: {  	v48 =	vld [tilespmem:s14+$0x80];
	[tilespmem:s5+$0xFFFFFE80] =	vst v7  }
0x47e: {  	v7 =	vld [tilespmem:s14+$0xFFFFFE90];
	[tilespmem:s5+$0xFFFFFF00] =	vst v3  }
0x47f: {  	[tilespmem:s5+$0x0] =	vst v5;
	v1 =	vadd.f32 v1, v9;
	v5 =	vld.idx.msk [tilespmem:v0+s16+$0xFFFFFED0 ss:$0x1], $0xffff  }
0x480: {  	v49 =	vld [tilespmem:s14+$0xFFFFFF10]  }
0x481: {  	[tilespmem:s5+$0x110] =	vst v1;
	v1 =	vld [tilespmem:s14+$0x180]  }
0x482: {  	v4 =	vld.idx.msk [tilespmem:v0+s16+$0xFFFFFFE0 ss:$0x1], $0xffff  }
0x483: {  	[tilespmem:s5+$0xFFFFFE00] =	vst v2;
	v2 =	vld [tilespmem:s14+$0x120]  }
0x484: {  	v3 =	vld.idx.msk [tilespmem:v0+s16+$0xFFFFFE50 ss:$0x1], $0xffff;
	v9 =	vadd.f32 v11, v48;
	s21 =	sld [smem:$0x7F9]  }
0x485: {  	v8 =	vld [tilespmem:s14+$0xFFFFFE10]  }
0x486: {  	v6 =	vld.idx.msk [tilespmem:v0+s16+$0xFFFFFF50 ss:$0x1], $0xffff;
	[tilespmem:s5+$0x80] =	vst v9;
	v5 =	vadd.f32 v5, v49  }
0x487: {  	v54 =	vld [tilespmem:s14+$0x90];
	s4 =	sadd.s32 s21, s2  }
0x488: {  	v1 =	vadd.f32 v12, v1;
	s6 =	sadd.s32 $0xFFFFFF80, s4;
	[tilespmem:s5+$0xFFFFFF10] =	vst v5;
	v2 =	vadd.f32 v4, v2;
	v4 =	vld [tilespmem:s14+$0x10]  }
0x489: {  	s1 =	sor.u32 $0x50, s6;
	v55 =	vld [tilespmem:s14+$0xFFFFFF20]  }
0x48a: {  	[tilespmem:s5+$0x180] =	vst v1;
	v1 =	vadd.f32 v3, v8;
	v3 =	vld [tilespmem:s1+$0x0]  }
0x48b: {  	[tilespmem:s5+$0x120] =	vst v2;
	v8 =	vld [tilespmem:s14+$0x190]  }
0x48c: {  	s8 =	sadd.s32 $0xFFFFFE80, s4;
	v2 =	vadd.f32 v10, v14;
	v50 =	vld.idx.msk [tilespmem:v0+s16+$0xFFFFFFF0 ss:$0x1], $0xffff  }
0x48d: {  	s23 =	sor.u32 $0x50, s8;
	v51 =	vld [tilespmem:s14+$0x130];
	[tilespmem:s5+$0xFFFFFE10] =	vst v1  }
0x48e: {  	[tilespmem:s5+$0xFFFFFF80] =	vst v2;
	v2 =	vld [tilespmem:s23+$0x0]  }
0x48f: {  	s12 =	sadd.s32 $0xFFFFFF00, s4;
	v5 =	vld.idx.msk [tilespmem:v0+s16+$0xFFFFFE60 ss:$0x1], $0xffff  }
0x490: {  	s26 =	sor.u32 $0x50, s12;
	v52 =	vld [tilespmem:s14+$0xFFFFFF90];
	v1 =	vadd.f32 v6, v4  }
0x491: {  	v53 =	vld [tilespmem:s26+$0x0]  }
0x492: {  	s18 =	sor.u32 $0x50, s4;
	[tilespmem:s5+$0x10] =	vst v1;
	v1 =	vld.idx.msk [tilespmem:v0+s16+$0xFFFFFEE0 ss:$0x1], $0xffff  }
0x493: {  	v4 =	vld [tilespmem:s18+$0x0]  }
0x494: {  	v6 =	vld.idx.msk [tilespmem:v0+s16+$0xFFFFFF60 ss:$0x1], $0xffff;
	v2 =	vadd.f32 v2, v7  }
0x495: {  	v56 =	vld [tilespmem:s14+$0x20]  }
0x496: {  	v7 =	vld [tilespmem:s14+$0xFFFFFE20];
	[tilespmem:s5+$0xFFFFFE90] =	vst v2;
	v2 =	vadd.f32 v53, v52  }
0x497: {  	s19 =	sor.u32 $0x60, s8;
	v57 =	vld [tilespmem:s14+$0xFFFFFEA0];
	v1 =	vadd.f32 v1, v55  }
0x498: {  	[tilespmem:s5+$0xFFFFFF90] =	vst v2;
	v2 =	vadd.f32 v3, v54;
	v3 =	vld [tilespmem:s19+$0x0]  }
0x499: {  	s20 =	sor.u32 $0x60, s12;
	v58 =	vld [tilespmem:s14+$0xFFFFFFA0];
	[tilespmem:s5+$0xFFFFFF20] =	vst v1  }
0x49a: {  	[tilespmem:s5+$0x90] =	vst v2;
	v2 =	vadd.f32 v4, v8;
	v4 =	vld [tilespmem:s20+$0x0]  }
0x49b: {  	v61 =	vld [tilespmem:s14+$0xFFFFFF30]  }
0x49c: {  	s22 =	sor.u32 $0x60, s6;
	v8 =	vld [tilespmem:s14+$0xA0]  }
0x49d: {  	[tilespmem:s5+$0x190] =	vst v2;
	v2 =	vadd.f32 v5, v7;
	v5 =	vld [tilespmem:s22+$0x0]  }
0x49e: {  	s23 =	sor.u32 $0x60, s4;
	v7 =	vld [tilespmem:s14+$0x1A0]  }
0x49f: {  	[tilespmem:s5+$0xFFFFFE20] =	vst v2;
	v2 =	vadd.f32 v6, v56;
	v6 =	vld [tilespmem:s23+$0x0]  }
0x4a0: {  	v59 =	vld.idx.msk [tilespmem:v0+s16+$0xFFFFFE70 ss:$0x1], $0xffff  }
0x4a1: {  	v1 =	vadd.f32 v3, v57;
	v3 =	vld [tilespmem:s14+$0xFFFFFE30]  }
0x4a2: {  	[tilespmem:s5+$0x20] =	vst v2;
	v2 =	vld.idx.msk [tilespmem:v0+s16+$0xFFFFFEF0 ss:$0x1], $0xffff  }
0x4a3: {  	v10 =	vadd.f32 v50, v51;
	v60 =	vld.idx.msk [tilespmem:v0+s16+$0xFFFFFF70 ss:$0x1], $0xffff  }
0x4a4: {  	[tilespmem:s5+$0xFFFFFEA0] =	vst v1;
	v1 =	vadd.f32 v4, v58;
	v4 =	vld [tilespmem:s14+$0x30]  }
0x4a5: {  	s8 =	sor.u32 $0x70, s8;
	[tilespmem:s5+$0x130] =	vst v10;
	v62 =	vld [tilespmem:s14+$0xFFFFFEB0];
	v5 =	vadd.f32 v5, v8  }
0x4a6: {  	[tilespmem:s5+$0xFFFFFFA0] =	vst v1;
	v8 =	vld [tilespmem:s8+$0x0];
	v6 =	vadd.f32 v6, v7  }
0x4a7: {  	s26 =	sor.u32 $0x70, s12;
	v1 =	vld [tilespmem:s14+$0xFFFFFFB0];
	[tilespmem:s5+$0xA0] =	vst v5;
	v5 =	vadd.f32 v59, v3  }
0x4a8: {  	v3 =	vld [tilespmem:s26+$0x0];
	[tilespmem:s5+$0x1A0] =	vst v6;
	v6 =	vadd.f32 v2, v61  }
0x4a9: {  	s6 =	sor.u32 $0x70, s6;
	v2 =	vld [tilespmem:s14+$0xB0];
	[tilespmem:s5+$0xFFFFFE30] =	vst v5;
	v63 =	vadd.f32 v60, v4  }
0x4aa: {  	v5 =	vld [tilespmem:s6+$0x0];
	[tilespmem:s5+$0xFFFFFF30] =	vst v6  }
0x4ab: {  	s4 =	sor.u32 $0x70, s4;
	s8 =	smov.u32 s21;
	v4 =	vld [tilespmem:s14+$0x1B0];
	v7 =	vadd.f32 v8, v62;
	[tilespmem:s5+$0x30] =	vst v63  }
0x4ac: {  	s6 =	simm.s32 $0x0;
	v6 =	vld [tilespmem:s4+$0x0];
	s4 =	sadd.s32 $0x200, s16;
	s23 =	rddreg [dreg:$0x1e]  }
.LBB2_17:
0x4ad: {  	v8 =	vld.idx.msk [tilespmem:v0+s4+$0xFFFFFFC0 ss:$0x1], $0xffff;
	s6 =	sadd.s32 $0x8, s6;
	[tilespmem:s5+$0xFFFFFEB0] =	vst v7;
	v1 =	vadd.f32 v3, v1;
	s14 =	sadd.s32 $0x400, s14  }
0x4ae: {  	v3 =	vld [tilespmem:s14+$0x100];
	p0 =	slt.u32 s6, $0x78  }
0x4af: {  	v7 =	vld.idx.msk [tilespmem:v0+s4+$0xFFFFFE40 ss:$0x1], $0xffff;
	[tilespmem:s5+$0xFFFFFFB0] =	vst v1;
	v1 =	vadd.f32 v5, v2  }
0x4b0: {  	v2 =	vld.idx.msk [tilespmem:v0+s4+$0xFFFFFEC0 ss:$0x1], $0xffff  }
0x4b1: {  	v5 =	vld.idx.msk [tilespmem:v0+s4+$0xFFFFFF40 ss:$0x1], $0xffff;
	[tilespmem:s5+$0xB0] =	vst v1;
	v1 =	vadd.f32 v6, v4  }
0x4b2: {  	v4 =	vld [tilespmem:s14+$0xFFFFFF00]  }
0x4b3: {  	v6 =	vld [tilespmem:s14+$0x0];
	v3 =	vadd.f32 v8, v3;
	[tilespmem:s5+$0x1B0] =	vst v1  }
0x4b4: {  	s5 =	sadd.s32 $0x400, s5;
	v1 =	vld [tilespmem:s14+$0xFFFFFE00]  }
0x4b5: {  	v8 =	vld.idx.msk [tilespmem:v0+s4+$0xFFFFFE80 ss:$0x1], $0xffff;
	[tilespmem:s5+$0x100] =	vst v3  }
0x4b6: {  	v3 =	vld.idx.msk [tilespmem:v0+s4+$0xFFFFFFD0 ss:$0x1], $0xffff  }
0x4b7: {  	v2 =	vadd.f32 v2, v4;
	v4 =	vld [tilespmem:s14+$0x110]  }
0x4b8: {  	v9 =	vld.idx.msk [tilespmem:v0+s4+$0xFFFFFF00 ss:$0x1], $0xffff;
	v5 =	vadd.f32 v5, v6  }
0x4b9: {  	v1 =	vadd.f32 v7, v1;
	[tilespmem:s5+$0xFFFFFF00] =	vst v2;
	v2 =	vld.idx.msk [tilespmem:v0+s4+$0xFFFFFF80 ss:$0x1], $0xffff  }
0x4ba: {  	[tilespmem:s5+$0x0] =	vst v5;
	v5 =	vld.idx.msk [tilespmem:v0+s4+$0x0 ss:$0x1], $0xffff  }
0x4bb: {  	[tilespmem:s5+$0xFFFFFE00] =	vst v1;
	v1 =	vld [tilespmem:s14+$0xFFFFFE80]  }
0x4bc: {  	v6 =	vld [tilespmem:s14+$0xFFFFFF80];
	v3 =	vadd.f32 v3, v4  }
0x4bd: {  	v4 =	vld [tilespmem:s14+$0x80]  }
0x4be: {  	[tilespmem:s5+$0x110] =	vst v3;
	v3 =	vld [tilespmem:s14+$0x180]  }
0x4bf: {  	v7 =	vld.idx.msk [tilespmem:v0+s4+$0xFFFFFFE0 ss:$0x1], $0xffff  }
0x4c0: {  	v1 =	vadd.f32 v8, v1;
	v8 =	vld [tilespmem:s14+$0x120]  }
0x4c1: {  	v10 =	vld.idx.msk [tilespmem:v0+s4+$0xFFFFFE50 ss:$0x1], $0xffff;
	v6 =	vadd.f32 v9, v6  }
0x4c2: {  	[tilespmem:s5+$0xFFFFFE80] =	vst v1;
	v1 =	vld.idx.msk [tilespmem:v0+s4+$0xFFFFFED0 ss:$0x1], $0xffff;
	v2 =	vadd.f32 v2, v4  }
0x4c3: {  	[tilespmem:s5+$0xFFFFFF80] =	vst v6;
	v4 =	vld.idx.msk [tilespmem:v0+s4+$0xFFFFFF50 ss:$0x1], $0xffff;
	v3 =	vadd.f32 v5, v3  }
0x4c4: {  	v5 =	vld [tilespmem:s14+$0xFFFFFE10];
	[tilespmem:s5+$0x80] =	vst v2  }
0x4c5: {  	v2 =	vld [tilespmem:s14+$0xFFFFFF10];
	v6 =	vadd.f32 v7, v8;
	[tilespmem:s5+$0x180] =	vst v3  }
0x4c6: {  	s8 =	sadd.s32 $0x200, s8;
	v3 =	vld [tilespmem:s14+$0x10]  }
0x4c7: {  	s12 =	sadd.s32 s8, s2;
	v7 =	vld [tilespmem:s14+$0xFFFFFE90];
	[tilespmem:s5+$0x120] =	vst v6  }
0x4c8: {  	s17 =	sadd.s32 $0xFFFFFE80, s12;
	v6 =	vld.idx.msk [tilespmem:v0+s4+$0xFFFFFFF0 ss:$0x1], $0xffff  }
0x4c9: {  	s18 =	sor.u32 $0x50, s17;
	v5 =	vadd.f32 v10, v5;
	v8 =	vld [tilespmem:s14+$0x130]  }
0x4ca: {  	v9 =	vld [tilespmem:s18+$0x0];
	v1 =	vadd.f32 v1, v2;
	s18 =	sadd.s32 $0xFFFFFF00, s12  }
0x4cb: {  	[tilespmem:s5+$0xFFFFFE10] =	vst v5;
	v2 =	vld [tilespmem:s14+$0xFFFFFF90];
	s19 =	sor.u32 $0x50, s18;
	v3 =	vadd.f32 v4, v3  }
0x4cc: {  	[tilespmem:s5+$0xFFFFFF10] =	vst v1;
	v1 =	vld [tilespmem:s19+$0x0];
	s19 =	sadd.s32 $0xFFFFFF80, s12  }
0x4cd: {  	[tilespmem:s5+$0x10] =	vst v3;
	v3 =	vld [tilespmem:s14+$0x90];
	s20 =	sor.u32 $0x50, s19  }
0x4ce: {  	v4 =	vld [tilespmem:s20+$0x0];
	v5 =	vadd.f32 v6, v8  }
0x4cf: {  	s20 =	sor.u32 $0x50, s12;
	v6 =	vadd.f32 v9, v7;
	v7 =	vld [tilespmem:s14+$0x190]  }
0x4d0: {  	[tilespmem:s5+$0x130] =	vst v5;
	v5 =	vld [tilespmem:s20+$0x0]  }
0x4d1: {  	v8 =	vld.idx.msk [tilespmem:v0+s4+$0xFFFFFE60 ss:$0x1], $0xffff;
	[tilespmem:s5+$0xFFFFFE90] =	vst v6;
	v1 =	vadd.f32 v1, v2  }
0x4d2: {  	v2 =	vld.idx.msk [tilespmem:v0+s4+$0xFFFFFEE0 ss:$0x1], $0xffff  }
0x4d3: {  	[tilespmem:s5+$0xFFFFFF90] =	vst v1;
	v1 =	vld.idx.msk [tilespmem:v0+s4+$0xFFFFFF60 ss:$0x1], $0xffff;
	v3 =	vadd.f32 v4, v3  }
0x4d4: {  	v4 =	vld [tilespmem:s14+$0xFFFFFE20]  }
0x4d5: {  	v6 =	vld [tilespmem:s14+$0xFFFFFF20];
	[tilespmem:s5+$0x90] =	vst v3;
	v3 =	vadd.f32 v5, v7  }
0x4d6: {  	v5 =	vld [tilespmem:s14+$0x20]  }
0x4d7: {  	s20 =	sor.u32 $0x60, s17;
	v7 =	vld [tilespmem:s14+$0xFFFFFEA0];
	[tilespmem:s5+$0x190] =	vst v3  }
0x4d8: {  	v3 =	vld [tilespmem:s20+$0x0]  }
0x4d9: {  	s20 =	sor.u32 $0x60, s18;
	v4 =	vadd.f32 v8, v4;
	v8 =	vld [tilespmem:s14+$0xFFFFFFA0]  }
0x4da: {  	v2 =	vadd.f32 v2, v6;
	v6 =	vld [tilespmem:s20+$0x0]  }
0x4db: {  	s20 =	sor.u32 $0x60, s19;
	[tilespmem:s5+$0xFFFFFE20] =	vst v4;
	v1 =	vadd.f32 v1, v5;
	v4 =	vld [tilespmem:s14+$0xA0]  }
0x4dc: {  	[tilespmem:s5+$0xFFFFFF20] =	vst v2;
	v2 =	vld [tilespmem:s20+$0x0]  }
0x4dd: {  	s20 =	sor.u32 $0x60, s12;
	v3 =	vadd.f32 v3, v7;
	[tilespmem:s5+$0x20] =	vst v1;
	v1 =	vld [tilespmem:s14+$0x1A0]  }
0x4de: {  	v5 =	vld [tilespmem:s20+$0x0]  }
0x4df: {  	v7 =	vld.idx.msk [tilespmem:v0+s4+$0xFFFFFE70 ss:$0x1], $0xffff;
	[tilespmem:s5+$0xFFFFFEA0] =	vst v3;
	v3 =	vadd.f32 v6, v8  }
0x4e0: {  	v6 =	vld.idx.msk [tilespmem:v0+s4+$0xFFFFFEF0 ss:$0x1], $0xffff  }
0x4e1: {  	[tilespmem:s5+$0xFFFFFFA0] =	vst v3;
	v8 =	vld.idx.msk [tilespmem:v0+s4+$0xFFFFFF70 ss:$0x1], $0xffff;
	v2 =	vadd.f32 v2, v4  }
0x4e2: {  	v3 =	vld [tilespmem:s14+$0xFFFFFE30]  }
0x4e3: {  	v4 =	vld [tilespmem:s14+$0xFFFFFF30];
	[tilespmem:s5+$0xA0] =	vst v2;
	v1 =	vadd.f32 v5, v1  }
0x4e4: {  	v2 =	vld [tilespmem:s14+$0x30]  }
0x4e5: {  	s17 =	sor.u32 $0x70, s17;
	v9 =	vld [tilespmem:s14+$0xFFFFFEB0];
	[tilespmem:s5+$0x1A0] =	vst v1  }
0x4e6: {  	v10 =	vld [tilespmem:s17+$0x0]  }
0x4e7: {  	s17 =	sor.u32 $0x70, s18;
	v5 =	vadd.f32 v7, v3;
	v1 =	vld [tilespmem:s14+$0xFFFFFFB0]  }
.Ltmp7:
0x4e8: {  	v4 =	vadd.f32 v6, v4;
	v3 =	vld [tilespmem:s17+$0x0];
	(pc) =	sbr.rel @p0 .LBB2_17-.Ltmp7, $4  }
0x4e9: {  	s17 =	sor.u32 $0x70, s19;
	[tilespmem:s5+$0xFFFFFE30] =	vst v5;
	v6 =	vadd.f32 v8, v2;
	v2 =	vld [tilespmem:s14+$0xB0]  }
0x4ea: {  	[tilespmem:s5+$0xFFFFFF30] =	vst v4;
	v5 =	vld [tilespmem:s17+$0x0]  }
0x4eb: {  	s12 =	sor.u32 $0x70, s12;
	v7 =	vadd.f32 v10, v9;
	[tilespmem:s5+$0x30] =	vst v6;
	v4 =	vld [tilespmem:s14+$0x1B0]  }
0x4ec: {  	s4 =	sadd.s32 $0x200, s4;
	v6 =	vld [tilespmem:s12+$0x0]  }
0x4ed: {  	_ =	sdelay $0x1  }
0x4ee: {  	v0 =	vadd.f32 v3, v1  }
0x4ef: {  	[tilespmem:s5+$0xFFFFFEB0] =	vst v7;
	s2 =	sadd.s32 s24, s10;
	v62 =	vadd.f32 v5, v2  }
0x4f0: {  	s2 =	sshll.u32 s2, $0xB;
	[tilespmem:s5+$0xFFFFFFB0] =	vst v0;
	v63 =	vadd.f32 v6, v4  }
0x4f1: {  	s2 =	sand.u32 $0x1FFFF800, s2;
	[tilespmem:s5+$0xB0] =	vst v62  }
0x4f2: {  	s1 =	simm.s32 $0x1A800;
	s2 =	sadd.s32 s29, s2;
	[tilespmem:s5+$0x1B0] =	vst v63  }
0x4f3: {  	[hbm4b:s2+s28] =	stream.linear.scatter [tilespmem:s1], [sflag:$0xE], $0x4000, $0x38;
	[tilespmem:$0x1E800] =	vst v63  }
0x4f4: {  	s4 =	sld [smem:$0x7FB]  }
0x4f5: {  	s6 =	sld [smem:$0x7EF]  }
0x4f6: {  	s20 =	rddreg [dreg:$0x18]  }
0x4f7: {  	s10 =	sld [smem:$0x7FD]  }
0x4f8: {  	s12 =	rddreg [dreg:$0x19]  }
0x4f9: {  	s19 =	rddreg [dreg:$0x1a]  }
0x4fa: {  	s14 =	rddreg [dreg:$0x1b]  }
0x4fb: {  	s22 =	rddreg [dreg:$0x1c]  }
0x4fc: {  	s11 =	sadd.s32 $0x10000, s11;
	s13 =	sadd.s32 $0x10000, s13;
	s17 =	rddreg [dreg:$0x1d]  }
0x4fd: {  	s15 =	sadd.s32 $0x10000, s15;
	s9 =	sadd.s32 $0x10000, s9;
	s18 =	rddreg [dreg:$0x1f]  }
0x4fe: {  	s23 =	sadd.s32 $0x400, s23;
	s7 =	sadd.s32 $0x10000, s7;
	s24 =	sld [smem:$0x7FC]  }
0x4ff: {  	s0 =	sadd.s32 $0x10000, s0;
	s26 =	sld [smem:$0x7F0];
	s1 =	sadd.s32 $0x400, s10  }
0x500: {  	s3 =	sadd.s32 $0x10000, s3;
	[smem:$0x7FD] =	sst s1;
	s1 =	sadd.s32 $0x10000, s12  }
0x501: {  	s31 =	sadd.s32 $0x10000, s31;
	[dreg:$0x19] =	wrdreg s1;
	s1 =	sadd.s32 $0x10000, s14  }
0x502: {  	s16 =	sadd.s32 $0x10000, s16;
	s4 =	sadd.s32 $0x1, s4;
	[dreg:$0x1b] =	wrdreg s1  }
0x503: {  	p0 =	sne.s32 s4, $0x19;
	s1 =	sadd.s32 $0x10000, s17;
	s17 =	sld [smem:$0x7F2]  }
.Ltmp8:
0x504: {  	s21 =	sadd.s32 $0x10000, s21;
	[dreg:$0x1d] =	wrdreg s1;
	(pc) =	sbr.rel @p0 .LBB2_2-.Ltmp8, $4  }
0x505: {  	s20 =	sadd.s32 $0x10000, s20;
	s1 =	sadd.s32 $0x10000, s18;
	s18 =	sld [smem:$0x7F3]  }
0x506: {  	s19 =	sadd.s32 $0x400, s19;
	s22 =	sadd.s32 $0x400, s22;
	s6 =	sadd.s32 $0x400, s6  }
0x507: {  	s10 =	sadd.s32 $0x400, s26;
	[dreg:$0x1f] =	wrdreg s1;
	s1 =	sadd.s32 $0x10000, s24  }
0x508: {  	[smem:$0x7FC] =	sst s1;
	s17 =	sadd.s32 $0x400, s17;
	s18 =	sadd.s32 $0x400, s18  }
0x509: {  	s0 =	simm.s32 $0xD  }
0x50a: {  	_ =	swait.ge [sflag:s0], $0x4000  }
0x50b: {  	[sflag:s0] =	ssyncset.done $0x0  }
0x50c: {  	s1 =	simm.s32 $0xE;
	[sflag:s0] =	ssyncadd.s32 $0xFFFFC000  }
0x50d: {  	_ =	swait.ge [sflag:s1], $0x4000  }
0x50e: {  	s2 =	rddreg [dreg:$0x17]  }
0x50f: {  	s31 =	rddreg [dreg:$0x16];
	s2 =	sadd.s32 $0x1, s2  }
0x510: {  	p0 =	sne.s32 s2, s31  }
.Ltmp9:
0x511: {  	_ = 	snop;
	(pc) =	sbr.rel @p0 .LBB2_1-.Ltmp9, $3  }
0x512: {  	_ =	sdelay $0x1  }
0x513: {  	[sflag:s1] =	ssyncset.done $0x0  }
0x514: {  	[sflag:s1] =	ssyncadd.s32 $0xFFFFC000  }
0x515: {  	_ =	sfence.sel $0x180000  }
0x516: {  	[bflag:$0x0] =	sbarrier.arrive $0xFFFF  }
0x517: {  	_ =	strace $0x90000047  }
0x518: {  	s0 =	stileid.u32;
	[bflag:$0x2] =	sbarrier.arrive $0xFFFF  }
0x519: {  	p0 =	sne.s32 s0, $0x0;
	s0 =	rddreg [dreg:$0x4]  }
0x51a: {  	s0 =	sadd.s32 @!p0 $0x100000, s0  }
0x51b: {  	[sflag:s0] =	ssyncadd.tile.s32 @!p0 $0x1;
	_ =	shalt  }
.Lfunc_end2:
_tile_overlayer_lowered:
.L_overlay_start_2:
0x51c: {  	(tag) =	ssettag $0x2  }
0x51d: {  	s0 =	rddreg [dreg:$0x0];
	s2 =	stileid.u32  }
0x51e: {  	s1 =	rddreg [dreg:$0x1];
	p0 =	sne.s32 s2, $0x0  }
0x51f: {  	s3 =	rddreg [dreg:$0x2];
	[bflag:$0x3] =	sbarrier.arrive $0xFFFF;
	s2 =	simm.s32 @!p0 $0x1C0F  }
0x520: {  	[timem:s3], [sflag:s2] =	dma.local @!p0 [hbm:s0], s1  }
0x521: {  	s0 =	simm.s32 @!p0 $0xF  }
0x522: {  	_ =	swait.ge @!p0 [sflag:s0], s1  }
0x523: {  	s1 =	ssub.s32 @!p0 $0x0, s1;
	[sflag:s0] =	ssyncset.done @!p0 $0x0  }
0x524: {  	[sflag:s0] =	ssyncadd.s32 @!p0 s1  }
0x525: {  	[bflag:$0x3] =	sbarrier.arrive $0xFFFF  }
0x526: {  	_ =	shalt  }

</sc_bundles>
